<compile_context>
chip_gen: v7x
topology: tpu7x:2x2x1
jax: 0.10.2.dev20260603
libtpu: 0.0.44.dev20260713+nightly
codegen_flags: <defaults>
</compile_context>

<pallas_src>
import functools

import jax
import jax.numpy as jnp
from jax import lax
from jax.experimental import pallas as pl
from jax.experimental.pallas import tpu as pltpu
from jax.experimental.pallas import tpu_sc as plsc

N = 10000
E = 320000
D = 128

NC = 2
NS = 16
NW = NC * NS

NP = 10240
CHUNK = 128
CPT = 80
EPT = CPT * CHUNK
E_PAD = NW * EPT
H = 40
CPT_C0 = 80
CPT_C1 = 80

_MESH = plsc.VectorSubcoreMesh(core_axis_name="c", subcore_axis_name="s")



@functools.partial(
    pl.kernel,
    out_type=jax.ShapeDtypeStruct((NC * NP,), jnp.float32),
    mesh=_MESH,
    scratch_types=[
        pltpu.VMEM((CPT, CHUNK), jnp.int32),
        pltpu.VMEM((CHUNK,), jnp.float32),
        pltpu.VMEM_SHARED((NP,), jnp.float32),
    ],
)
def _sc_degree(dst_hbm, zeros_np_hbm, ones_hbm, out_hbm, didx_v, ones_v, acc):
    cid = lax.axis_index("c")
    sid = lax.axis_index("s")
    wid = cid * NS + sid

    @pl.when(sid == 0)
    def _():
        pltpu.sync_copy(zeros_np_hbm, acc)

    pltpu.sync_copy(dst_hbm.at[pl.ds(wid * CPT, CPT)], didx_v)
    pltpu.sync_copy(ones_hbm, ones_v)
    plsc.subcore_barrier()

    def body(t, _):
        pltpu.sync_copy(ones_v, acc.at[didx_v.at[t]], add=True)
        return ()

    lax.fori_loop(0, CPT, body, (), unroll=False)
    plsc.subcore_barrier()

    @pl.when(sid == 0)
    def _():
        pltpu.sync_copy(acc, out_hbm.at[pl.ds(cid * NP, NP)])


@functools.partial(
    pl.kernel,
    out_type=jax.ShapeDtypeStruct((NC * NP, D), jnp.float32),
    mesh=_MESH,
    scratch_types=[
        pltpu.VMEM((H, CHUNK), jnp.int32),
        pltpu.VMEM((H, CHUNK), jnp.int32),
        pltpu.VMEM((CHUNK, D), jnp.float32),
        pltpu.VMEM((CHUNK, D), jnp.float32),
        pltpu.VMEM_SHARED((NP, D), jnp.float32),
        pltpu.SemaphoreType.DMA,
        pltpu.SemaphoreType.DMA,
        pltpu.SemaphoreType.DMA,
    ],
)
def _sc_aggregate(g_hbm, src_hbm, dst_hbm, zeros_hbm, out_hbm,
                  sidx_v, didx_v, rows0_v, rows1_v, acc, sem0, sem1, semz):
    cid = lax.axis_index("c")
    sid = lax.axis_index("s")
    rows_per_tile = NP // NS
    zero_dst = acc.at[pl.ds(sid * rows_per_tile, rows_per_tile)]

    pltpu.async_copy(zeros_hbm, zero_dst, semz)

    bufs = (rows0_v, rows1_v)
    sems = (sem0, sem1)

    def run(base, nchunks):
        for phase in range(nchunks // H):
            pltpu.sync_copy(src_hbm.at[pl.ds(base + phase * H, H)], sidx_v)
            pltpu.sync_copy(dst_hbm.at[pl.ds(base + phase * H, H)], didx_v)
            pltpu.async_copy(g_hbm.at[sidx_v.at[0]], rows0_v, sem0)
            pltpu.async_copy(g_hbm.at[sidx_v.at[1]], rows1_v, sem1)
            if phase == 0:
                pltpu.make_async_copy(zeros_hbm, zero_dst, semz).wait()
                plsc.subcore_barrier()

            def body(i, _):
                for b in range(2):
                    t = 2 * i + b
                    pltpu.make_async_copy(
                        g_hbm.at[sidx_v.at[t]], bufs[b], sems[b]).wait()
                    pltpu.sync_copy(bufs[b], acc.at[didx_v.at[t]], add=True)

                    @pl.when(t + 2 < H)
                    def _():
                        pltpu.async_copy(
                            g_hbm.at[sidx_v.at[t + 2]], bufs[b], sems[b])
                return ()

            lax.fori_loop(0, H // 2, body, (), unroll=False)

    @pl.when(cid == 0)
    def _():
        run(sid * (CPT_C0 + CPT_C1), CPT_C0)

    @pl.when(cid == 1)
    def _():
        run(sid * (CPT_C0 + CPT_C1) + CPT_C0, CPT_C1)

    plsc.subcore_barrier()

    pltpu.sync_copy(
        acc.at[pl.ds(sid * rows_per_tile, rows_per_tile)],
        out_hbm.at[pl.ds(cid * NP + sid * rows_per_tile, rows_per_tile)],
    )



BLK = 512


def _dinv(d0, d1):
    return lax.rsqrt(d0 + d1 + 1.0)


def _tc_lin_body(x_ref, w_ref, d0_ref, d1_ref, o_ref):
    dinv = _dinv(d0_ref[...], d1_ref[...])
    o_ref[...] = dinv * jnp.dot(x_ref[...], w_ref[...],
                                preferred_element_type=jnp.float32)


def _tc_mid_body(p0_ref, p1_ref, g0_ref, d0_ref, d1_ref, b_ref, w_ref, o_ref):
    dinv = _dinv(d0_ref[...], d1_ref[...])
    h = dinv * (p0_ref[...] + p1_ref[...] + g0_ref[...]) + b_ref[...]
    h = jnp.maximum(h, 0.0)
    nrm = jnp.sqrt(jnp.sum(h * h, axis=1, keepdims=True))
    h = h / jnp.maximum(nrm, 1e-12)
    o_ref[...] = dinv * jnp.dot(h, w_ref[...],
                                preferred_element_type=jnp.float32)


def _tc_fin_body(q0_ref, q1_ref, g1_ref, d0_ref, d1_ref, b_ref, o_ref):
    dinv = _dinv(d0_ref[...], d1_ref[...])
    o_ref[...] = dinv * (q0_ref[...] + q1_ref[...] + g1_ref[...]) + b_ref[...]


def _row_spec():
    return pl.BlockSpec((BLK, D), lambda i: (i, 0))


def _col_spec():
    return pl.BlockSpec((BLK, 1), lambda i: (i, 0))


def _full_spec(shape):
    return pl.BlockSpec(shape, lambda i: (0,) * len(shape))


_GRID = (NP // BLK,)
_ROW_OUT = jax.ShapeDtypeStruct((NP, D), jnp.float32)


def _tc_lin(x, w, d0, d1):
    return pl.pallas_call(
        _tc_lin_body,
        grid=_GRID,
        in_specs=[_row_spec(), _full_spec((D, D)), _col_spec(), _col_spec()],
        out_specs=_row_spec(),
        out_shape=_ROW_OUT,
    )(x, w, d0, d1)


def _tc_mid(p0, p1, g0, d0, d1, b, w):
    return pl.pallas_call(
        _tc_mid_body,
        grid=_GRID,
        in_specs=[_row_spec(), _row_spec(), _row_spec(), _col_spec(),
                  _col_spec(), _full_spec((1, D)), _full_spec((D, D))],
        out_specs=_row_spec(),
        out_shape=_ROW_OUT,
    )(p0, p1, g0, d0, d1, b, w)


def _tc_fin(q0, q1, g1, d0, d1, b):
    return pl.pallas_call(
        _tc_fin_body,
        grid=_GRID,
        in_specs=[_row_spec(), _row_spec(), _row_spec(), _col_spec(),
                  _col_spec(), _full_spec((1, D))],
        out_specs=_row_spec(),
        out_shape=_ROW_OUT,
    )(q0, q1, g1, d0, d1, b)



@jax.jit
def kernel(x, edge_index, W0, b0, W1, b1):
    src = edge_index[0]
    dst = edge_index[1]
    npad = E_PAD - E
    pad_iota = jnp.arange(npad, dtype=jnp.int32)
    pad_dst = N + pad_iota % (NP - N)
    pad_src = pad_iota % N
    src_p = jnp.concatenate([src, pad_src])
    dst_p = jnp.concatenate([dst, pad_dst])
    src2d = src_p.reshape(NW * CPT, CHUNK)
    dst2d = dst_p.reshape(NW * CPT, CHUNK)

    x_pad = jnp.concatenate([x, jnp.zeros((NP - N, D), jnp.float32)])
    zeros_np = jnp.zeros((NP,), jnp.float32)
    ones_chunk = jnp.ones((CHUNK,), jnp.float32)
    zeros_rows = jnp.zeros((NP // NS, D), jnp.float32)

    deg2 = _sc_degree(dst2d, zeros_np, ones_chunk)
    d0 = deg2[:NP].reshape(NP, 1)
    d1 = deg2[NP:].reshape(NP, 1)

    b0_2d = b0.reshape(1, D)
    b1_2d = b1.reshape(1, D)

    g0 = _tc_lin(x_pad, W0, d0, d1)
    parts0 = _sc_aggregate(g0, src2d, dst2d, zeros_rows)
    g1 = _tc_mid(parts0[:NP], parts0[NP:], g0, d0, d1, b0_2d, W1)
    parts1 = _sc_aggregate(g1, src2d, dst2d, zeros_rows)
    out = _tc_fin(parts1[:NP], parts1[NP:], g1, d0, d1, b1_2d)
    return out[:N]

# --- scband reference (transcript-rebuilt; emitter-appended) ---
"""Pipeline reference for scband-gcn-54752243089878 (READ-ONLY COPY).

The authoritative reference and input builder live on the scoring server;
editing this copy changes nothing except your own understanding.
"""

import jax, jax.numpy as jnp
import numpy as np

N = 10000
E = 320000
D_IN = 128
D_HID = 128
D_OUT = 128


def _glorot(key, shape):
    fan_in, fan_out = shape[0], shape[1]
    std = float(np.sqrt(2.0 / (fan_in + fan_out)))
    return jax.random.normal(key, shape, dtype=jnp.float32) * std


def setup_inputs(seed: int = 0) -> dict:
    key = jax.random.key(seed)
    k1, k2, k3, k4 = jax.random.split(key, 4)
    x = jax.random.normal(k1, (N, D_IN), dtype=jnp.float32)
    edge_index = jax.random.randint(k2, (2, E), 0, N, dtype=jnp.int32)
    W0 = _glorot(k3, (D_IN, D_HID))
    b0 = jnp.zeros((D_HID,), dtype=jnp.float32)
    W1 = _glorot(k4, (D_HID, D_OUT))
    b1 = jnp.zeros((D_OUT,), dtype=jnp.float32)
    return {"x": x, "edge_index": edge_index, "W0": W0, "b0": b0, "W1": W1, "b1": b1}


def _gcn_conv(x, src, dst, W, b):
    # symmetric-normalized GCN convolution with self-loops (gnn_type='symmetric')
    n = x.shape[0]
    h = x @ W
    loop = jnp.arange(n, dtype=src.dtype)
    s = jnp.concatenate([src, loop])
    d = jnp.concatenate([dst, loop])
    deg = jnp.zeros((n,), dtype=h.dtype).at[d].add(1.0)
    dinv = jnp.where(deg > 0, jax.lax.rsqrt(deg), 0.0)
    norm = dinv[s] * dinv[d]
    out = jnp.zeros_like(h).at[d].add(h[s] * norm[:, None])
    return out + b


def _l2_normalize(x, eps=1e-12):
    nrm = jnp.sqrt(jnp.sum(x * x, axis=1, keepdims=True))
    return x / jnp.maximum(nrm, eps)


def reference(x, edge_index, W0, b0, W1, b1):
    src, dst = edge_index[0], edge_index[1]
    # layer 0: conv -> relu -> (dropout p=0 is identity) -> l2 normalize
    h = _gcn_conv(x, src, dst, W0, b0)
    h = jax.nn.relu(h)
    h = _l2_normalize(h)
    # final layer (cast to float32, already float32)
    out = _gcn_conv(h.astype(jnp.float32), src, dst, W1, b1)
    return out

if __name__ == "__main__":
    import jax
    _d = setup_inputs()
    print(jax.jit(kernel)(*tuple(_d.values())))

</pallas_src>

<mosaic_0001>
#map = affine_map<(d0, d1) -> (0, 0)>
#map1 = affine_map<(d0, d1) -> (0)>
module attributes {stable_mosaic.version = 14 : i64} {
  func.func @_sc_degree(%arg0: i32, %arg1: i32, %arg2: memref<2560x128xi32, #tpu.memory_space<hbm>>, %arg3: memref<10240xf32, #tpu.memory_space<hbm>>, %arg4: memref<128xf32, #tpu.memory_space<hbm>>, %arg5: memref<20480xf32, #tpu.memory_space<hbm>>, %arg6: memref<80x128xi32, #tpu.memory_space<vmem>>, %arg7: memref<128xf32, #tpu.memory_space<vmem>>, %arg8: memref<10240xf32, #tpu.memory_space<vmem_shared>>) attributes {dimension_semantics = [#tpu.dimension_semantics<core_parallel>, #tpu.dimension_semantics<subcore_parallel>], iteration_bounds = array<i64: 2, 16>, scalar_prefetch = 0 : i64, scratch_operands = 3 : i64, tpu.core_type = #tpu.core_type<sc_vector_subcore>, window_params = [{transform_indices = #map}, {transform_indices = #map1}, {transform_indices = #map1}, {transform_indices = #map1}]} {
    %mul3A = arith.constant 16 : i32
    %mul3A_0 = arith.muli %arg0, %mul3A : i32
    %add3A = arith.addi %mul3A_0, %arg1 : i32
    %eq3A = arith.constant 0 : i32
    %eq3A_1 = arith.cmpi eq, %arg1, %eq3A : i32
    %convert_element_type3A = arith.extui %eq3A_1 : i1 to i32
    %cond3A = arith.constant 0 : i32
    %cond3A_2 = arith.cmpi ne, %convert_element_type3A, %cond3A : i32
    scf.if %cond3A_2 {
      "tpu.region"() ({
        %run_scoped3A = tpu.sem_alloc : memref<!tpu.dma_semaphore, #tpu.memory_space<semaphore_mem>>
        tpu.enqueue_dma source(%arg3 : memref<10240xf32, #tpu.memory_space<hbm>>) target(%arg8 : memref<10240xf32, #tpu.memory_space<vmem_shared>>) target_semaphore(%run_scoped3A : memref<!tpu.dma_semaphore, #tpu.memory_space<semaphore_mem>>)
        tpu.wait_dma2 semaphore(%run_scoped3A : memref<!tpu.dma_semaphore, #tpu.memory_space<semaphore_mem>>) src(%arg3 : memref<10240xf32, #tpu.memory_space<hbm>>) dst(%arg8 : memref<10240xf32, #tpu.memory_space<vmem_shared>>)
        tpu.yield
      }) : () -> ()
    } else {
    }
    %mul3A_3 = arith.constant 80 : i32
    %mul3A_4 = arith.muli %add3A, %mul3A_3 : i32
    "tpu.region"() ({
      %run_scoped3A = tpu.sem_alloc : memref<!tpu.dma_semaphore, #tpu.memory_space<semaphore_mem>>
      %dma_start3A = arith.constant 0 : i32
      %dma_start3A_15 = tpu.memref_slice %arg2[%mul3A_4, %dma_start3A] : memref<2560x128xi32, #tpu.memory_space<hbm>> -> memref<80x128xi32, #tpu.memory_space<hbm>>
      %dma_start3A_16 = arith.constant 0 : i32
      %dma_start3A_17 = tpu.memref_slice %arg2[%mul3A_4, %dma_start3A_16] : memref<2560x128xi32, #tpu.memory_space<hbm>> -> memref<80x128xi32, #tpu.memory_space<hbm>>
      tpu.enqueue_dma source(%dma_start3A_17 : memref<80x128xi32, #tpu.memory_space<hbm>>) target(%arg6 : memref<80x128xi32, #tpu.memory_space<vmem>>) target_semaphore(%run_scoped3A : memref<!tpu.dma_semaphore, #tpu.memory_space<semaphore_mem>>)
      %dma_wait3A = arith.constant 0 : i32
      %dma_wait3A_18 = tpu.memref_slice %arg2[%mul3A_4, %dma_wait3A] : memref<2560x128xi32, #tpu.memory_space<hbm>> -> memref<80x128xi32, #tpu.memory_space<hbm>>
      %dma_wait3A_19 = arith.constant 0 : i32
      %dma_wait3A_20 = tpu.memref_slice %arg2[%mul3A_4, %dma_wait3A_19] : memref<2560x128xi32, #tpu.memory_space<hbm>> -> memref<80x128xi32, #tpu.memory_space<hbm>>
      tpu.wait_dma2 semaphore(%run_scoped3A : memref<!tpu.dma_semaphore, #tpu.memory_space<semaphore_mem>>) src(%dma_wait3A_20 : memref<80x128xi32, #tpu.memory_space<hbm>>) dst(%arg6 : memref<80x128xi32, #tpu.memory_space<vmem>>)
      tpu.yield
    }) : () -> ()
    "tpu.region"() ({
      %run_scoped3A = tpu.sem_alloc : memref<!tpu.dma_semaphore, #tpu.memory_space<semaphore_mem>>
      tpu.enqueue_dma source(%arg4 : memref<128xf32, #tpu.memory_space<hbm>>) target(%arg7 : memref<128xf32, #tpu.memory_space<vmem>>) target_semaphore(%run_scoped3A : memref<!tpu.dma_semaphore, #tpu.memory_space<semaphore_mem>>)
      tpu.wait_dma2 semaphore(%run_scoped3A : memref<!tpu.dma_semaphore, #tpu.memory_space<semaphore_mem>>) src(%arg4 : memref<128xf32, #tpu.memory_space<hbm>>) dst(%arg7 : memref<128xf32, #tpu.memory_space<vmem>>)
      tpu.yield
    }) : () -> ()
    %barrier3A = arith.constant 0 : index
    tpu.barrier barrier_id(%barrier3A)
    %scan3A = arith.constant 0 : i32
    %scan3A_5 = arith.constant 80 : i32
    %scan3A_6 = arith.addi %scan3A, %scan3A_5 : i32
    %scan3A_7 = arith.constant 1 : i32
    scf.for %scan3A_15 = %scan3A to %scan3A_6 step %scan3A_7  : i32 {
      "tpu.region"() ({
        %run_scoped3A = tpu.sem_alloc : memref<!tpu.dma_semaphore, #tpu.memory_space<semaphore_mem>>
        %dma_start3A = arith.constant 0 : i32
        %dma_start3A_16 = tpu.memref_slice %arg6[%scan3A_15, %dma_start3A] : memref<80x128xi32, #tpu.memory_space<vmem>> -> memref<1x128xi32, #tpu.memory_space<vmem>>
        %dma_start3A_17 = tpu.memref_squeeze %dma_start3A_16 : memref<1x128xi32, #tpu.memory_space<vmem>> -> memref<128xi32, #tpu.memory_space<vmem>>
        %dma_start3A_18 = arith.constant 0 : i32
        %dma_start3A_19 = tpu.memref_slice %arg8[%dma_start3A_18] : memref<10240xf32, #tpu.memory_space<vmem_shared>> -> memref<10240xf32, #tpu.memory_space<vmem_shared>>
        tpu.enqueue_indirect_dma source(%arg7 : memref<128xf32, #tpu.memory_space<vmem>>) target(%dma_start3A_19 : memref<10240xf32, #tpu.memory_space<vmem_shared>>) offsets(%dma_start3A_17 : memref<128xi32, #tpu.memory_space<vmem>>) semaphore(%run_scoped3A : memref<!tpu.dma_semaphore, #tpu.memory_space<semaphore_mem>>) {add = true}
        %dma_wait3A = arith.constant 0 : i32
        %dma_wait3A_20 = tpu.memref_slice %arg6[%scan3A_15, %dma_wait3A] : memref<80x128xi32, #tpu.memory_space<vmem>> -> memref<1x128xi32, #tpu.memory_space<vmem>>
        %dma_wait3A_21 = tpu.memref_squeeze %dma_wait3A_20 : memref<1x128xi32, #tpu.memory_space<vmem>> -> memref<128xi32, #tpu.memory_space<vmem>>
        %dma_wait3A_22 = arith.constant 0 : i32
        %dma_wait3A_23 = tpu.memref_slice %arg8[%dma_wait3A_22] : memref<10240xf32, #tpu.memory_space<vmem_shared>> -> memref<10240xf32, #tpu.memory_space<vmem_shared>>
        tpu.wait_indirect_dma semaphore(%run_scoped3A : memref<!tpu.dma_semaphore, #tpu.memory_space<semaphore_mem>>) src(%arg7 : memref<128xf32, #tpu.memory_space<vmem>>) dst(%dma_wait3A_23 : memref<10240xf32, #tpu.memory_space<vmem_shared>>)
        tpu.yield
      }) : () -> ()
    }
    %scan3A_8 = arith.constant 80 : i32
    %barrier3A_9 = arith.constant 0 : index
    tpu.barrier barrier_id(%barrier3A_9)
    %eq3A_10 = arith.constant 0 : i32
    %eq3A_11 = arith.cmpi eq, %arg1, %eq3A_10 : i32
    %convert_element_type3A_12 = arith.extui %eq3A_11 : i1 to i32
    %cond3A_13 = arith.constant 0 : i32
    %cond3A_14 = arith.cmpi ne, %convert_element_type3A_12, %cond3A_13 : i32
    scf.if %cond3A_14 {
      %mul3A_15 = arith.constant 10240 : i32
      %mul3A_16 = arith.muli %arg0, %mul3A_15 : i32
      "tpu.region"() ({
        %run_scoped3A = tpu.sem_alloc : memref<!tpu.dma_semaphore, #tpu.memory_space<semaphore_mem>>
        %dma_start3A = tpu.memref_slice %arg5[%mul3A_16] : memref<20480xf32, #tpu.memory_space<hbm>> -> memref<10240xf32, #tpu.memory_space<hbm>>
        tpu.enqueue_dma source(%arg8 : memref<10240xf32, #tpu.memory_space<vmem_shared>>) target(%dma_start3A : memref<10240xf32, #tpu.memory_space<hbm>>) target_semaphore(%run_scoped3A : memref<!tpu.dma_semaphore, #tpu.memory_space<semaphore_mem>>)
        %dma_wait3A = tpu.memref_slice %arg5[%mul3A_16] : memref<20480xf32, #tpu.memory_space<hbm>> -> memref<10240xf32, #tpu.memory_space<hbm>>
        tpu.wait_dma2 semaphore(%run_scoped3A : memref<!tpu.dma_semaphore, #tpu.memory_space<semaphore_mem>>) src(%arg8 : memref<10240xf32, #tpu.memory_space<vmem_shared>>) dst(%dma_wait3A : memref<10240xf32, #tpu.memory_space<hbm>>)
        tpu.yield
      }) : () -> ()
    } else {
    }
    return
  }
}

#map = affine_map<(d0, d1) -> (0, 0)>
module attributes {stable_mosaic.version = 14 : i64} {
  func.func @_sc_aggregate(%arg0: i32, %arg1: i32, %arg2: memref<10240x128xf32, #tpu.memory_space<hbm>>, %arg3: memref<2560x128xi32, #tpu.memory_space<hbm>>, %arg4: memref<2560x128xi32, #tpu.memory_space<hbm>>, %arg5: memref<640x128xf32, #tpu.memory_space<hbm>>, %arg6: memref<20480x128xf32, #tpu.memory_space<hbm>>, %arg7: memref<40x128xi32, #tpu.memory_space<vmem>>, %arg8: memref<40x128xi32, #tpu.memory_space<vmem>>, %arg9: memref<128x128xf32, #tpu.memory_space<vmem>>, %arg10: memref<128x128xf32, #tpu.memory_space<vmem>>, %arg11: memref<10240x128xf32, #tpu.memory_space<vmem_shared>>, %arg12: memref<!tpu.dma_semaphore, #tpu.memory_space<semaphore_mem>>, %arg13: memref<!tpu.dma_semaphore, #tpu.memory_space<semaphore_mem>>, %arg14: memref<!tpu.dma_semaphore, #tpu.memory_space<semaphore_mem>>) attributes {dimension_semantics = [#tpu.dimension_semantics<core_parallel>, #tpu.dimension_semantics<subcore_parallel>], iteration_bounds = array<i64: 2, 16>, scalar_prefetch = 0 : i64, scratch_operands = 8 : i64, tpu.core_type = #tpu.core_type<sc_vector_subcore>, window_params = [{transform_indices = #map}, {transform_indices = #map}, {transform_indices = #map}, {transform_indices = #map}, {transform_indices = #map}]} {
    %mul3A = arith.constant 640 : i32
    %mul3A_0 = arith.muli %arg1, %mul3A : i32
    %dma_start3A = arith.constant 0 : i32
    %dma_start3A_1 = tpu.memref_slice %arg11[%mul3A_0, %dma_start3A] : memref<10240x128xf32, #tpu.memory_space<vmem_shared>> -> memref<640x128xf32, #tpu.memory_space<vmem_shared>>
    tpu.enqueue_dma source(%arg5 : memref<640x128xf32, #tpu.memory_space<hbm>>) target(%dma_start3A_1 : memref<640x128xf32, #tpu.memory_space<vmem_shared>>) target_semaphore(%arg14 : memref<!tpu.dma_semaphore, #tpu.memory_space<semaphore_mem>>)
    %eq3A = arith.constant 0 : i32
    %eq3A_2 = arith.cmpi eq, %arg0, %eq3A : i32
    %convert_element_type3A = arith.extui %eq3A_2 : i1 to i32
    %cond3A = arith.constant 0 : i32
    %cond3A_3 = arith.cmpi ne, %convert_element_type3A, %cond3A : i32
    scf.if %cond3A_3 {
      %mul3A_15 = arith.constant 160 : i32
      %mul3A_16 = arith.muli %arg1, %mul3A_15 : i32
      %add3A_17 = arith.constant 0 : i32
      %add3A_18 = arith.addi %mul3A_16, %add3A_17 : i32
      "tpu.region"() ({
        %run_scoped3A = tpu.sem_alloc : memref<!tpu.dma_semaphore, #tpu.memory_space<semaphore_mem>>
        %dma_start3A_64 = arith.constant 0 : i32
        %dma_start3A_65 = tpu.memref_slice %arg3[%add3A_18, %dma_start3A_64] : memref<2560x128xi32, #tpu.memory_space<hbm>> -> memref<40x128xi32, #tpu.memory_space<hbm>>
        %dma_start3A_66 = arith.constant 0 : i32
        %dma_start3A_67 = tpu.memref_slice %arg3[%add3A_18, %dma_start3A_66] : memref<2560x128xi32, #tpu.memory_space<hbm>> -> memref<40x128xi32, #tpu.memory_space<hbm>>
        tpu.enqueue_dma source(%dma_start3A_67 : memref<40x128xi32, #tpu.memory_space<hbm>>) target(%arg7 : memref<40x128xi32, #tpu.memory_space<vmem>>) target_semaphore(%run_scoped3A : memref<!tpu.dma_semaphore, #tpu.memory_space<semaphore_mem>>)
        %dma_wait3A_68 = arith.constant 0 : i32
        %dma_wait3A_69 = tpu.memref_slice %arg3[%add3A_18, %dma_wait3A_68] : memref<2560x128xi32, #tpu.memory_space<hbm>> -> memref<40x128xi32, #tpu.memory_space<hbm>>
        %dma_wait3A_70 = arith.constant 0 : i32
        %dma_wait3A_71 = tpu.memref_slice %arg3[%add3A_18, %dma_wait3A_70] : memref<2560x128xi32, #tpu.memory_space<hbm>> -> memref<40x128xi32, #tpu.memory_space<hbm>>
        tpu.wait_dma2 semaphore(%run_scoped3A : memref<!tpu.dma_semaphore, #tpu.memory_space<semaphore_mem>>) src(%dma_wait3A_71 : memref<40x128xi32, #tpu.memory_space<hbm>>) dst(%arg7 : memref<40x128xi32, #tpu.memory_space<vmem>>)
        tpu.yield
      }) : () -> ()
      %add3A_19 = arith.constant 0 : i32
      %add3A_20 = arith.addi %mul3A_16, %add3A_19 : i32
      "tpu.region"() ({
        %run_scoped3A = tpu.sem_alloc : memref<!tpu.dma_semaphore, #tpu.memory_space<semaphore_mem>>
        %dma_start3A_64 = arith.constant 0 : i32
        %dma_start3A_65 = tpu.memref_slice %arg4[%add3A_20, %dma_start3A_64] : memref<2560x128xi32, #tpu.memory_space<hbm>> -> memref<40x128xi32, #tpu.memory_space<hbm>>
        %dma_start3A_66 = arith.constant 0 : i32
        %dma_start3A_67 = tpu.memref_slice %arg4[%add3A_20, %dma_start3A_66] : memref<2560x128xi32, #tpu.memory_space<hbm>> -> memref<40x128xi32, #tpu.memory_space<hbm>>
        tpu.enqueue_dma source(%dma_start3A_67 : memref<40x128xi32, #tpu.memory_space<hbm>>) target(%arg8 : memref<40x128xi32, #tpu.memory_space<vmem>>) target_semaphore(%run_scoped3A : memref<!tpu.dma_semaphore, #tpu.memory_space<semaphore_mem>>)
        %dma_wait3A_68 = arith.constant 0 : i32
        %dma_wait3A_69 = tpu.memref_slice %arg4[%add3A_20, %dma_wait3A_68] : memref<2560x128xi32, #tpu.memory_space<hbm>> -> memref<40x128xi32, #tpu.memory_space<hbm>>
        %dma_wait3A_70 = arith.constant 0 : i32
        %dma_wait3A_71 = tpu.memref_slice %arg4[%add3A_20, %dma_wait3A_70] : memref<2560x128xi32, #tpu.memory_space<hbm>> -> memref<40x128xi32, #tpu.memory_space<hbm>>
        tpu.wait_dma2 semaphore(%run_scoped3A : memref<!tpu.dma_semaphore, #tpu.memory_space<semaphore_mem>>) src(%dma_wait3A_71 : memref<40x128xi32, #tpu.memory_space<hbm>>) dst(%arg8 : memref<40x128xi32, #tpu.memory_space<vmem>>)
        tpu.yield
      }) : () -> ()
      %dma_start3A_21 = arith.constant 0 : i32
      %dma_start3A_22 = arith.constant 0 : i32
      %dma_start3A_23 = tpu.memref_slice %arg7[%dma_start3A_21, %dma_start3A_22] : memref<40x128xi32, #tpu.memory_space<vmem>> -> memref<1x128xi32, #tpu.memory_space<vmem>>
      %dma_start3A_24 = tpu.memref_squeeze %dma_start3A_23 : memref<1x128xi32, #tpu.memory_space<vmem>> -> memref<128xi32, #tpu.memory_space<vmem>>
      %dma_start3A_25 = arith.constant 0 : i32
      %dma_start3A_26 = arith.constant 0 : i32
      %dma_start3A_27 = tpu.memref_slice %arg2[%dma_start3A_25, %dma_start3A_26] : memref<10240x128xf32, #tpu.memory_space<hbm>> -> memref<10240x128xf32, #tpu.memory_space<hbm>>
      tpu.enqueue_indirect_dma source(%dma_start3A_27 : memref<10240x128xf32, #tpu.memory_space<hbm>>) target(%arg9 : memref<128x128xf32, #tpu.memory_space<vmem>>) offsets(%dma_start3A_24 : memref<128xi32, #tpu.memory_space<vmem>>) semaphore(%arg12 : memref<!tpu.dma_semaphore, #tpu.memory_space<semaphore_mem>>)
      %dma_start3A_28 = arith.constant 1 : i32
      %dma_start3A_29 = arith.constant 0 : i32
      %dma_start3A_30 = tpu.memref_slice %arg7[%dma_start3A_28, %dma_start3A_29] : memref<40x128xi32, #tpu.memory_space<vmem>> -> memref<1x128xi32, #tpu.memory_space<vmem>>
      %dma_start3A_31 = tpu.memref_squeeze %dma_start3A_30 : memref<1x128xi32, #tpu.memory_space<vmem>> -> memref<128xi32, #tpu.memory_space<vmem>>
      %dma_start3A_32 = arith.constant 0 : i32
      %dma_start3A_33 = arith.constant 0 : i32
      %dma_start3A_34 = tpu.memref_slice %arg2[%dma_start3A_32, %dma_start3A_33] : memref<10240x128xf32, #tpu.memory_space<hbm>> -> memref<10240x128xf32, #tpu.memory_space<hbm>>
      tpu.enqueue_indirect_dma source(%dma_start3A_34 : memref<10240x128xf32, #tpu.memory_space<hbm>>) target(%arg10 : memref<128x128xf32, #tpu.memory_space<vmem>>) offsets(%dma_start3A_31 : memref<128xi32, #tpu.memory_space<vmem>>) semaphore(%arg13 : memref<!tpu.dma_semaphore, #tpu.memory_space<semaphore_mem>>)
      %dma_wait3A = arith.constant 0 : i32
      %dma_wait3A_35 = tpu.memref_slice %arg11[%mul3A_0, %dma_wait3A] : memref<10240x128xf32, #tpu.memory_space<vmem_shared>> -> memref<640x128xf32, #tpu.memory_space<vmem_shared>>
      tpu.wait_dma2 semaphore(%arg14 : memref<!tpu.dma_semaphore, #tpu.memory_space<semaphore_mem>>) src(%arg5 : memref<640x128xf32, #tpu.memory_space<hbm>>) dst(%dma_wait3A_35 : memref<640x128xf32, #tpu.memory_space<vmem_shared>>)
      %barrier3A_36 = arith.constant 0 : index
      tpu.barrier barrier_id(%barrier3A_36)
      %scan3A = arith.constant 0 : i32
      %scan3A_37 = arith.constant 20 : i32
      %scan3A_38 = arith.addi %scan3A, %scan3A_37 : i32
      %scan3A_39 = arith.constant 1 : i32
      scf.for %scan3A_64 = %scan3A to %scan3A_38 step %scan3A_39  : i32 {
        %mul3A_65 = arith.constant 2 : i32
        %mul3A_66 = arith.muli %mul3A_65, %scan3A_64 : i32
        %add3A_67 = arith.constant 0 : i32
        %add3A_68 = arith.addi %mul3A_66, %add3A_67 : i32
        %dma_wait3A_69 = arith.constant 0 : i32
        %dma_wait3A_70 = tpu.memref_slice %arg7[%add3A_68, %dma_wait3A_69] : memref<40x128xi32, #tpu.memory_space<vmem>> -> memref<1x128xi32, #tpu.memory_space<vmem>>
        %dma_wait3A_71 = tpu.memref_squeeze %dma_wait3A_70 : memref<1x128xi32, #tpu.memory_space<vmem>> -> memref<128xi32, #tpu.memory_space<vmem>>
        %dma_wait3A_72 = arith.constant 0 : i32
        %dma_wait3A_73 = arith.constant 0 : i32
        %dma_wait3A_74 = tpu.memref_slice %arg2[%dma_wait3A_72, %dma_wait3A_73] : memref<10240x128xf32, #tpu.memory_space<hbm>> -> memref<10240x128xf32, #tpu.memory_space<hbm>>
        tpu.wait_indirect_dma semaphore(%arg12 : memref<!tpu.dma_semaphore, #tpu.memory_space<semaphore_mem>>) src(%dma_wait3A_74 : memref<10240x128xf32, #tpu.memory_space<hbm>>) dst(%arg9 : memref<128x128xf32, #tpu.memory_space<vmem>>)
        "tpu.region"() ({
          %run_scoped3A = tpu.sem_alloc : memref<!tpu.dma_semaphore, #tpu.memory_space<semaphore_mem>>
          %dma_start3A_98 = arith.constant 0 : i32
          %dma_start3A_99 = tpu.memref_slice %arg8[%add3A_68, %dma_start3A_98] : memref<40x128xi32, #tpu.memory_space<vmem>> -> memref<1x128xi32, #tpu.memory_space<vmem>>
          %dma_start3A_100 = tpu.memref_squeeze %dma_start3A_99 : memref<1x128xi32, #tpu.memory_space<vmem>> -> memref<128xi32, #tpu.memory_space<vmem>>
          %dma_start3A_101 = arith.constant 0 : i32
          %dma_start3A_102 = arith.constant 0 : i32
          %dma_start3A_103 = tpu.memref_slice %arg11[%dma_start3A_101, %dma_start3A_102] : memref<10240x128xf32, #tpu.memory_space<vmem_shared>> -> memref<10240x128xf32, #tpu.memory_space<vmem_shared>>
          tpu.enqueue_indirect_dma source(%arg9 : memref<128x128xf32, #tpu.memory_space<vmem>>) target(%dma_start3A_103 : memref<10240x128xf32, #tpu.memory_space<vmem_shared>>) offsets(%dma_start3A_100 : memref<128xi32, #tpu.memory_space<vmem>>) semaphore(%run_scoped3A : memref<!tpu.dma_semaphore, #tpu.memory_space<semaphore_mem>>) {add = true}
          %dma_wait3A_104 = arith.constant 0 : i32
          %dma_wait3A_105 = tpu.memref_slice %arg8[%add3A_68, %dma_wait3A_104] : memref<40x128xi32, #tpu.memory_space<vmem>> -> memref<1x128xi32, #tpu.memory_space<vmem>>
          %dma_wait3A_106 = tpu.memref_squeeze %dma_wait3A_105 : memref<1x128xi32, #tpu.memory_space<vmem>> -> memref<128xi32, #tpu.memory_space<vmem>>
          %dma_wait3A_107 = arith.constant 0 : i32
          %dma_wait3A_108 = arith.constant 0 : i32
          %dma_wait3A_109 = tpu.memref_slice %arg11[%dma_wait3A_107, %dma_wait3A_108] : memref<10240x128xf32, #tpu.memory_space<vmem_shared>> -> memref<10240x128xf32, #tpu.memory_space<vmem_shared>>
          tpu.wait_indirect_dma semaphore(%run_scoped3A : memref<!tpu.dma_semaphore, #tpu.memory_space<semaphore_mem>>) src(%arg9 : memref<128x128xf32, #tpu.memory_space<vmem>>) dst(%dma_wait3A_109 : memref<10240x128xf32, #tpu.memory_space<vmem_shared>>)
          tpu.yield
        }) : () -> ()
        %add3A_75 = arith.constant 2 : i32
        %add3A_76 = arith.addi %add3A_68, %add3A_75 : i32
        %lt3A = arith.constant 40 : i32
        %lt3A_77 = arith.cmpi slt, %add3A_76, %lt3A : i32
        %convert_element_type3A_78 = arith.extui %lt3A_77 : i1 to i32
        %cond3A_79 = arith.constant 0 : i32
        %cond3A_80 = arith.cmpi ne, %convert_element_type3A_78, %cond3A_79 : i32
        scf.if %cond3A_80 {
          %add3A_98 = arith.constant 2 : i32
          %add3A_99 = arith.addi %add3A_68, %add3A_98 : i32
          %dma_start3A_100 = arith.constant 0 : i32
          %dma_start3A_101 = tpu.memref_slice %arg7[%add3A_99, %dma_start3A_100] : memref<40x128xi32, #tpu.memory_space<vmem>> -> memref<1x128xi32, #tpu.memory_space<vmem>>
          %dma_start3A_102 = tpu.memref_squeeze %dma_start3A_101 : memref<1x128xi32, #tpu.memory_space<vmem>> -> memref<128xi32, #tpu.memory_space<vmem>>
          %dma_start3A_103 = arith.constant 0 : i32
          %dma_start3A_104 = arith.constant 0 : i32
          %dma_start3A_105 = tpu.memref_slice %arg2[%dma_start3A_103, %dma_start3A_104] : memref<10240x128xf32, #tpu.memory_space<hbm>> -> memref<10240x128xf32, #tpu.memory_space<hbm>>
          tpu.enqueue_indirect_dma source(%dma_start3A_105 : memref<10240x128xf32, #tpu.memory_space<hbm>>) target(%arg9 : memref<128x128xf32, #tpu.memory_space<vmem>>) offsets(%dma_start3A_102 : memref<128xi32, #tpu.memory_space<vmem>>) semaphore(%arg12 : memref<!tpu.dma_semaphore, #tpu.memory_space<semaphore_mem>>)
        } else {
        }
        %mul3A_81 = arith.constant 2 : i32
        %mul3A_82 = arith.muli %mul3A_81, %scan3A_64 : i32
        %add3A_83 = arith.constant 1 : i32
        %add3A_84 = arith.addi %mul3A_82, %add3A_83 : i32
        %dma_wait3A_85 = arith.constant 0 : i32
        %dma_wait3A_86 = tpu.memref_slice %arg7[%add3A_84, %dma_wait3A_85] : memref<40x128xi32, #tpu.memory_space<vmem>> -> memref<1x128xi32, #tpu.memory_space<vmem>>
        %dma_wait3A_87 = tpu.memref_squeeze %dma_wait3A_86 : memref<1x128xi32, #tpu.memory_space<vmem>> -> memref<128xi32, #tpu.memory_space<vmem>>
        %dma_wait3A_88 = arith.constant 0 : i32
        %dma_wait3A_89 = arith.constant 0 : i32
        %dma_wait3A_90 = tpu.memref_slice %arg2[%dma_wait3A_88, %dma_wait3A_89] : memref<10240x128xf32, #tpu.memory_space<hbm>> -> memref<10240x128xf32, #tpu.memory_space<hbm>>
        tpu.wait_indirect_dma semaphore(%arg13 : memref<!tpu.dma_semaphore, #tpu.memory_space<semaphore_mem>>) src(%dma_wait3A_90 : memref<10240x128xf32, #tpu.memory_space<hbm>>) dst(%arg10 : memref<128x128xf32, #tpu.memory_space<vmem>>)
        "tpu.region"() ({
          %run_scoped3A = tpu.sem_alloc : memref<!tpu.dma_semaphore, #tpu.memory_space<semaphore_mem>>
          %dma_start3A_98 = arith.constant 0 : i32
          %dma_start3A_99 = tpu.memref_slice %arg8[%add3A_84, %dma_start3A_98] : memref<40x128xi32, #tpu.memory_space<vmem>> -> memref<1x128xi32, #tpu.memory_space<vmem>>
          %dma_start3A_100 = tpu.memref_squeeze %dma_start3A_99 : memref<1x128xi32, #tpu.memory_space<vmem>> -> memref<128xi32, #tpu.memory_space<vmem>>
          %dma_start3A_101 = arith.constant 0 : i32
          %dma_start3A_102 = arith.constant 0 : i32
          %dma_start3A_103 = tpu.memref_slice %arg11[%dma_start3A_101, %dma_start3A_102] : memref<10240x128xf32, #tpu.memory_space<vmem_shared>> -> memref<10240x128xf32, #tpu.memory_space<vmem_shared>>
          tpu.enqueue_indirect_dma source(%arg10 : memref<128x128xf32, #tpu.memory_space<vmem>>) target(%dma_start3A_103 : memref<10240x128xf32, #tpu.memory_space<vmem_shared>>) offsets(%dma_start3A_100 : memref<128xi32, #tpu.memory_space<vmem>>) semaphore(%run_scoped3A : memref<!tpu.dma_semaphore, #tpu.memory_space<semaphore_mem>>) {add = true}
          %dma_wait3A_104 = arith.constant 0 : i32
          %dma_wait3A_105 = tpu.memref_slice %arg8[%add3A_84, %dma_wait3A_104] : memref<40x128xi32, #tpu.memory_space<vmem>> -> memref<1x128xi32, #tpu.memory_space<vmem>>
          %dma_wait3A_106 = tpu.memref_squeeze %dma_wait3A_105 : memref<1x128xi32, #tpu.memory_space<vmem>> -> memref<128xi32, #tpu.memory_space<vmem>>
          %dma_wait3A_107 = arith.constant 0 : i32
          %dma_wait3A_108 = arith.constant 0 : i32
          %dma_wait3A_109 = tpu.memref_slice %arg11[%dma_wait3A_107, %dma_wait3A_108] : memref<10240x128xf32, #tpu.memory_space<vmem_shared>> -> memref<10240x128xf32, #tpu.memory_space<vmem_shared>>
          tpu.wait_indirect_dma semaphore(%run_scoped3A : memref<!tpu.dma_semaphore, #tpu.memory_space<semaphore_mem>>) src(%arg10 : memref<128x128xf32, #tpu.memory_space<vmem>>) dst(%dma_wait3A_109 : memref<10240x128xf32, #tpu.memory_space<vmem_shared>>)
          tpu.yield
        }) : () -> ()
        %add3A_91 = arith.constant 2 : i32
        %add3A_92 = arith.addi %add3A_84, %add3A_91 : i32
        %lt3A_93 = arith.constant 40 : i32
        %lt3A_94 = arith.cmpi slt, %add3A_92, %lt3A_93 : i32
        %convert_element_type3A_95 = arith.extui %lt3A_94 : i1 to i32
        %cond3A_96 = arith.constant 0 : i32
        %cond3A_97 = arith.cmpi ne, %convert_element_type3A_95, %cond3A_96 : i32
        scf.if %cond3A_97 {
          %add3A_98 = arith.constant 2 : i32
          %add3A_99 = arith.addi %add3A_84, %add3A_98 : i32
          %dma_start3A_100 = arith.constant 0 : i32
          %dma_start3A_101 = tpu.memref_slice %arg7[%add3A_99, %dma_start3A_100] : memref<40x128xi32, #tpu.memory_space<vmem>> -> memref<1x128xi32, #tpu.memory_space<vmem>>
          %dma_start3A_102 = tpu.memref_squeeze %dma_start3A_101 : memref<1x128xi32, #tpu.memory_space<vmem>> -> memref<128xi32, #tpu.memory_space<vmem>>
          %dma_start3A_103 = arith.constant 0 : i32
          %dma_start3A_104 = arith.constant 0 : i32
          %dma_start3A_105 = tpu.memref_slice %arg2[%dma_start3A_103, %dma_start3A_104] : memref<10240x128xf32, #tpu.memory_space<hbm>> -> memref<10240x128xf32, #tpu.memory_space<hbm>>
          tpu.enqueue_indirect_dma source(%dma_start3A_105 : memref<10240x128xf32, #tpu.memory_space<hbm>>) target(%arg10 : memref<128x128xf32, #tpu.memory_space<vmem>>) offsets(%dma_start3A_102 : memref<128xi32, #tpu.memory_space<vmem>>) semaphore(%arg13 : memref<!tpu.dma_semaphore, #tpu.memory_space<semaphore_mem>>)
        } else {
        }
      }
      %scan3A_40 = arith.constant 20 : i32
      %add3A_41 = arith.constant 40 : i32
      %add3A_42 = arith.addi %mul3A_16, %add3A_41 : i32
      "tpu.region"() ({
        %run_scoped3A = tpu.sem_alloc : memref<!tpu.dma_semaphore, #tpu.memory_space<semaphore_mem>>
        %dma_start3A_64 = arith.constant 0 : i32
        %dma_start3A_65 = tpu.memref_slice %arg3[%add3A_42, %dma_start3A_64] : memref<2560x128xi32, #tpu.memory_space<hbm>> -> memref<40x128xi32, #tpu.memory_space<hbm>>
        %dma_start3A_66 = arith.constant 0 : i32
        %dma_start3A_67 = tpu.memref_slice %arg3[%add3A_42, %dma_start3A_66] : memref<2560x128xi32, #tpu.memory_space<hbm>> -> memref<40x128xi32, #tpu.memory_space<hbm>>
        tpu.enqueue_dma source(%dma_start3A_67 : memref<40x128xi32, #tpu.memory_space<hbm>>) target(%arg7 : memref<40x128xi32, #tpu.memory_space<vmem>>) target_semaphore(%run_scoped3A : memref<!tpu.dma_semaphore, #tpu.memory_space<semaphore_mem>>)
        %dma_wait3A_68 = arith.constant 0 : i32
        %dma_wait3A_69 = tpu.memref_slice %arg3[%add3A_42, %dma_wait3A_68] : memref<2560x128xi32, #tpu.memory_space<hbm>> -> memref<40x128xi32, #tpu.memory_space<hbm>>
        %dma_wait3A_70 = arith.constant 0 : i32
        %dma_wait3A_71 = tpu.memref_slice %arg3[%add3A_42, %dma_wait3A_70] : memref<2560x128xi32, #tpu.memory_space<hbm>> -> memref<40x128xi32, #tpu.memory_space<hbm>>
        tpu.wait_dma2 semaphore(%run_scoped3A : memref<!tpu.dma_semaphore, #tpu.memory_space<semaphore_mem>>) src(%dma_wait3A_71 : memref<40x128xi32, #tpu.memory_space<hbm>>) dst(%arg7 : memref<40x128xi32, #tpu.memory_space<vmem>>)
        tpu.yield
      }) : () -> ()
      %add3A_43 = arith.constant 40 : i32
      %add3A_44 = arith.addi %mul3A_16, %add3A_43 : i32
      "tpu.region"() ({
        %run_scoped3A = tpu.sem_alloc : memref<!tpu.dma_semaphore, #tpu.memory_space<semaphore_mem>>
        %dma_start3A_64 = arith.constant 0 : i32
        %dma_start3A_65 = tpu.memref_slice %arg4[%add3A_44, %dma_start3A_64] : memref<2560x128xi32, #tpu.memory_space<hbm>> -> memref<40x128xi32, #tpu.memory_space<hbm>>
        %dma_start3A_66 = arith.constant 0 : i32
        %dma_start3A_67 = tpu.memref_slice %arg4[%add3A_44, %dma_start3A_66] : memref<2560x128xi32, #tpu.memory_space<hbm>> -> memref<40x128xi32, #tpu.memory_space<hbm>>
        tpu.enqueue_dma source(%dma_start3A_67 : memref<40x128xi32, #tpu.memory_space<hbm>>) target(%arg8 : memref<40x128xi32, #tpu.memory_space<vmem>>) target_semaphore(%run_scoped3A : memref<!tpu.dma_semaphore, #tpu.memory_space<semaphore_mem>>)
        %dma_wait3A_68 = arith.constant 0 : i32
        %dma_wait3A_69 = tpu.memref_slice %arg4[%add3A_44, %dma_wait3A_68] : memref<2560x128xi32, #tpu.memory_space<hbm>> -> memref<40x128xi32, #tpu.memory_space<hbm>>
        %dma_wait3A_70 = arith.constant 0 : i32
        %dma_wait3A_71 = tpu.memref_slice %arg4[%add3A_44, %dma_wait3A_70] : memref<2560x128xi32, #tpu.memory_space<hbm>> -> memref<40x128xi32, #tpu.memory_space<hbm>>
        tpu.wait_dma2 semaphore(%run_scoped3A : memref<!tpu.dma_semaphore, #tpu.memory_space<semaphore_mem>>) src(%dma_wait3A_71 : memref<40x128xi32, #tpu.memory_space<hbm>>) dst(%arg8 : memref<40x128xi32, #tpu.memory_space<vmem>>)
        tpu.yield
      }) : () -> ()
      %dma_start3A_45 = arith.constant 0 : i32
      %dma_start3A_46 = arith.constant 0 : i32
      %dma_start3A_47 = tpu.memref_slice %arg7[%dma_start3A_45, %dma_start3A_46] : memref<40x128xi32, #tpu.memory_space<vmem>> -> memref<1x128xi32, #tpu.memory_space<vmem>>
      %dma_start3A_48 = tpu.memref_squeeze %dma_start3A_47 : memref<1x128xi32, #tpu.memory_space<vmem>> -> memref<128xi32, #tpu.memory_space<vmem>>
      %dma_start3A_49 = arith.constant 0 : i32
      %dma_start3A_50 = arith.constant 0 : i32
      %dma_start3A_51 = tpu.memref_slice %arg2[%dma_start3A_49, %dma_start3A_50] : memref<10240x128xf32, #tpu.memory_space<hbm>> -> memref<10240x128xf32, #tpu.memory_space<hbm>>
      tpu.enqueue_indirect_dma source(%dma_start3A_51 : memref<10240x128xf32, #tpu.memory_space<hbm>>) target(%arg9 : memref<128x128xf32, #tpu.memory_space<vmem>>) offsets(%dma_start3A_48 : memref<128xi32, #tpu.memory_space<vmem>>) semaphore(%arg12 : memref<!tpu.dma_semaphore, #tpu.memory_space<semaphore_mem>>)
      %dma_start3A_52 = arith.constant 1 : i32
      %dma_start3A_53 = arith.constant 0 : i32
      %dma_start3A_54 = tpu.memref_slice %arg7[%dma_start3A_52, %dma_start3A_53] : memref<40x128xi32, #tpu.memory_space<vmem>> -> memref<1x128xi32, #tpu.memory_space<vmem>>
      %dma_start3A_55 = tpu.memref_squeeze %dma_start3A_54 : memref<1x128xi32, #tpu.memory_space<vmem>> -> memref<128xi32, #tpu.memory_space<vmem>>
      %dma_start3A_56 = arith.constant 0 : i32
      %dma_start3A_57 = arith.constant 0 : i32
      %dma_start3A_58 = tpu.memref_slice %arg2[%dma_start3A_56, %dma_start3A_57] : memref<10240x128xf32, #tpu.memory_space<hbm>> -> memref<10240x128xf32, #tpu.memory_space<hbm>>
      tpu.enqueue_indirect_dma source(%dma_start3A_58 : memref<10240x128xf32, #tpu.memory_space<hbm>>) target(%arg10 : memref<128x128xf32, #tpu.memory_space<vmem>>) offsets(%dma_start3A_55 : memref<128xi32, #tpu.memory_space<vmem>>) semaphore(%arg13 : memref<!tpu.dma_semaphore, #tpu.memory_space<semaphore_mem>>)
      %scan3A_59 = arith.constant 0 : i32
      %scan3A_60 = arith.constant 20 : i32
      %scan3A_61 = arith.addi %scan3A_59, %scan3A_60 : i32
      %scan3A_62 = arith.constant 1 : i32
      scf.for %scan3A_64 = %scan3A_59 to %scan3A_61 step %scan3A_62  : i32 {
        %mul3A_65 = arith.constant 2 : i32
        %mul3A_66 = arith.muli %mul3A_65, %scan3A_64 : i32
        %add3A_67 = arith.constant 0 : i32
        %add3A_68 = arith.addi %mul3A_66, %add3A_67 : i32
        %dma_wait3A_69 = arith.constant 0 : i32
        %dma_wait3A_70 = tpu.memref_slice %arg7[%add3A_68, %dma_wait3A_69] : memref<40x128xi32, #tpu.memory_space<vmem>> -> memref<1x128xi32, #tpu.memory_space<vmem>>
        %dma_wait3A_71 = tpu.memref_squeeze %dma_wait3A_70 : memref<1x128xi32, #tpu.memory_space<vmem>> -> memref<128xi32, #tpu.memory_space<vmem>>
        %dma_wait3A_72 = arith.constant 0 : i32
        %dma_wait3A_73 = arith.constant 0 : i32
        %dma_wait3A_74 = tpu.memref_slice %arg2[%dma_wait3A_72, %dma_wait3A_73] : memref<10240x128xf32, #tpu.memory_space<hbm>> -> memref<10240x128xf32, #tpu.memory_space<hbm>>
        tpu.wait_indirect_dma semaphore(%arg12 : memref<!tpu.dma_semaphore, #tpu.memory_space<semaphore_mem>>) src(%dma_wait3A_74 : memref<10240x128xf32, #tpu.memory_space<hbm>>) dst(%arg9 : memref<128x128xf32, #tpu.memory_space<vmem>>)
        "tpu.region"() ({
          %run_scoped3A = tpu.sem_alloc : memref<!tpu.dma_semaphore, #tpu.memory_space<semaphore_mem>>
          %dma_start3A_98 = arith.constant 0 : i32
          %dma_start3A_99 = tpu.memref_slice %arg8[%add3A_68, %dma_start3A_98] : memref<40x128xi32, #tpu.memory_space<vmem>> -> memref<1x128xi32, #tpu.memory_space<vmem>>
          %dma_start3A_100 = tpu.memref_squeeze %dma_start3A_99 : memref<1x128xi32, #tpu.memory_space<vmem>> -> memref<128xi32, #tpu.memory_space<vmem>>
          %dma_start3A_101 = arith.constant 0 : i32
          %dma_start3A_102 = arith.constant 0 : i32
          %dma_start3A_103 = tpu.memref_slice %arg11[%dma_start3A_101, %dma_start3A_102] : memref<10240x128xf32, #tpu.memory_space<vmem_shared>> -> memref<10240x128xf32, #tpu.memory_space<vmem_shared>>
          tpu.enqueue_indirect_dma source(%arg9 : memref<128x128xf32, #tpu.memory_space<vmem>>) target(%dma_start3A_103 : memref<10240x128xf32, #tpu.memory_space<vmem_shared>>) offsets(%dma_start3A_100 : memref<128xi32, #tpu.memory_space<vmem>>) semaphore(%run_scoped3A : memref<!tpu.dma_semaphore, #tpu.memory_space<semaphore_mem>>) {add = true}
          %dma_wait3A_104 = arith.constant 0 : i32
          %dma_wait3A_105 = tpu.memref_slice %arg8[%add3A_68, %dma_wait3A_104] : memref<40x128xi32, #tpu.memory_space<vmem>> -> memref<1x128xi32, #tpu.memory_space<vmem>>
          %dma_wait3A_106 = tpu.memref_squeeze %dma_wait3A_105 : memref<1x128xi32, #tpu.memory_space<vmem>> -> memref<128xi32, #tpu.memory_space<vmem>>
          %dma_wait3A_107 = arith.constant 0 : i32
          %dma_wait3A_108 = arith.constant 0 : i32
          %dma_wait3A_109 = tpu.memref_slice %arg11[%dma_wait3A_107, %dma_wait3A_108] : memref<10240x128xf32, #tpu.memory_space<vmem_shared>> -> memref<10240x128xf32, #tpu.memory_space<vmem_shared>>
          tpu.wait_indirect_dma semaphore(%run_scoped3A : memref<!tpu.dma_semaphore, #tpu.memory_space<semaphore_mem>>) src(%arg9 : memref<128x128xf32, #tpu.memory_space<vmem>>) dst(%dma_wait3A_109 : memref<10240x128xf32, #tpu.memory_space<vmem_shared>>)
          tpu.yield
        }) : () -> ()
        %add3A_75 = arith.constant 2 : i32
        %add3A_76 = arith.addi %add3A_68, %add3A_75 : i32
        %lt3A = arith.constant 40 : i32
        %lt3A_77 = arith.cmpi slt, %add3A_76, %lt3A : i32
        %convert_element_type3A_78 = arith.extui %lt3A_77 : i1 to i32
        %cond3A_79 = arith.constant 0 : i32
        %cond3A_80 = arith.cmpi ne, %convert_element_type3A_78, %cond3A_79 : i32
        scf.if %cond3A_80 {
          %add3A_98 = arith.constant 2 : i32
          %add3A_99 = arith.addi %add3A_68, %add3A_98 : i32
          %dma_start3A_100 = arith.constant 0 : i32
          %dma_start3A_101 = tpu.memref_slice %arg7[%add3A_99, %dma_start3A_100] : memref<40x128xi32, #tpu.memory_space<vmem>> -> memref<1x128xi32, #tpu.memory_space<vmem>>
          %dma_start3A_102 = tpu.memref_squeeze %dma_start3A_101 : memref<1x128xi32, #tpu.memory_space<vmem>> -> memref<128xi32, #tpu.memory_space<vmem>>
          %dma_start3A_103 = arith.constant 0 : i32
          %dma_start3A_104 = arith.constant 0 : i32
          %dma_start3A_105 = tpu.memref_slice %arg2[%dma_start3A_103, %dma_start3A_104] : memref<10240x128xf32, #tpu.memory_space<hbm>> -> memref<10240x128xf32, #tpu.memory_space<hbm>>
          tpu.enqueue_indirect_dma source(%dma_start3A_105 : memref<10240x128xf32, #tpu.memory_space<hbm>>) target(%arg9 : memref<128x128xf32, #tpu.memory_space<vmem>>) offsets(%dma_start3A_102 : memref<128xi32, #tpu.memory_space<vmem>>) semaphore(%arg12 : memref<!tpu.dma_semaphore, #tpu.memory_space<semaphore_mem>>)
        } else {
        }
        %mul3A_81 = arith.constant 2 : i32
        %mul3A_82 = arith.muli %mul3A_81, %scan3A_64 : i32
        %add3A_83 = arith.constant 1 : i32
        %add3A_84 = arith.addi %mul3A_82, %add3A_83 : i32
        %dma_wait3A_85 = arith.constant 0 : i32
        %dma_wait3A_86 = tpu.memref_slice %arg7[%add3A_84, %dma_wait3A_85] : memref<40x128xi32, #tpu.memory_space<vmem>> -> memref<1x128xi32, #tpu.memory_space<vmem>>
        %dma_wait3A_87 = tpu.memref_squeeze %dma_wait3A_86 : memref<1x128xi32, #tpu.memory_space<vmem>> -> memref<128xi32, #tpu.memory_space<vmem>>
        %dma_wait3A_88 = arith.constant 0 : i32
        %dma_wait3A_89 = arith.constant 0 : i32
        %dma_wait3A_90 = tpu.memref_slice %arg2[%dma_wait3A_88, %dma_wait3A_89] : memref<10240x128xf32, #tpu.memory_space<hbm>> -> memref<10240x128xf32, #tpu.memory_space<hbm>>
        tpu.wait_indirect_dma semaphore(%arg13 : memref<!tpu.dma_semaphore, #tpu.memory_space<semaphore_mem>>) src(%dma_wait3A_90 : memref<10240x128xf32, #tpu.memory_space<hbm>>) dst(%arg10 : memref<128x128xf32, #tpu.memory_space<vmem>>)
        "tpu.region"() ({
          %run_scoped3A = tpu.sem_alloc : memref<!tpu.dma_semaphore, #tpu.memory_space<semaphore_mem>>
          %dma_start3A_98 = arith.constant 0 : i32
          %dma_start3A_99 = tpu.memref_slice %arg8[%add3A_84, %dma_start3A_98] : memref<40x128xi32, #tpu.memory_space<vmem>> -> memref<1x128xi32, #tpu.memory_space<vmem>>
          %dma_start3A_100 = tpu.memref_squeeze %dma_start3A_99 : memref<1x128xi32, #tpu.memory_space<vmem>> -> memref<128xi32, #tpu.memory_space<vmem>>
          %dma_start3A_101 = arith.constant 0 : i32
          %dma_start3A_102 = arith.constant 0 : i32
          %dma_start3A_103 = tpu.memref_slice %arg11[%dma_start3A_101, %dma_start3A_102] : memref<10240x128xf32, #tpu.memory_space<vmem_shared>> -> memref<10240x128xf32, #tpu.memory_space<vmem_shared>>
          tpu.enqueue_indirect_dma source(%arg10 : memref<128x128xf32, #tpu.memory_space<vmem>>) target(%dma_start3A_103 : memref<10240x128xf32, #tpu.memory_space<vmem_shared>>) offsets(%dma_start3A_100 : memref<128xi32, #tpu.memory_space<vmem>>) semaphore(%run_scoped3A : memref<!tpu.dma_semaphore, #tpu.memory_space<semaphore_mem>>) {add = true}
          %dma_wait3A_104 = arith.constant 0 : i32
          %dma_wait3A_105 = tpu.memref_slice %arg8[%add3A_84, %dma_wait3A_104] : memref<40x128xi32, #tpu.memory_space<vmem>> -> memref<1x128xi32, #tpu.memory_space<vmem>>
          %dma_wait3A_106 = tpu.memref_squeeze %dma_wait3A_105 : memref<1x128xi32, #tpu.memory_space<vmem>> -> memref<128xi32, #tpu.memory_space<vmem>>
          %dma_wait3A_107 = arith.constant 0 : i32
          %dma_wait3A_108 = arith.constant 0 : i32
          %dma_wait3A_109 = tpu.memref_slice %arg11[%dma_wait3A_107, %dma_wait3A_108] : memref<10240x128xf32, #tpu.memory_space<vmem_shared>> -> memref<10240x128xf32, #tpu.memory_space<vmem_shared>>
          tpu.wait_indirect_dma semaphore(%run_scoped3A : memref<!tpu.dma_semaphore, #tpu.memory_space<semaphore_mem>>) src(%arg10 : memref<128x128xf32, #tpu.memory_space<vmem>>) dst(%dma_wait3A_109 : memref<10240x128xf32, #tpu.memory_space<vmem_shared>>)
          tpu.yield
        }) : () -> ()
        %add3A_91 = arith.constant 2 : i32
        %add3A_92 = arith.addi %add3A_84, %add3A_91 : i32
        %lt3A_93 = arith.constant 40 : i32
        %lt3A_94 = arith.cmpi slt, %add3A_92, %lt3A_93 : i32
        %convert_element_type3A_95 = arith.extui %lt3A_94 : i1 to i32
        %cond3A_96 = arith.constant 0 : i32
        %cond3A_97 = arith.cmpi ne, %convert_element_type3A_95, %cond3A_96 : i32
        scf.if %cond3A_97 {
          %add3A_98 = arith.constant 2 : i32
          %add3A_99 = arith.addi %add3A_84, %add3A_98 : i32
          %dma_start3A_100 = arith.constant 0 : i32
          %dma_start3A_101 = tpu.memref_slice %arg7[%add3A_99, %dma_start3A_100] : memref<40x128xi32, #tpu.memory_space<vmem>> -> memref<1x128xi32, #tpu.memory_space<vmem>>
          %dma_start3A_102 = tpu.memref_squeeze %dma_start3A_101 : memref<1x128xi32, #tpu.memory_space<vmem>> -> memref<128xi32, #tpu.memory_space<vmem>>
          %dma_start3A_103 = arith.constant 0 : i32
          %dma_start3A_104 = arith.constant 0 : i32
          %dma_start3A_105 = tpu.memref_slice %arg2[%dma_start3A_103, %dma_start3A_104] : memref<10240x128xf32, #tpu.memory_space<hbm>> -> memref<10240x128xf32, #tpu.memory_space<hbm>>
          tpu.enqueue_indirect_dma source(%dma_start3A_105 : memref<10240x128xf32, #tpu.memory_space<hbm>>) target(%arg10 : memref<128x128xf32, #tpu.memory_space<vmem>>) offsets(%dma_start3A_102 : memref<128xi32, #tpu.memory_space<vmem>>) semaphore(%arg13 : memref<!tpu.dma_semaphore, #tpu.memory_space<semaphore_mem>>)
        } else {
        }
      }
      %scan3A_63 = arith.constant 20 : i32
    } else {
    }
    %eq3A_4 = arith.constant 1 : i32
    %eq3A_5 = arith.cmpi eq, %arg0, %eq3A_4 : i32
    %convert_element_type3A_6 = arith.extui %eq3A_5 : i1 to i32
    %cond3A_7 = arith.constant 0 : i32
    %cond3A_8 = arith.cmpi ne, %convert_element_type3A_6, %cond3A_7 : i32
    scf.if %cond3A_8 {
      %mul3A_15 = arith.constant 160 : i32
      %mul3A_16 = arith.muli %arg1, %mul3A_15 : i32
      %add3A_17 = arith.constant 80 : i32
      %add3A_18 = arith.addi %mul3A_16, %add3A_17 : i32
      %add3A_19 = arith.constant 0 : i32
      %add3A_20 = arith.addi %add3A_18, %add3A_19 : i32
      "tpu.region"() ({
        %run_scoped3A = tpu.sem_alloc : memref<!tpu.dma_semaphore, #tpu.memory_space<semaphore_mem>>
        %dma_start3A_66 = arith.constant 0 : i32
        %dma_start3A_67 = tpu.memref_slice %arg3[%add3A_20, %dma_start3A_66] : memref<2560x128xi32, #tpu.memory_space<hbm>> -> memref<40x128xi32, #tpu.memory_space<hbm>>
        %dma_start3A_68 = arith.constant 0 : i32
        %dma_start3A_69 = tpu.memref_slice %arg3[%add3A_20, %dma_start3A_68] : memref<2560x128xi32, #tpu.memory_space<hbm>> -> memref<40x128xi32, #tpu.memory_space<hbm>>
        tpu.enqueue_dma source(%dma_start3A_69 : memref<40x128xi32, #tpu.memory_space<hbm>>) target(%arg7 : memref<40x128xi32, #tpu.memory_space<vmem>>) target_semaphore(%run_scoped3A : memref<!tpu.dma_semaphore, #tpu.memory_space<semaphore_mem>>)
        %dma_wait3A_70 = arith.constant 0 : i32
        %dma_wait3A_71 = tpu.memref_slice %arg3[%add3A_20, %dma_wait3A_70] : memref<2560x128xi32, #tpu.memory_space<hbm>> -> memref<40x128xi32, #tpu.memory_space<hbm>>
        %dma_wait3A_72 = arith.constant 0 : i32
        %dma_wait3A_73 = tpu.memref_slice %arg3[%add3A_20, %dma_wait3A_72] : memref<2560x128xi32, #tpu.memory_space<hbm>> -> memref<40x128xi32, #tpu.memory_space<hbm>>
        tpu.wait_dma2 semaphore(%run_scoped3A : memref<!tpu.dma_semaphore, #tpu.memory_space<semaphore_mem>>) src(%dma_wait3A_73 : memref<40x128xi32, #tpu.memory_space<hbm>>) dst(%arg7 : memref<40x128xi32, #tpu.memory_space<vmem>>)
        tpu.yield
      }) : () -> ()
      %add3A_21 = arith.constant 0 : i32
      %add3A_22 = arith.addi %add3A_18, %add3A_21 : i32
      "tpu.region"() ({
        %run_scoped3A = tpu.sem_alloc : memref<!tpu.dma_semaphore, #tpu.memory_space<semaphore_mem>>
        %dma_start3A_66 = arith.constant 0 : i32
        %dma_start3A_67 = tpu.memref_slice %arg4[%add3A_22, %dma_start3A_66] : memref<2560x128xi32, #tpu.memory_space<hbm>> -> memref<40x128xi32, #tpu.memory_space<hbm>>
        %dma_start3A_68 = arith.constant 0 : i32
        %dma_start3A_69 = tpu.memref_slice %arg4[%add3A_22, %dma_start3A_68] : memref<2560x128xi32, #tpu.memory_space<hbm>> -> memref<40x128xi32, #tpu.memory_space<hbm>>
        tpu.enqueue_dma source(%dma_start3A_69 : memref<40x128xi32, #tpu.memory_space<hbm>>) target(%arg8 : memref<40x128xi32, #tpu.memory_space<vmem>>) target_semaphore(%run_scoped3A : memref<!tpu.dma_semaphore, #tpu.memory_space<semaphore_mem>>)
        %dma_wait3A_70 = arith.constant 0 : i32
        %dma_wait3A_71 = tpu.memref_slice %arg4[%add3A_22, %dma_wait3A_70] : memref<2560x128xi32, #tpu.memory_space<hbm>> -> memref<40x128xi32, #tpu.memory_space<hbm>>
        %dma_wait3A_72 = arith.constant 0 : i32
        %dma_wait3A_73 = tpu.memref_slice %arg4[%add3A_22, %dma_wait3A_72] : memref<2560x128xi32, #tpu.memory_space<hbm>> -> memref<40x128xi32, #tpu.memory_space<hbm>>
        tpu.wait_dma2 semaphore(%run_scoped3A : memref<!tpu.dma_semaphore, #tpu.memory_space<semaphore_mem>>) src(%dma_wait3A_73 : memref<40x128xi32, #tpu.memory_space<hbm>>) dst(%arg8 : memref<40x128xi32, #tpu.memory_space<vmem>>)
        tpu.yield
      }) : () -> ()
      %dma_start3A_23 = arith.constant 0 : i32
      %dma_start3A_24 = arith.constant 0 : i32
      %dma_start3A_25 = tpu.memref_slice %arg7[%dma_start3A_23, %dma_start3A_24] : memref<40x128xi32, #tpu.memory_space<vmem>> -> memref<1x128xi32, #tpu.memory_space<vmem>>
      %dma_start3A_26 = tpu.memref_squeeze %dma_start3A_25 : memref<1x128xi32, #tpu.memory_space<vmem>> -> memref<128xi32, #tpu.memory_space<vmem>>
      %dma_start3A_27 = arith.constant 0 : i32
      %dma_start3A_28 = arith.constant 0 : i32
      %dma_start3A_29 = tpu.memref_slice %arg2[%dma_start3A_27, %dma_start3A_28] : memref<10240x128xf32, #tpu.memory_space<hbm>> -> memref<10240x128xf32, #tpu.memory_space<hbm>>
      tpu.enqueue_indirect_dma source(%dma_start3A_29 : memref<10240x128xf32, #tpu.memory_space<hbm>>) target(%arg9 : memref<128x128xf32, #tpu.memory_space<vmem>>) offsets(%dma_start3A_26 : memref<128xi32, #tpu.memory_space<vmem>>) semaphore(%arg12 : memref<!tpu.dma_semaphore, #tpu.memory_space<semaphore_mem>>)
      %dma_start3A_30 = arith.constant 1 : i32
      %dma_start3A_31 = arith.constant 0 : i32
      %dma_start3A_32 = tpu.memref_slice %arg7[%dma_start3A_30, %dma_start3A_31] : memref<40x128xi32, #tpu.memory_space<vmem>> -> memref<1x128xi32, #tpu.memory_space<vmem>>
      %dma_start3A_33 = tpu.memref_squeeze %dma_start3A_32 : memref<1x128xi32, #tpu.memory_space<vmem>> -> memref<128xi32, #tpu.memory_space<vmem>>
      %dma_start3A_34 = arith.constant 0 : i32
      %dma_start3A_35 = arith.constant 0 : i32
      %dma_start3A_36 = tpu.memref_slice %arg2[%dma_start3A_34, %dma_start3A_35] : memref<10240x128xf32, #tpu.memory_space<hbm>> -> memref<10240x128xf32, #tpu.memory_space<hbm>>
      tpu.enqueue_indirect_dma source(%dma_start3A_36 : memref<10240x128xf32, #tpu.memory_space<hbm>>) target(%arg10 : memref<128x128xf32, #tpu.memory_space<vmem>>) offsets(%dma_start3A_33 : memref<128xi32, #tpu.memory_space<vmem>>) semaphore(%arg13 : memref<!tpu.dma_semaphore, #tpu.memory_space<semaphore_mem>>)
      %dma_wait3A = arith.constant 0 : i32
      %dma_wait3A_37 = tpu.memref_slice %arg11[%mul3A_0, %dma_wait3A] : memref<10240x128xf32, #tpu.memory_space<vmem_shared>> -> memref<640x128xf32, #tpu.memory_space<vmem_shared>>
      tpu.wait_dma2 semaphore(%arg14 : memref<!tpu.dma_semaphore, #tpu.memory_space<semaphore_mem>>) src(%arg5 : memref<640x128xf32, #tpu.memory_space<hbm>>) dst(%dma_wait3A_37 : memref<640x128xf32, #tpu.memory_space<vmem_shared>>)
      %barrier3A_38 = arith.constant 0 : index
      tpu.barrier barrier_id(%barrier3A_38)
      %scan3A = arith.constant 0 : i32
      %scan3A_39 = arith.constant 20 : i32
      %scan3A_40 = arith.addi %scan3A, %scan3A_39 : i32
      %scan3A_41 = arith.constant 1 : i32
      scf.for %scan3A_66 = %scan3A to %scan3A_40 step %scan3A_41  : i32 {
        %mul3A_67 = arith.constant 2 : i32
        %mul3A_68 = arith.muli %mul3A_67, %scan3A_66 : i32
        %add3A_69 = arith.constant 0 : i32
        %add3A_70 = arith.addi %mul3A_68, %add3A_69 : i32
        %dma_wait3A_71 = arith.constant 0 : i32
        %dma_wait3A_72 = tpu.memref_slice %arg7[%add3A_70, %dma_wait3A_71] : memref<40x128xi32, #tpu.memory_space<vmem>> -> memref<1x128xi32, #tpu.memory_space<vmem>>
        %dma_wait3A_73 = tpu.memref_squeeze %dma_wait3A_72 : memref<1x128xi32, #tpu.memory_space<vmem>> -> memref<128xi32, #tpu.memory_space<vmem>>
        %dma_wait3A_74 = arith.constant 0 : i32
        %dma_wait3A_75 = arith.constant 0 : i32
        %dma_wait3A_76 = tpu.memref_slice %arg2[%dma_wait3A_74, %dma_wait3A_75] : memref<10240x128xf32, #tpu.memory_space<hbm>> -> memref<10240x128xf32, #tpu.memory_space<hbm>>
        tpu.wait_indirect_dma semaphore(%arg12 : memref<!tpu.dma_semaphore, #tpu.memory_space<semaphore_mem>>) src(%dma_wait3A_76 : memref<10240x128xf32, #tpu.memory_space<hbm>>) dst(%arg9 : memref<128x128xf32, #tpu.memory_space<vmem>>)
        "tpu.region"() ({
          %run_scoped3A = tpu.sem_alloc : memref<!tpu.dma_semaphore, #tpu.memory_space<semaphore_mem>>
          %dma_start3A_100 = arith.constant 0 : i32
          %dma_start3A_101 = tpu.memref_slice %arg8[%add3A_70, %dma_start3A_100] : memref<40x128xi32, #tpu.memory_space<vmem>> -> memref<1x128xi32, #tpu.memory_space<vmem>>
          %dma_start3A_102 = tpu.memref_squeeze %dma_start3A_101 : memref<1x128xi32, #tpu.memory_space<vmem>> -> memref<128xi32, #tpu.memory_space<vmem>>
          %dma_start3A_103 = arith.constant 0 : i32
          %dma_start3A_104 = arith.constant 0 : i32
          %dma_start3A_105 = tpu.memref_slice %arg11[%dma_start3A_103, %dma_start3A_104] : memref<10240x128xf32, #tpu.memory_space<vmem_shared>> -> memref<10240x128xf32, #tpu.memory_space<vmem_shared>>
          tpu.enqueue_indirect_dma source(%arg9 : memref<128x128xf32, #tpu.memory_space<vmem>>) target(%dma_start3A_105 : memref<10240x128xf32, #tpu.memory_space<vmem_shared>>) offsets(%dma_start3A_102 : memref<128xi32, #tpu.memory_space<vmem>>) semaphore(%run_scoped3A : memref<!tpu.dma_semaphore, #tpu.memory_space<semaphore_mem>>) {add = true}
          %dma_wait3A_106 = arith.constant 0 : i32
          %dma_wait3A_107 = tpu.memref_slice %arg8[%add3A_70, %dma_wait3A_106] : memref<40x128xi32, #tpu.memory_space<vmem>> -> memref<1x128xi32, #tpu.memory_space<vmem>>
          %dma_wait3A_108 = tpu.memref_squeeze %dma_wait3A_107 : memref<1x128xi32, #tpu.memory_space<vmem>> -> memref<128xi32, #tpu.memory_space<vmem>>
          %dma_wait3A_109 = arith.constant 0 : i32
          %dma_wait3A_110 = arith.constant 0 : i32
          %dma_wait3A_111 = tpu.memref_slice %arg11[%dma_wait3A_109, %dma_wait3A_110] : memref<10240x128xf32, #tpu.memory_space<vmem_shared>> -> memref<10240x128xf32, #tpu.memory_space<vmem_shared>>
          tpu.wait_indirect_dma semaphore(%run_scoped3A : memref<!tpu.dma_semaphore, #tpu.memory_space<semaphore_mem>>) src(%arg9 : memref<128x128xf32, #tpu.memory_space<vmem>>) dst(%dma_wait3A_111 : memref<10240x128xf32, #tpu.memory_space<vmem_shared>>)
          tpu.yield
        }) : () -> ()
        %add3A_77 = arith.constant 2 : i32
        %add3A_78 = arith.addi %add3A_70, %add3A_77 : i32
        %lt3A = arith.constant 40 : i32
        %lt3A_79 = arith.cmpi slt, %add3A_78, %lt3A : i32
        %convert_element_type3A_80 = arith.extui %lt3A_79 : i1 to i32
        %cond3A_81 = arith.constant 0 : i32
        %cond3A_82 = arith.cmpi ne, %convert_element_type3A_80, %cond3A_81 : i32
        scf.if %cond3A_82 {
          %add3A_100 = arith.constant 2 : i32
          %add3A_101 = arith.addi %add3A_70, %add3A_100 : i32
          %dma_start3A_102 = arith.constant 0 : i32
          %dma_start3A_103 = tpu.memref_slice %arg7[%add3A_101, %dma_start3A_102] : memref<40x128xi32, #tpu.memory_space<vmem>> -> memref<1x128xi32, #tpu.memory_space<vmem>>
          %dma_start3A_104 = tpu.memref_squeeze %dma_start3A_103 : memref<1x128xi32, #tpu.memory_space<vmem>> -> memref<128xi32, #tpu.memory_space<vmem>>
          %dma_start3A_105 = arith.constant 0 : i32
          %dma_start3A_106 = arith.constant 0 : i32
          %dma_start3A_107 = tpu.memref_slice %arg2[%dma_start3A_105, %dma_start3A_106] : memref<10240x128xf32, #tpu.memory_space<hbm>> -> memref<10240x128xf32, #tpu.memory_space<hbm>>
          tpu.enqueue_indirect_dma source(%dma_start3A_107 : memref<10240x128xf32, #tpu.memory_space<hbm>>) target(%arg9 : memref<128x128xf32, #tpu.memory_space<vmem>>) offsets(%dma_start3A_104 : memref<128xi32, #tpu.memory_space<vmem>>) semaphore(%arg12 : memref<!tpu.dma_semaphore, #tpu.memory_space<semaphore_mem>>)
        } else {
        }
        %mul3A_83 = arith.constant 2 : i32
        %mul3A_84 = arith.muli %mul3A_83, %scan3A_66 : i32
        %add3A_85 = arith.constant 1 : i32
        %add3A_86 = arith.addi %mul3A_84, %add3A_85 : i32
        %dma_wait3A_87 = arith.constant 0 : i32
        %dma_wait3A_88 = tpu.memref_slice %arg7[%add3A_86, %dma_wait3A_87] : memref<40x128xi32, #tpu.memory_space<vmem>> -> memref<1x128xi32, #tpu.memory_space<vmem>>
        %dma_wait3A_89 = tpu.memref_squeeze %dma_wait3A_88 : memref<1x128xi32, #tpu.memory_space<vmem>> -> memref<128xi32, #tpu.memory_space<vmem>>
        %dma_wait3A_90 = arith.constant 0 : i32
        %dma_wait3A_91 = arith.constant 0 : i32
        %dma_wait3A_92 = tpu.memref_slice %arg2[%dma_wait3A_90, %dma_wait3A_91] : memref<10240x128xf32, #tpu.memory_space<hbm>> -> memref<10240x128xf32, #tpu.memory_space<hbm>>
        tpu.wait_indirect_dma semaphore(%arg13 : memref<!tpu.dma_semaphore, #tpu.memory_space<semaphore_mem>>) src(%dma_wait3A_92 : memref<10240x128xf32, #tpu.memory_space<hbm>>) dst(%arg10 : memref<128x128xf32, #tpu.memory_space<vmem>>)
        "tpu.region"() ({
          %run_scoped3A = tpu.sem_alloc : memref<!tpu.dma_semaphore, #tpu.memory_space<semaphore_mem>>
          %dma_start3A_100 = arith.constant 0 : i32
          %dma_start3A_101 = tpu.memref_slice %arg8[%add3A_86, %dma_start3A_100] : memref<40x128xi32, #tpu.memory_space<vmem>> -> memref<1x128xi32, #tpu.memory_space<vmem>>
          %dma_start3A_102 = tpu.memref_squeeze %dma_start3A_101 : memref<1x128xi32, #tpu.memory_space<vmem>> -> memref<128xi32, #tpu.memory_space<vmem>>
          %dma_start3A_103 = arith.constant 0 : i32
          %dma_start3A_104 = arith.constant 0 : i32
          %dma_start3A_105 = tpu.memref_slice %arg11[%dma_start3A_103, %dma_start3A_104] : memref<10240x128xf32, #tpu.memory_space<vmem_shared>> -> memref<10240x128xf32, #tpu.memory_space<vmem_shared>>
          tpu.enqueue_indirect_dma source(%arg10 : memref<128x128xf32, #tpu.memory_space<vmem>>) target(%dma_start3A_105 : memref<10240x128xf32, #tpu.memory_space<vmem_shared>>) offsets(%dma_start3A_102 : memref<128xi32, #tpu.memory_space<vmem>>) semaphore(%run_scoped3A : memref<!tpu.dma_semaphore, #tpu.memory_space<semaphore_mem>>) {add = true}
          %dma_wait3A_106 = arith.constant 0 : i32
          %dma_wait3A_107 = tpu.memref_slice %arg8[%add3A_86, %dma_wait3A_106] : memref<40x128xi32, #tpu.memory_space<vmem>> -> memref<1x128xi32, #tpu.memory_space<vmem>>
          %dma_wait3A_108 = tpu.memref_squeeze %dma_wait3A_107 : memref<1x128xi32, #tpu.memory_space<vmem>> -> memref<128xi32, #tpu.memory_space<vmem>>
          %dma_wait3A_109 = arith.constant 0 : i32
          %dma_wait3A_110 = arith.constant 0 : i32
          %dma_wait3A_111 = tpu.memref_slice %arg11[%dma_wait3A_109, %dma_wait3A_110] : memref<10240x128xf32, #tpu.memory_space<vmem_shared>> -> memref<10240x128xf32, #tpu.memory_space<vmem_shared>>
          tpu.wait_indirect_dma semaphore(%run_scoped3A : memref<!tpu.dma_semaphore, #tpu.memory_space<semaphore_mem>>) src(%arg10 : memref<128x128xf32, #tpu.memory_space<vmem>>) dst(%dma_wait3A_111 : memref<10240x128xf32, #tpu.memory_space<vmem_shared>>)
          tpu.yield
        }) : () -> ()
        %add3A_93 = arith.constant 2 : i32
        %add3A_94 = arith.addi %add3A_86, %add3A_93 : i32
        %lt3A_95 = arith.constant 40 : i32
        %lt3A_96 = arith.cmpi slt, %add3A_94, %lt3A_95 : i32
        %convert_element_type3A_97 = arith.extui %lt3A_96 : i1 to i32
        %cond3A_98 = arith.constant 0 : i32
        %cond3A_99 = arith.cmpi ne, %convert_element_type3A_97, %cond3A_98 : i32
        scf.if %cond3A_99 {
          %add3A_100 = arith.constant 2 : i32
          %add3A_101 = arith.addi %add3A_86, %add3A_100 : i32
          %dma_start3A_102 = arith.constant 0 : i32
          %dma_start3A_103 = tpu.memref_slice %arg7[%add3A_101, %dma_start3A_102] : memref<40x128xi32, #tpu.memory_space<vmem>> -> memref<1x128xi32, #tpu.memory_space<vmem>>
          %dma_start3A_104 = tpu.memref_squeeze %dma_start3A_103 : memref<1x128xi32, #tpu.memory_space<vmem>> -> memref<128xi32, #tpu.memory_space<vmem>>
          %dma_start3A_105 = arith.constant 0 : i32
          %dma_start3A_106 = arith.constant 0 : i32
          %dma_start3A_107 = tpu.memref_slice %arg2[%dma_start3A_105, %dma_start3A_106] : memref<10240x128xf32, #tpu.memory_space<hbm>> -> memref<10240x128xf32, #tpu.memory_space<hbm>>
          tpu.enqueue_indirect_dma source(%dma_start3A_107 : memref<10240x128xf32, #tpu.memory_space<hbm>>) target(%arg10 : memref<128x128xf32, #tpu.memory_space<vmem>>) offsets(%dma_start3A_104 : memref<128xi32, #tpu.memory_space<vmem>>) semaphore(%arg13 : memref<!tpu.dma_semaphore, #tpu.memory_space<semaphore_mem>>)
        } else {
        }
      }
      %scan3A_42 = arith.constant 20 : i32
      %add3A_43 = arith.constant 40 : i32
      %add3A_44 = arith.addi %add3A_18, %add3A_43 : i32
      "tpu.region"() ({
        %run_scoped3A = tpu.sem_alloc : memref<!tpu.dma_semaphore, #tpu.memory_space<semaphore_mem>>
        %dma_start3A_66 = arith.constant 0 : i32
        %dma_start3A_67 = tpu.memref_slice %arg3[%add3A_44, %dma_start3A_66] : memref<2560x128xi32, #tpu.memory_space<hbm>> -> memref<40x128xi32, #tpu.memory_space<hbm>>
        %dma_start3A_68 = arith.constant 0 : i32
        %dma_start3A_69 = tpu.memref_slice %arg3[%add3A_44, %dma_start3A_68] : memref<2560x128xi32, #tpu.memory_space<hbm>> -> memref<40x128xi32, #tpu.memory_space<hbm>>
        tpu.enqueue_dma source(%dma_start3A_69 : memref<40x128xi32, #tpu.memory_space<hbm>>) target(%arg7 : memref<40x128xi32, #tpu.memory_space<vmem>>) target_semaphore(%run_scoped3A : memref<!tpu.dma_semaphore, #tpu.memory_space<semaphore_mem>>)
        %dma_wait3A_70 = arith.constant 0 : i32
        %dma_wait3A_71 = tpu.memref_slice %arg3[%add3A_44, %dma_wait3A_70] : memref<2560x128xi32, #tpu.memory_space<hbm>> -> memref<40x128xi32, #tpu.memory_space<hbm>>
        %dma_wait3A_72 = arith.constant 0 : i32
        %dma_wait3A_73 = tpu.memref_slice %arg3[%add3A_44, %dma_wait3A_72] : memref<2560x128xi32, #tpu.memory_space<hbm>> -> memref<40x128xi32, #tpu.memory_space<hbm>>
        tpu.wait_dma2 semaphore(%run_scoped3A : memref<!tpu.dma_semaphore, #tpu.memory_space<semaphore_mem>>) src(%dma_wait3A_73 : memref<40x128xi32, #tpu.memory_space<hbm>>) dst(%arg7 : memref<40x128xi32, #tpu.memory_space<vmem>>)
        tpu.yield
      }) : () -> ()
      %add3A_45 = arith.constant 40 : i32
      %add3A_46 = arith.addi %add3A_18, %add3A_45 : i32
      "tpu.region"() ({
        %run_scoped3A = tpu.sem_alloc : memref<!tpu.dma_semaphore, #tpu.memory_space<semaphore_mem>>
        %dma_start3A_66 = arith.constant 0 : i32
        %dma_start3A_67 = tpu.memref_slice %arg4[%add3A_46, %dma_start3A_66] : memref<2560x128xi32, #tpu.memory_space<hbm>> -> memref<40x128xi32, #tpu.memory_space<hbm>>
        %dma_start3A_68 = arith.constant 0 : i32
        %dma_start3A_69 = tpu.memref_slice %arg4[%add3A_46, %dma_start3A_68] : memref<2560x128xi32, #tpu.memory_space<hbm>> -> memref<40x128xi32, #tpu.memory_space<hbm>>
        tpu.enqueue_dma source(%dma_start3A_69 : memref<40x128xi32, #tpu.memory_space<hbm>>) target(%arg8 : memref<40x128xi32, #tpu.memory_space<vmem>>) target_semaphore(%run_scoped3A : memref<!tpu.dma_semaphore, #tpu.memory_space<semaphore_mem>>)
        %dma_wait3A_70 = arith.constant 0 : i32
        %dma_wait3A_71 = tpu.memref_slice %arg4[%add3A_46, %dma_wait3A_70] : memref<2560x128xi32, #tpu.memory_space<hbm>> -> memref<40x128xi32, #tpu.memory_space<hbm>>
        %dma_wait3A_72 = arith.constant 0 : i32
        %dma_wait3A_73 = tpu.memref_slice %arg4[%add3A_46, %dma_wait3A_72] : memref<2560x128xi32, #tpu.memory_space<hbm>> -> memref<40x128xi32, #tpu.memory_space<hbm>>
        tpu.wait_dma2 semaphore(%run_scoped3A : memref<!tpu.dma_semaphore, #tpu.memory_space<semaphore_mem>>) src(%dma_wait3A_73 : memref<40x128xi32, #tpu.memory_space<hbm>>) dst(%arg8 : memref<40x128xi32, #tpu.memory_space<vmem>>)
        tpu.yield
      }) : () -> ()
      %dma_start3A_47 = arith.constant 0 : i32
      %dma_start3A_48 = arith.constant 0 : i32
      %dma_start3A_49 = tpu.memref_slice %arg7[%dma_start3A_47, %dma_start3A_48] : memref<40x128xi32, #tpu.memory_space<vmem>> -> memref<1x128xi32, #tpu.memory_space<vmem>>
      %dma_start3A_50 = tpu.memref_squeeze %dma_start3A_49 : memref<1x128xi32, #tpu.memory_space<vmem>> -> memref<128xi32, #tpu.memory_space<vmem>>
      %dma_start3A_51 = arith.constant 0 : i32
      %dma_start3A_52 = arith.constant 0 : i32
      %dma_start3A_53 = tpu.memref_slice %arg2[%dma_start3A_51, %dma_start3A_52] : memref<10240x128xf32, #tpu.memory_space<hbm>> -> memref<10240x128xf32, #tpu.memory_space<hbm>>
      tpu.enqueue_indirect_dma source(%dma_start3A_53 : memref<10240x128xf32, #tpu.memory_space<hbm>>) target(%arg9 : memref<128x128xf32, #tpu.memory_space<vmem>>) offsets(%dma_start3A_50 : memref<128xi32, #tpu.memory_space<vmem>>) semaphore(%arg12 : memref<!tpu.dma_semaphore, #tpu.memory_space<semaphore_mem>>)
      %dma_start3A_54 = arith.constant 1 : i32
      %dma_start3A_55 = arith.constant 0 : i32
      %dma_start3A_56 = tpu.memref_slice %arg7[%dma_start3A_54, %dma_start3A_55] : memref<40x128xi32, #tpu.memory_space<vmem>> -> memref<1x128xi32, #tpu.memory_space<vmem>>
      %dma_start3A_57 = tpu.memref_squeeze %dma_start3A_56 : memref<1x128xi32, #tpu.memory_space<vmem>> -> memref<128xi32, #tpu.memory_space<vmem>>
      %dma_start3A_58 = arith.constant 0 : i32
      %dma_start3A_59 = arith.constant 0 : i32
      %dma_start3A_60 = tpu.memref_slice %arg2[%dma_start3A_58, %dma_start3A_59] : memref<10240x128xf32, #tpu.memory_space<hbm>> -> memref<10240x128xf32, #tpu.memory_space<hbm>>
      tpu.enqueue_indirect_dma source(%dma_start3A_60 : memref<10240x128xf32, #tpu.memory_space<hbm>>) target(%arg10 : memref<128x128xf32, #tpu.memory_space<vmem>>) offsets(%dma_start3A_57 : memref<128xi32, #tpu.memory_space<vmem>>) semaphore(%arg13 : memref<!tpu.dma_semaphore, #tpu.memory_space<semaphore_mem>>)
      %scan3A_61 = arith.constant 0 : i32
      %scan3A_62 = arith.constant 20 : i32
      %scan3A_63 = arith.addi %scan3A_61, %scan3A_62 : i32
      %scan3A_64 = arith.constant 1 : i32
      scf.for %scan3A_66 = %scan3A_61 to %scan3A_63 step %scan3A_64  : i32 {
        %mul3A_67 = arith.constant 2 : i32
        %mul3A_68 = arith.muli %mul3A_67, %scan3A_66 : i32
        %add3A_69 = arith.constant 0 : i32
        %add3A_70 = arith.addi %mul3A_68, %add3A_69 : i32
        %dma_wait3A_71 = arith.constant 0 : i32
        %dma_wait3A_72 = tpu.memref_slice %arg7[%add3A_70, %dma_wait3A_71] : memref<40x128xi32, #tpu.memory_space<vmem>> -> memref<1x128xi32, #tpu.memory_space<vmem>>
        %dma_wait3A_73 = tpu.memref_squeeze %dma_wait3A_72 : memref<1x128xi32, #tpu.memory_space<vmem>> -> memref<128xi32, #tpu.memory_space<vmem>>
        %dma_wait3A_74 = arith.constant 0 : i32
        %dma_wait3A_75 = arith.constant 0 : i32
        %dma_wait3A_76 = tpu.memref_slice %arg2[%dma_wait3A_74, %dma_wait3A_75] : memref<10240x128xf32, #tpu.memory_space<hbm>> -> memref<10240x128xf32, #tpu.memory_space<hbm>>
        tpu.wait_indirect_dma semaphore(%arg12 : memref<!tpu.dma_semaphore, #tpu.memory_space<semaphore_mem>>) src(%dma_wait3A_76 : memref<10240x128xf32, #tpu.memory_space<hbm>>) dst(%arg9 : memref<128x128xf32, #tpu.memory_space<vmem>>)
        "tpu.region"() ({
          %run_scoped3A = tpu.sem_alloc : memref<!tpu.dma_semaphore, #tpu.memory_space<semaphore_mem>>
          %dma_start3A_100 = arith.constant 0 : i32
          %dma_start3A_101 = tpu.memref_slice %arg8[%add3A_70, %dma_start3A_100] : memref<40x128xi32, #tpu.memory_space<vmem>> -> memref<1x128xi32, #tpu.memory_space<vmem>>
          %dma_start3A_102 = tpu.memref_squeeze %dma_start3A_101 : memref<1x128xi32, #tpu.memory_space<vmem>> -> memref<128xi32, #tpu.memory_space<vmem>>
          %dma_start3A_103 = arith.constant 0 : i32
          %dma_start3A_104 = arith.constant 0 : i32
          %dma_start3A_105 = tpu.memref_slice %arg11[%dma_start3A_103, %dma_start3A_104] : memref<10240x128xf32, #tpu.memory_space<vmem_shared>> -> memref<10240x128xf32, #tpu.memory_space<vmem_shared>>
          tpu.enqueue_indirect_dma source(%arg9 : memref<128x128xf32, #tpu.memory_space<vmem>>) target(%dma_start3A_105 : memref<10240x128xf32, #tpu.memory_space<vmem_shared>>) offsets(%dma_start3A_102 : memref<128xi32, #tpu.memory_space<vmem>>) semaphore(%run_scoped3A : memref<!tpu.dma_semaphore, #tpu.memory_space<semaphore_mem>>) {add = true}
          %dma_wait3A_106 = arith.constant 0 : i32
          %dma_wait3A_107 = tpu.memref_slice %arg8[%add3A_70, %dma_wait3A_106] : memref<40x128xi32, #tpu.memory_space<vmem>> -> memref<1x128xi32, #tpu.memory_space<vmem>>
          %dma_wait3A_108 = tpu.memref_squeeze %dma_wait3A_107 : memref<1x128xi32, #tpu.memory_space<vmem>> -> memref<128xi32, #tpu.memory_space<vmem>>
          %dma_wait3A_109 = arith.constant 0 : i32
          %dma_wait3A_110 = arith.constant 0 : i32
          %dma_wait3A_111 = tpu.memref_slice %arg11[%dma_wait3A_109, %dma_wait3A_110] : memref<10240x128xf32, #tpu.memory_space<vmem_shared>> -> memref<10240x128xf32, #tpu.memory_space<vmem_shared>>
          tpu.wait_indirect_dma semaphore(%run_scoped3A : memref<!tpu.dma_semaphore, #tpu.memory_space<semaphore_mem>>) src(%arg9 : memref<128x128xf32, #tpu.memory_space<vmem>>) dst(%dma_wait3A_111 : memref<10240x128xf32, #tpu.memory_space<vmem_shared>>)
          tpu.yield
        }) : () -> ()
        %add3A_77 = arith.constant 2 : i32
        %add3A_78 = arith.addi %add3A_70, %add3A_77 : i32
        %lt3A = arith.constant 40 : i32
        %lt3A_79 = arith.cmpi slt, %add3A_78, %lt3A : i32
        %convert_element_type3A_80 = arith.extui %lt3A_79 : i1 to i32
        %cond3A_81 = arith.constant 0 : i32
        %cond3A_82 = arith.cmpi ne, %convert_element_type3A_80, %cond3A_81 : i32
        scf.if %cond3A_82 {
          %add3A_100 = arith.constant 2 : i32
          %add3A_101 = arith.addi %add3A_70, %add3A_100 : i32
          %dma_start3A_102 = arith.constant 0 : i32
          %dma_start3A_103 = tpu.memref_slice %arg7[%add3A_101, %dma_start3A_102] : memref<40x128xi32, #tpu.memory_space<vmem>> -> memref<1x128xi32, #tpu.memory_space<vmem>>
          %dma_start3A_104 = tpu.memref_squeeze %dma_start3A_103 : memref<1x128xi32, #tpu.memory_space<vmem>> -> memref<128xi32, #tpu.memory_space<vmem>>
          %dma_start3A_105 = arith.constant 0 : i32
          %dma_start3A_106 = arith.constant 0 : i32
          %dma_start3A_107 = tpu.memref_slice %arg2[%dma_start3A_105, %dma_start3A_106] : memref<10240x128xf32, #tpu.memory_space<hbm>> -> memref<10240x128xf32, #tpu.memory_space<hbm>>
          tpu.enqueue_indirect_dma source(%dma_start3A_107 : memref<10240x128xf32, #tpu.memory_space<hbm>>) target(%arg9 : memref<128x128xf32, #tpu.memory_space<vmem>>) offsets(%dma_start3A_104 : memref<128xi32, #tpu.memory_space<vmem>>) semaphore(%arg12 : memref<!tpu.dma_semaphore, #tpu.memory_space<semaphore_mem>>)
        } else {
        }
        %mul3A_83 = arith.constant 2 : i32
        %mul3A_84 = arith.muli %mul3A_83, %scan3A_66 : i32
        %add3A_85 = arith.constant 1 : i32
        %add3A_86 = arith.addi %mul3A_84, %add3A_85 : i32
        %dma_wait3A_87 = arith.constant 0 : i32
        %dma_wait3A_88 = tpu.memref_slice %arg7[%add3A_86, %dma_wait3A_87] : memref<40x128xi32, #tpu.memory_space<vmem>> -> memref<1x128xi32, #tpu.memory_space<vmem>>
        %dma_wait3A_89 = tpu.memref_squeeze %dma_wait3A_88 : memref<1x128xi32, #tpu.memory_space<vmem>> -> memref<128xi32, #tpu.memory_space<vmem>>
        %dma_wait3A_90 = arith.constant 0 : i32
        %dma_wait3A_91 = arith.constant 0 : i32
        %dma_wait3A_92 = tpu.memref_slice %arg2[%dma_wait3A_90, %dma_wait3A_91] : memref<10240x128xf32, #tpu.memory_space<hbm>> -> memref<10240x128xf32, #tpu.memory_space<hbm>>
        tpu.wait_indirect_dma semaphore(%arg13 : memref<!tpu.dma_semaphore, #tpu.memory_space<semaphore_mem>>) src(%dma_wait3A_92 : memref<10240x128xf32, #tpu.memory_space<hbm>>) dst(%arg10 : memref<128x128xf32, #tpu.memory_space<vmem>>)
        "tpu.region"() ({
          %run_scoped3A = tpu.sem_alloc : memref<!tpu.dma_semaphore, #tpu.memory_space<semaphore_mem>>
          %dma_start3A_100 = arith.constant 0 : i32
          %dma_start3A_101 = tpu.memref_slice %arg8[%add3A_86, %dma_start3A_100] : memref<40x128xi32, #tpu.memory_space<vmem>> -> memref<1x128xi32, #tpu.memory_space<vmem>>
          %dma_start3A_102 = tpu.memref_squeeze %dma_start3A_101 : memref<1x128xi32, #tpu.memory_space<vmem>> -> memref<128xi32, #tpu.memory_space<vmem>>
          %dma_start3A_103 = arith.constant 0 : i32
          %dma_start3A_104 = arith.constant 0 : i32
          %dma_start3A_105 = tpu.memref_slice %arg11[%dma_start3A_103, %dma_start3A_104] : memref<10240x128xf32, #tpu.memory_space<vmem_shared>> -> memref<10240x128xf32, #tpu.memory_space<vmem_shared>>
          tpu.enqueue_indirect_dma source(%arg10 : memref<128x128xf32, #tpu.memory_space<vmem>>) target(%dma_start3A_105 : memref<10240x128xf32, #tpu.memory_space<vmem_shared>>) offsets(%dma_start3A_102 : memref<128xi32, #tpu.memory_space<vmem>>) semaphore(%run_scoped3A : memref<!tpu.dma_semaphore, #tpu.memory_space<semaphore_mem>>) {add = true}
          %dma_wait3A_106 = arith.constant 0 : i32
          %dma_wait3A_107 = tpu.memref_slice %arg8[%add3A_86, %dma_wait3A_106] : memref<40x128xi32, #tpu.memory_space<vmem>> -> memref<1x128xi32, #tpu.memory_space<vmem>>
          %dma_wait3A_108 = tpu.memref_squeeze %dma_wait3A_107 : memref<1x128xi32, #tpu.memory_space<vmem>> -> memref<128xi32, #tpu.memory_space<vmem>>
          %dma_wait3A_109 = arith.constant 0 : i32
          %dma_wait3A_110 = arith.constant 0 : i32
          %dma_wait3A_111 = tpu.memref_slice %arg11[%dma_wait3A_109, %dma_wait3A_110] : memref<10240x128xf32, #tpu.memory_space<vmem_shared>> -> memref<10240x128xf32, #tpu.memory_space<vmem_shared>>
          tpu.wait_indirect_dma semaphore(%run_scoped3A : memref<!tpu.dma_semaphore, #tpu.memory_space<semaphore_mem>>) src(%arg10 : memref<128x128xf32, #tpu.memory_space<vmem>>) dst(%dma_wait3A_111 : memref<10240x128xf32, #tpu.memory_space<vmem_shared>>)
          tpu.yield
        }) : () -> ()
        %add3A_93 = arith.constant 2 : i32
        %add3A_94 = arith.addi %add3A_86, %add3A_93 : i32
        %lt3A_95 = arith.constant 40 : i32
        %lt3A_96 = arith.cmpi slt, %add3A_94, %lt3A_95 : i32
        %convert_element_type3A_97 = arith.extui %lt3A_96 : i1 to i32
        %cond3A_98 = arith.constant 0 : i32
        %cond3A_99 = arith.cmpi ne, %convert_element_type3A_97, %cond3A_98 : i32
        scf.if %cond3A_99 {
          %add3A_100 = arith.constant 2 : i32
          %add3A_101 = arith.addi %add3A_86, %add3A_100 : i32
          %dma_start3A_102 = arith.constant 0 : i32
          %dma_start3A_103 = tpu.memref_slice %arg7[%add3A_101, %dma_start3A_102] : memref<40x128xi32, #tpu.memory_space<vmem>> -> memref<1x128xi32, #tpu.memory_space<vmem>>
          %dma_start3A_104 = tpu.memref_squeeze %dma_start3A_103 : memref<1x128xi32, #tpu.memory_space<vmem>> -> memref<128xi32, #tpu.memory_space<vmem>>
          %dma_start3A_105 = arith.constant 0 : i32
          %dma_start3A_106 = arith.constant 0 : i32
          %dma_start3A_107 = tpu.memref_slice %arg2[%dma_start3A_105, %dma_start3A_106] : memref<10240x128xf32, #tpu.memory_space<hbm>> -> memref<10240x128xf32, #tpu.memory_space<hbm>>
          tpu.enqueue_indirect_dma source(%dma_start3A_107 : memref<10240x128xf32, #tpu.memory_space<hbm>>) target(%arg10 : memref<128x128xf32, #tpu.memory_space<vmem>>) offsets(%dma_start3A_104 : memref<128xi32, #tpu.memory_space<vmem>>) semaphore(%arg13 : memref<!tpu.dma_semaphore, #tpu.memory_space<semaphore_mem>>)
        } else {
        }
      }
      %scan3A_65 = arith.constant 20 : i32
    } else {
    }
    %barrier3A = arith.constant 0 : index
    tpu.barrier barrier_id(%barrier3A)
    %mul3A_9 = arith.constant 640 : i32
    %mul3A_10 = arith.muli %arg1, %mul3A_9 : i32
    %mul3A_11 = arith.constant 10240 : i32
    %mul3A_12 = arith.muli %arg0, %mul3A_11 : i32
    %mul3A_13 = arith.constant 640 : i32
    %mul3A_14 = arith.muli %arg1, %mul3A_13 : i32
    %add3A = arith.addi %mul3A_12, %mul3A_14 : i32
    "tpu.region"() ({
      %run_scoped3A = tpu.sem_alloc : memref<!tpu.dma_semaphore, #tpu.memory_space<semaphore_mem>>
      %dma_start3A_15 = arith.constant 0 : i32
      %dma_start3A_16 = tpu.memref_slice %arg6[%add3A, %dma_start3A_15] : memref<20480x128xf32, #tpu.memory_space<hbm>> -> memref<640x128xf32, #tpu.memory_space<hbm>>
      %dma_start3A_17 = arith.constant 0 : i32
      %dma_start3A_18 = tpu.memref_slice %arg11[%mul3A_10, %dma_start3A_17] : memref<10240x128xf32, #tpu.memory_space<vmem_shared>> -> memref<640x128xf32, #tpu.memory_space<vmem_shared>>
      tpu.enqueue_dma source(%dma_start3A_18 : memref<640x128xf32, #tpu.memory_space<vmem_shared>>) target(%dma_start3A_16 : memref<640x128xf32, #tpu.memory_space<hbm>>) target_semaphore(%run_scoped3A : memref<!tpu.dma_semaphore, #tpu.memory_space<semaphore_mem>>)
      %dma_wait3A = arith.constant 0 : i32
      %dma_wait3A_19 = tpu.memref_slice %arg6[%add3A, %dma_wait3A] : memref<20480x128xf32, #tpu.memory_space<hbm>> -> memref<640x128xf32, #tpu.memory_space<hbm>>
      %dma_wait3A_20 = arith.constant 0 : i32
      %dma_wait3A_21 = tpu.memref_slice %arg11[%mul3A_10, %dma_wait3A_20] : memref<10240x128xf32, #tpu.memory_space<vmem_shared>> -> memref<640x128xf32, #tpu.memory_space<vmem_shared>>
      tpu.wait_dma2 semaphore(%run_scoped3A : memref<!tpu.dma_semaphore, #tpu.memory_space<semaphore_mem>>) src(%dma_wait3A_21 : memref<640x128xf32, #tpu.memory_space<vmem_shared>>) dst(%dma_wait3A_19 : memref<640x128xf32, #tpu.memory_space<hbm>>)
      tpu.yield
    }) : () -> ()
    return
  }
}

#map = affine_map<(d0, d1) -> (0, 0)>
module attributes {stable_mosaic.version = 14 : i64} {
  func.func @_sc_aggregate(%arg0: i32, %arg1: i32, %arg2: memref<10240x128xf32, #tpu.memory_space<hbm>>, %arg3: memref<2560x128xi32, #tpu.memory_space<hbm>>, %arg4: memref<2560x128xi32, #tpu.memory_space<hbm>>, %arg5: memref<640x128xf32, #tpu.memory_space<hbm>>, %arg6: memref<20480x128xf32, #tpu.memory_space<hbm>>, %arg7: memref<40x128xi32, #tpu.memory_space<vmem>>, %arg8: memref<40x128xi32, #tpu.memory_space<vmem>>, %arg9: memref<128x128xf32, #tpu.memory_space<vmem>>, %arg10: memref<128x128xf32, #tpu.memory_space<vmem>>, %arg11: memref<10240x128xf32, #tpu.memory_space<vmem_shared>>, %arg12: memref<!tpu.dma_semaphore, #tpu.memory_space<semaphore_mem>>, %arg13: memref<!tpu.dma_semaphore, #tpu.memory_space<semaphore_mem>>, %arg14: memref<!tpu.dma_semaphore, #tpu.memory_space<semaphore_mem>>) attributes {dimension_semantics = [#tpu.dimension_semantics<core_parallel>, #tpu.dimension_semantics<subcore_parallel>], iteration_bounds = array<i64: 2, 16>, scalar_prefetch = 0 : i64, scratch_operands = 8 : i64, tpu.core_type = #tpu.core_type<sc_vector_subcore>, window_params = [{transform_indices = #map}, {transform_indices = #map}, {transform_indices = #map}, {transform_indices = #map}, {transform_indices = #map}]} {
    %mul3A = arith.constant 640 : i32
    %mul3A_0 = arith.muli %arg1, %mul3A : i32
    %dma_start3A = arith.constant 0 : i32
    %dma_start3A_1 = tpu.memref_slice %arg11[%mul3A_0, %dma_start3A] : memref<10240x128xf32, #tpu.memory_space<vmem_shared>> -> memref<640x128xf32, #tpu.memory_space<vmem_shared>>
    tpu.enqueue_dma source(%arg5 : memref<640x128xf32, #tpu.memory_space<hbm>>) target(%dma_start3A_1 : memref<640x128xf32, #tpu.memory_space<vmem_shared>>) target_semaphore(%arg14 : memref<!tpu.dma_semaphore, #tpu.memory_space<semaphore_mem>>)
    %eq3A = arith.constant 0 : i32
    %eq3A_2 = arith.cmpi eq, %arg0, %eq3A : i32
    %convert_element_type3A = arith.extui %eq3A_2 : i1 to i32
    %cond3A = arith.constant 0 : i32
    %cond3A_3 = arith.cmpi ne, %convert_element_type3A, %cond3A : i32
    scf.if %cond3A_3 {
      %mul3A_15 = arith.constant 160 : i32
      %mul3A_16 = arith.muli %arg1, %mul3A_15 : i32
      %add3A_17 = arith.constant 0 : i32
      %add3A_18 = arith.addi %mul3A_16, %add3A_17 : i32
      "tpu.region"() ({
        %run_scoped3A = tpu.sem_alloc : memref<!tpu.dma_semaphore, #tpu.memory_space<semaphore_mem>>
        %dma_start3A_64 = arith.constant 0 : i32
        %dma_start3A_65 = tpu.memref_slice %arg3[%add3A_18, %dma_start3A_64] : memref<2560x128xi32, #tpu.memory_space<hbm>> -> memref<40x128xi32, #tpu.memory_space<hbm>>
        %dma_start3A_66 = arith.constant 0 : i32
        %dma_start3A_67 = tpu.memref_slice %arg3[%add3A_18, %dma_start3A_66] : memref<2560x128xi32, #tpu.memory_space<hbm>> -> memref<40x128xi32, #tpu.memory_space<hbm>>
        tpu.enqueue_dma source(%dma_start3A_67 : memref<40x128xi32, #tpu.memory_space<hbm>>) target(%arg7 : memref<40x128xi32, #tpu.memory_space<vmem>>) target_semaphore(%run_scoped3A : memref<!tpu.dma_semaphore, #tpu.memory_space<semaphore_mem>>)
        %dma_wait3A_68 = arith.constant 0 : i32
        %dma_wait3A_69 = tpu.memref_slice %arg3[%add3A_18, %dma_wait3A_68] : memref<2560x128xi32, #tpu.memory_space<hbm>> -> memref<40x128xi32, #tpu.memory_space<hbm>>
        %dma_wait3A_70 = arith.constant 0 : i32
        %dma_wait3A_71 = tpu.memref_slice %arg3[%add3A_18, %dma_wait3A_70] : memref<2560x128xi32, #tpu.memory_space<hbm>> -> memref<40x128xi32, #tpu.memory_space<hbm>>
        tpu.wait_dma2 semaphore(%run_scoped3A : memref<!tpu.dma_semaphore, #tpu.memory_space<semaphore_mem>>) src(%dma_wait3A_71 : memref<40x128xi32, #tpu.memory_space<hbm>>) dst(%arg7 : memref<40x128xi32, #tpu.memory_space<vmem>>)
        tpu.yield
      }) : () -> ()
      %add3A_19 = arith.constant 0 : i32
      %add3A_20 = arith.addi %mul3A_16, %add3A_19 : i32
      "tpu.region"() ({
        %run_scoped3A = tpu.sem_alloc : memref<!tpu.dma_semaphore, #tpu.memory_space<semaphore_mem>>
        %dma_start3A_64 = arith.constant 0 : i32
        %dma_start3A_65 = tpu.memref_slice %arg4[%add3A_20, %dma_start3A_64] : memref<2560x128xi32, #tpu.memory_space<hbm>> -> memref<40x128xi32, #tpu.memory_space<hbm>>
        %dma_start3A_66 = arith.constant 0 : i32
        %dma_start3A_67 = tpu.memref_slice %arg4[%add3A_20, %dma_start3A_66] : memref<2560x128xi32, #tpu.memory_space<hbm>> -> memref<40x128xi32, #tpu.memory_space<hbm>>
        tpu.enqueue_dma source(%dma_start3A_67 : memref<40x128xi32, #tpu.memory_space<hbm>>) target(%arg8 : memref<40x128xi32, #tpu.memory_space<vmem>>) target_semaphore(%run_scoped3A : memref<!tpu.dma_semaphore, #tpu.memory_space<semaphore_mem>>)
        %dma_wait3A_68 = arith.constant 0 : i32
        %dma_wait3A_69 = tpu.memref_slice %arg4[%add3A_20, %dma_wait3A_68] : memref<2560x128xi32, #tpu.memory_space<hbm>> -> memref<40x128xi32, #tpu.memory_space<hbm>>
        %dma_wait3A_70 = arith.constant 0 : i32
        %dma_wait3A_71 = tpu.memref_slice %arg4[%add3A_20, %dma_wait3A_70] : memref<2560x128xi32, #tpu.memory_space<hbm>> -> memref<40x128xi32, #tpu.memory_space<hbm>>
        tpu.wait_dma2 semaphore(%run_scoped3A : memref<!tpu.dma_semaphore, #tpu.memory_space<semaphore_mem>>) src(%dma_wait3A_71 : memref<40x128xi32, #tpu.memory_space<hbm>>) dst(%arg8 : memref<40x128xi32, #tpu.memory_space<vmem>>)
        tpu.yield
      }) : () -> ()
      %dma_start3A_21 = arith.constant 0 : i32
      %dma_start3A_22 = arith.constant 0 : i32
      %dma_start3A_23 = tpu.memref_slice %arg7[%dma_start3A_21, %dma_start3A_22] : memref<40x128xi32, #tpu.memory_space<vmem>> -> memref<1x128xi32, #tpu.memory_space<vmem>>
      %dma_start3A_24 = tpu.memref_squeeze %dma_start3A_23 : memref<1x128xi32, #tpu.memory_space<vmem>> -> memref<128xi32, #tpu.memory_space<vmem>>
      %dma_start3A_25 = arith.constant 0 : i32
      %dma_start3A_26 = arith.constant 0 : i32
      %dma_start3A_27 = tpu.memref_slice %arg2[%dma_start3A_25, %dma_start3A_26] : memref<10240x128xf32, #tpu.memory_space<hbm>> -> memref<10240x128xf32, #tpu.memory_space<hbm>>
      tpu.enqueue_indirect_dma source(%dma_start3A_27 : memref<10240x128xf32, #tpu.memory_space<hbm>>) target(%arg9 : memref<128x128xf32, #tpu.memory_space<vmem>>) offsets(%dma_start3A_24 : memref<128xi32, #tpu.memory_space<vmem>>) semaphore(%arg12 : memref<!tpu.dma_semaphore, #tpu.memory_space<semaphore_mem>>)
      %dma_start3A_28 = arith.constant 1 : i32
      %dma_start3A_29 = arith.constant 0 : i32
      %dma_start3A_30 = tpu.memref_slice %arg7[%dma_start3A_28, %dma_start3A_29] : memref<40x128xi32, #tpu.memory_space<vmem>> -> memref<1x128xi32, #tpu.memory_space<vmem>>
      %dma_start3A_31 = tpu.memref_squeeze %dma_start3A_30 : memref<1x128xi32, #tpu.memory_space<vmem>> -> memref<128xi32, #tpu.memory_space<vmem>>
      %dma_start3A_32 = arith.constant 0 : i32
      %dma_start3A_33 = arith.constant 0 : i32
      %dma_start3A_34 = tpu.memref_slice %arg2[%dma_start3A_32, %dma_start3A_33] : memref<10240x128xf32, #tpu.memory_space<hbm>> -> memref<10240x128xf32, #tpu.memory_space<hbm>>
      tpu.enqueue_indirect_dma source(%dma_start3A_34 : memref<10240x128xf32, #tpu.memory_space<hbm>>) target(%arg10 : memref<128x128xf32, #tpu.memory_space<vmem>>) offsets(%dma_start3A_31 : memref<128xi32, #tpu.memory_space<vmem>>) semaphore(%arg13 : memref<!tpu.dma_semaphore, #tpu.memory_space<semaphore_mem>>)
      %dma_wait3A = arith.constant 0 : i32
      %dma_wait3A_35 = tpu.memref_slice %arg11[%mul3A_0, %dma_wait3A] : memref<10240x128xf32, #tpu.memory_space<vmem_shared>> -> memref<640x128xf32, #tpu.memory_space<vmem_shared>>
      tpu.wait_dma2 semaphore(%arg14 : memref<!tpu.dma_semaphore, #tpu.memory_space<semaphore_mem>>) src(%arg5 : memref<640x128xf32, #tpu.memory_space<hbm>>) dst(%dma_wait3A_35 : memref<640x128xf32, #tpu.memory_space<vmem_shared>>)
      %barrier3A_36 = arith.constant 0 : index
      tpu.barrier barrier_id(%barrier3A_36)
      %scan3A = arith.constant 0 : i32
      %scan3A_37 = arith.constant 20 : i32
      %scan3A_38 = arith.addi %scan3A, %scan3A_37 : i32
      %scan3A_39 = arith.constant 1 : i32
      scf.for %scan3A_64 = %scan3A to %scan3A_38 step %scan3A_39  : i32 {
        %mul3A_65 = arith.constant 2 : i32
        %mul3A_66 = arith.muli %mul3A_65, %scan3A_64 : i32
        %add3A_67 = arith.constant 0 : i32
        %add3A_68 = arith.addi %mul3A_66, %add3A_67 : i32
        %dma_wait3A_69 = arith.constant 0 : i32
        %dma_wait3A_70 = tpu.memref_slice %arg7[%add3A_68, %dma_wait3A_69] : memref<40x128xi32, #tpu.memory_space<vmem>> -> memref<1x128xi32, #tpu.memory_space<vmem>>
        %dma_wait3A_71 = tpu.memref_squeeze %dma_wait3A_70 : memref<1x128xi32, #tpu.memory_space<vmem>> -> memref<128xi32, #tpu.memory_space<vmem>>
        %dma_wait3A_72 = arith.constant 0 : i32
        %dma_wait3A_73 = arith.constant 0 : i32
        %dma_wait3A_74 = tpu.memref_slice %arg2[%dma_wait3A_72, %dma_wait3A_73] : memref<10240x128xf32, #tpu.memory_space<hbm>> -> memref<10240x128xf32, #tpu.memory_space<hbm>>
        tpu.wait_indirect_dma semaphore(%arg12 : memref<!tpu.dma_semaphore, #tpu.memory_space<semaphore_mem>>) src(%dma_wait3A_74 : memref<10240x128xf32, #tpu.memory_space<hbm>>) dst(%arg9 : memref<128x128xf32, #tpu.memory_space<vmem>>)
        "tpu.region"() ({
          %run_scoped3A = tpu.sem_alloc : memref<!tpu.dma_semaphore, #tpu.memory_space<semaphore_mem>>
          %dma_start3A_98 = arith.constant 0 : i32
          %dma_start3A_99 = tpu.memref_slice %arg8[%add3A_68, %dma_start3A_98] : memref<40x128xi32, #tpu.memory_space<vmem>> -> memref<1x128xi32, #tpu.memory_space<vmem>>
          %dma_start3A_100 = tpu.memref_squeeze %dma_start3A_99 : memref<1x128xi32, #tpu.memory_space<vmem>> -> memref<128xi32, #tpu.memory_space<vmem>>
          %dma_start3A_101 = arith.constant 0 : i32
          %dma_start3A_102 = arith.constant 0 : i32
          %dma_start3A_103 = tpu.memref_slice %arg11[%dma_start3A_101, %dma_start3A_102] : memref<10240x128xf32, #tpu.memory_space<vmem_shared>> -> memref<10240x128xf32, #tpu.memory_space<vmem_shared>>
          tpu.enqueue_indirect_dma source(%arg9 : memref<128x128xf32, #tpu.memory_space<vmem>>) target(%dma_start3A_103 : memref<10240x128xf32, #tpu.memory_space<vmem_shared>>) offsets(%dma_start3A_100 : memref<128xi32, #tpu.memory_space<vmem>>) semaphore(%run_scoped3A : memref<!tpu.dma_semaphore, #tpu.memory_space<semaphore_mem>>) {add = true}
          %dma_wait3A_104 = arith.constant 0 : i32
          %dma_wait3A_105 = tpu.memref_slice %arg8[%add3A_68, %dma_wait3A_104] : memref<40x128xi32, #tpu.memory_space<vmem>> -> memref<1x128xi32, #tpu.memory_space<vmem>>
          %dma_wait3A_106 = tpu.memref_squeeze %dma_wait3A_105 : memref<1x128xi32, #tpu.memory_space<vmem>> -> memref<128xi32, #tpu.memory_space<vmem>>
          %dma_wait3A_107 = arith.constant 0 : i32
          %dma_wait3A_108 = arith.constant 0 : i32
          %dma_wait3A_109 = tpu.memref_slice %arg11[%dma_wait3A_107, %dma_wait3A_108] : memref<10240x128xf32, #tpu.memory_space<vmem_shared>> -> memref<10240x128xf32, #tpu.memory_space<vmem_shared>>
          tpu.wait_indirect_dma semaphore(%run_scoped3A : memref<!tpu.dma_semaphore, #tpu.memory_space<semaphore_mem>>) src(%arg9 : memref<128x128xf32, #tpu.memory_space<vmem>>) dst(%dma_wait3A_109 : memref<10240x128xf32, #tpu.memory_space<vmem_shared>>)
          tpu.yield
        }) : () -> ()
        %add3A_75 = arith.constant 2 : i32
        %add3A_76 = arith.addi %add3A_68, %add3A_75 : i32
        %lt3A = arith.constant 40 : i32
        %lt3A_77 = arith.cmpi slt, %add3A_76, %lt3A : i32
        %convert_element_type3A_78 = arith.extui %lt3A_77 : i1 to i32
        %cond3A_79 = arith.constant 0 : i32
        %cond3A_80 = arith.cmpi ne, %convert_element_type3A_78, %cond3A_79 : i32
        scf.if %cond3A_80 {
          %add3A_98 = arith.constant 2 : i32
          %add3A_99 = arith.addi %add3A_68, %add3A_98 : i32
          %dma_start3A_100 = arith.constant 0 : i32
          %dma_start3A_101 = tpu.memref_slice %arg7[%add3A_99, %dma_start3A_100] : memref<40x128xi32, #tpu.memory_space<vmem>> -> memref<1x128xi32, #tpu.memory_space<vmem>>
          %dma_start3A_102 = tpu.memref_squeeze %dma_start3A_101 : memref<1x128xi32, #tpu.memory_space<vmem>> -> memref<128xi32, #tpu.memory_space<vmem>>
          %dma_start3A_103 = arith.constant 0 : i32
          %dma_start3A_104 = arith.constant 0 : i32
          %dma_start3A_105 = tpu.memref_slice %arg2[%dma_start3A_103, %dma_start3A_104] : memref<10240x128xf32, #tpu.memory_space<hbm>> -> memref<10240x128xf32, #tpu.memory_space<hbm>>
          tpu.enqueue_indirect_dma source(%dma_start3A_105 : memref<10240x128xf32, #tpu.memory_space<hbm>>) target(%arg9 : memref<128x128xf32, #tpu.memory_space<vmem>>) offsets(%dma_start3A_102 : memref<128xi32, #tpu.memory_space<vmem>>) semaphore(%arg12 : memref<!tpu.dma_semaphore, #tpu.memory_space<semaphore_mem>>)
        } else {
        }
        %mul3A_81 = arith.constant 2 : i32
        %mul3A_82 = arith.muli %mul3A_81, %scan3A_64 : i32
        %add3A_83 = arith.constant 1 : i32
        %add3A_84 = arith.addi %mul3A_82, %add3A_83 : i32
        %dma_wait3A_85 = arith.constant 0 : i32
        %dma_wait3A_86 = tpu.memref_slice %arg7[%add3A_84, %dma_wait3A_85] : memref<40x128xi32, #tpu.memory_space<vmem>> -> memref<1x128xi32, #tpu.memory_space<vmem>>
        %dma_wait3A_87 = tpu.memref_squeeze %dma_wait3A_86 : memref<1x128xi32, #tpu.memory_space<vmem>> -> memref<128xi32, #tpu.memory_space<vmem>>
        %dma_wait3A_88 = arith.constant 0 : i32
        %dma_wait3A_89 = arith.constant 0 : i32
        %dma_wait3A_90 = tpu.memref_slice %arg2[%dma_wait3A_88, %dma_wait3A_89] : memref<10240x128xf32, #tpu.memory_space<hbm>> -> memref<10240x128xf32, #tpu.memory_space<hbm>>
        tpu.wait_indirect_dma semaphore(%arg13 : memref<!tpu.dma_semaphore, #tpu.memory_space<semaphore_mem>>) src(%dma_wait3A_90 : memref<10240x128xf32, #tpu.memory_space<hbm>>) dst(%arg10 : memref<128x128xf32, #tpu.memory_space<vmem>>)
        "tpu.region"() ({
          %run_scoped3A = tpu.sem_alloc : memref<!tpu.dma_semaphore, #tpu.memory_space<semaphore_mem>>
          %dma_start3A_98 = arith.constant 0 : i32
          %dma_start3A_99 = tpu.memref_slice %arg8[%add3A_84, %dma_start3A_98] : memref<40x128xi32, #tpu.memory_space<vmem>> -> memref<1x128xi32, #tpu.memory_space<vmem>>
          %dma_start3A_100 = tpu.memref_squeeze %dma_start3A_99 : memref<1x128xi32, #tpu.memory_space<vmem>> -> memref<128xi32, #tpu.memory_space<vmem>>
          %dma_start3A_101 = arith.constant 0 : i32
          %dma_start3A_102 = arith.constant 0 : i32
          %dma_start3A_103 = tpu.memref_slice %arg11[%dma_start3A_101, %dma_start3A_102] : memref<10240x128xf32, #tpu.memory_space<vmem_shared>> -> memref<10240x128xf32, #tpu.memory_space<vmem_shared>>
          tpu.enqueue_indirect_dma source(%arg10 : memref<128x128xf32, #tpu.memory_space<vmem>>) target(%dma_start3A_103 : memref<10240x128xf32, #tpu.memory_space<vmem_shared>>) offsets(%dma_start3A_100 : memref<128xi32, #tpu.memory_space<vmem>>) semaphore(%run_scoped3A : memref<!tpu.dma_semaphore, #tpu.memory_space<semaphore_mem>>) {add = true}
          %dma_wait3A_104 = arith.constant 0 : i32
          %dma_wait3A_105 = tpu.memref_slice %arg8[%add3A_84, %dma_wait3A_104] : memref<40x128xi32, #tpu.memory_space<vmem>> -> memref<1x128xi32, #tpu.memory_space<vmem>>
          %dma_wait3A_106 = tpu.memref_squeeze %dma_wait3A_105 : memref<1x128xi32, #tpu.memory_space<vmem>> -> memref<128xi32, #tpu.memory_space<vmem>>
          %dma_wait3A_107 = arith.constant 0 : i32
          %dma_wait3A_108 = arith.constant 0 : i32
          %dma_wait3A_109 = tpu.memref_slice %arg11[%dma_wait3A_107, %dma_wait3A_108] : memref<10240x128xf32, #tpu.memory_space<vmem_shared>> -> memref<10240x128xf32, #tpu.memory_space<vmem_shared>>
          tpu.wait_indirect_dma semaphore(%run_scoped3A : memref<!tpu.dma_semaphore, #tpu.memory_space<semaphore_mem>>) src(%arg10 : memref<128x128xf32, #tpu.memory_space<vmem>>) dst(%dma_wait3A_109 : memref<10240x128xf32, #tpu.memory_space<vmem_shared>>)
          tpu.yield
        }) : () -> ()
        %add3A_91 = arith.constant 2 : i32
        %add3A_92 = arith.addi %add3A_84, %add3A_91 : i32
        %lt3A_93 = arith.constant 40 : i32
        %lt3A_94 = arith.cmpi slt, %add3A_92, %lt3A_93 : i32
        %convert_element_type3A_95 = arith.extui %lt3A_94 : i1 to i32
        %cond3A_96 = arith.constant 0 : i32
        %cond3A_97 = arith.cmpi ne, %convert_element_type3A_95, %cond3A_96 : i32
        scf.if %cond3A_97 {
          %add3A_98 = arith.constant 2 : i32
          %add3A_99 = arith.addi %add3A_84, %add3A_98 : i32
          %dma_start3A_100 = arith.constant 0 : i32
          %dma_start3A_101 = tpu.memref_slice %arg7[%add3A_99, %dma_start3A_100] : memref<40x128xi32, #tpu.memory_space<vmem>> -> memref<1x128xi32, #tpu.memory_space<vmem>>
          %dma_start3A_102 = tpu.memref_squeeze %dma_start3A_101 : memref<1x128xi32, #tpu.memory_space<vmem>> -> memref<128xi32, #tpu.memory_space<vmem>>
          %dma_start3A_103 = arith.constant 0 : i32
          %dma_start3A_104 = arith.constant 0 : i32
          %dma_start3A_105 = tpu.memref_slice %arg2[%dma_start3A_103, %dma_start3A_104] : memref<10240x128xf32, #tpu.memory_space<hbm>> -> memref<10240x128xf32, #tpu.memory_space<hbm>>
          tpu.enqueue_indirect_dma source(%dma_start3A_105 : memref<10240x128xf32, #tpu.memory_space<hbm>>) target(%arg10 : memref<128x128xf32, #tpu.memory_space<vmem>>) offsets(%dma_start3A_102 : memref<128xi32, #tpu.memory_space<vmem>>) semaphore(%arg13 : memref<!tpu.dma_semaphore, #tpu.memory_space<semaphore_mem>>)
        } else {
        }
      }
      %scan3A_40 = arith.constant 20 : i32
      %add3A_41 = arith.constant 40 : i32
      %add3A_42 = arith.addi %mul3A_16, %add3A_41 : i32
      "tpu.region"() ({
        %run_scoped3A = tpu.sem_alloc : memref<!tpu.dma_semaphore, #tpu.memory_space<semaphore_mem>>
        %dma_start3A_64 = arith.constant 0 : i32
        %dma_start3A_65 = tpu.memref_slice %arg3[%add3A_42, %dma_start3A_64] : memref<2560x128xi32, #tpu.memory_space<hbm>> -> memref<40x128xi32, #tpu.memory_space<hbm>>
        %dma_start3A_66 = arith.constant 0 : i32
        %dma_start3A_67 = tpu.memref_slice %arg3[%add3A_42, %dma_start3A_66] : memref<2560x128xi32, #tpu.memory_space<hbm>> -> memref<40x128xi32, #tpu.memory_space<hbm>>
        tpu.enqueue_dma source(%dma_start3A_67 : memref<40x128xi32, #tpu.memory_space<hbm>>) target(%arg7 : memref<40x128xi32, #tpu.memory_space<vmem>>) target_semaphore(%run_scoped3A : memref<!tpu.dma_semaphore, #tpu.memory_space<semaphore_mem>>)
        %dma_wait3A_68 = arith.constant 0 : i32
        %dma_wait3A_69 = tpu.memref_slice %arg3[%add3A_42, %dma_wait3A_68] : memref<2560x128xi32, #tpu.memory_space<hbm>> -> memref<40x128xi32, #tpu.memory_space<hbm>>
        %dma_wait3A_70 = arith.constant 0 : i32
        %dma_wait3A_71 = tpu.memref_slice %arg3[%add3A_42, %dma_wait3A_70] : memref<2560x128xi32, #tpu.memory_space<hbm>> -> memref<40x128xi32, #tpu.memory_space<hbm>>
        tpu.wait_dma2 semaphore(%run_scoped3A : memref<!tpu.dma_semaphore, #tpu.memory_space<semaphore_mem>>) src(%dma_wait3A_71 : memref<40x128xi32, #tpu.memory_space<hbm>>) dst(%arg7 : memref<40x128xi32, #tpu.memory_space<vmem>>)
        tpu.yield
      }) : () -> ()
      %add3A_43 = arith.constant 40 : i32
      %add3A_44 = arith.addi %mul3A_16, %add3A_43 : i32
      "tpu.region"() ({
        %run_scoped3A = tpu.sem_alloc : memref<!tpu.dma_semaphore, #tpu.memory_space<semaphore_mem>>
        %dma_start3A_64 = arith.constant 0 : i32
        %dma_start3A_65 = tpu.memref_slice %arg4[%add3A_44, %dma_start3A_64] : memref<2560x128xi32, #tpu.memory_space<hbm>> -> memref<40x128xi32, #tpu.memory_space<hbm>>
        %dma_start3A_66 = arith.constant 0 : i32
        %dma_start3A_67 = tpu.memref_slice %arg4[%add3A_44, %dma_start3A_66] : memref<2560x128xi32, #tpu.memory_space<hbm>> -> memref<40x128xi32, #tpu.memory_space<hbm>>
        tpu.enqueue_dma source(%dma_start3A_67 : memref<40x128xi32, #tpu.memory_space<hbm>>) target(%arg8 : memref<40x128xi32, #tpu.memory_space<vmem>>) target_semaphore(%run_scoped3A : memref<!tpu.dma_semaphore, #tpu.memory_space<semaphore_mem>>)
        %dma_wait3A_68 = arith.constant 0 : i32
        %dma_wait3A_69 = tpu.memref_slice %arg4[%add3A_44, %dma_wait3A_68] : memref<2560x128xi32, #tpu.memory_space<hbm>> -> memref<40x128xi32, #tpu.memory_space<hbm>>
        %dma_wait3A_70 = arith.constant 0 : i32
        %dma_wait3A_71 = tpu.memref_slice %arg4[%add3A_44, %dma_wait3A_70] : memref<2560x128xi32, #tpu.memory_space<hbm>> -> memref<40x128xi32, #tpu.memory_space<hbm>>
        tpu.wait_dma2 semaphore(%run_scoped3A : memref<!tpu.dma_semaphore, #tpu.memory_space<semaphore_mem>>) src(%dma_wait3A_71 : memref<40x128xi32, #tpu.memory_space<hbm>>) dst(%arg8 : memref<40x128xi32, #tpu.memory_space<vmem>>)
        tpu.yield
      }) : () -> ()
      %dma_start3A_45 = arith.constant 0 : i32
      %dma_start3A_46 = arith.constant 0 : i32
      %dma_start3A_47 = tpu.memref_slice %arg7[%dma_start3A_45, %dma_start3A_46] : memref<40x128xi32, #tpu.memory_space<vmem>> -> memref<1x128xi32, #tpu.memory_space<vmem>>
      %dma_start3A_48 = tpu.memref_squeeze %dma_start3A_47 : memref<1x128xi32, #tpu.memory_space<vmem>> -> memref<128xi32, #tpu.memory_space<vmem>>
      %dma_start3A_49 = arith.constant 0 : i32
      %dma_start3A_50 = arith.constant 0 : i32
      %dma_start3A_51 = tpu.memref_slice %arg2[%dma_start3A_49, %dma_start3A_50] : memref<10240x128xf32, #tpu.memory_space<hbm>> -> memref<10240x128xf32, #tpu.memory_space<hbm>>
      tpu.enqueue_indirect_dma source(%dma_start3A_51 : memref<10240x128xf32, #tpu.memory_space<hbm>>) target(%arg9 : memref<128x128xf32, #tpu.memory_space<vmem>>) offsets(%dma_start3A_48 : memref<128xi32, #tpu.memory_space<vmem>>) semaphore(%arg12 : memref<!tpu.dma_semaphore, #tpu.memory_space<semaphore_mem>>)
      %dma_start3A_52 = arith.constant 1 : i32
      %dma_start3A_53 = arith.constant 0 : i32
      %dma_start3A_54 = tpu.memref_slice %arg7[%dma_start3A_52, %dma_start3A_53] : memref<40x128xi32, #tpu.memory_space<vmem>> -> memref<1x128xi32, #tpu.memory_space<vmem>>
      %dma_start3A_55 = tpu.memref_squeeze %dma_start3A_54 : memref<1x128xi32, #tpu.memory_space<vmem>> -> memref<128xi32, #tpu.memory_space<vmem>>
      %dma_start3A_56 = arith.constant 0 : i32
      %dma_start3A_57 = arith.constant 0 : i32
      %dma_start3A_58 = tpu.memref_slice %arg2[%dma_start3A_56, %dma_start3A_57] : memref<10240x128xf32, #tpu.memory_space<hbm>> -> memref<10240x128xf32, #tpu.memory_space<hbm>>
      tpu.enqueue_indirect_dma source(%dma_start3A_58 : memref<10240x128xf32, #tpu.memory_space<hbm>>) target(%arg10 : memref<128x128xf32, #tpu.memory_space<vmem>>) offsets(%dma_start3A_55 : memref<128xi32, #tpu.memory_space<vmem>>) semaphore(%arg13 : memref<!tpu.dma_semaphore, #tpu.memory_space<semaphore_mem>>)
      %scan3A_59 = arith.constant 0 : i32
      %scan3A_60 = arith.constant 20 : i32
      %scan3A_61 = arith.addi %scan3A_59, %scan3A_60 : i32
      %scan3A_62 = arith.constant 1 : i32
      scf.for %scan3A_64 = %scan3A_59 to %scan3A_61 step %scan3A_62  : i32 {
        %mul3A_65 = arith.constant 2 : i32
        %mul3A_66 = arith.muli %mul3A_65, %scan3A_64 : i32
        %add3A_67 = arith.constant 0 : i32
        %add3A_68 = arith.addi %mul3A_66, %add3A_67 : i32
        %dma_wait3A_69 = arith.constant 0 : i32
        %dma_wait3A_70 = tpu.memref_slice %arg7[%add3A_68, %dma_wait3A_69] : memref<40x128xi32, #tpu.memory_space<vmem>> -> memref<1x128xi32, #tpu.memory_space<vmem>>
        %dma_wait3A_71 = tpu.memref_squeeze %dma_wait3A_70 : memref<1x128xi32, #tpu.memory_space<vmem>> -> memref<128xi32, #tpu.memory_space<vmem>>
        %dma_wait3A_72 = arith.constant 0 : i32
        %dma_wait3A_73 = arith.constant 0 : i32
        %dma_wait3A_74 = tpu.memref_slice %arg2[%dma_wait3A_72, %dma_wait3A_73] : memref<10240x128xf32, #tpu.memory_space<hbm>> -> memref<10240x128xf32, #tpu.memory_space<hbm>>
        tpu.wait_indirect_dma semaphore(%arg12 : memref<!tpu.dma_semaphore, #tpu.memory_space<semaphore_mem>>) src(%dma_wait3A_74 : memref<10240x128xf32, #tpu.memory_space<hbm>>) dst(%arg9 : memref<128x128xf32, #tpu.memory_space<vmem>>)
        "tpu.region"() ({
          %run_scoped3A = tpu.sem_alloc : memref<!tpu.dma_semaphore, #tpu.memory_space<semaphore_mem>>
          %dma_start3A_98 = arith.constant 0 : i32
          %dma_start3A_99 = tpu.memref_slice %arg8[%add3A_68, %dma_start3A_98] : memref<40x128xi32, #tpu.memory_space<vmem>> -> memref<1x128xi32, #tpu.memory_space<vmem>>
          %dma_start3A_100 = tpu.memref_squeeze %dma_start3A_99 : memref<1x128xi32, #tpu.memory_space<vmem>> -> memref<128xi32, #tpu.memory_space<vmem>>
          %dma_start3A_101 = arith.constant 0 : i32
          %dma_start3A_102 = arith.constant 0 : i32
          %dma_start3A_103 = tpu.memref_slice %arg11[%dma_start3A_101, %dma_start3A_102] : memref<10240x128xf32, #tpu.memory_space<vmem_shared>> -> memref<10240x128xf32, #tpu.memory_space<vmem_shared>>
          tpu.enqueue_indirect_dma source(%arg9 : memref<128x128xf32, #tpu.memory_space<vmem>>) target(%dma_start3A_103 : memref<10240x128xf32, #tpu.memory_space<vmem_shared>>) offsets(%dma_start3A_100 : memref<128xi32, #tpu.memory_space<vmem>>) semaphore(%run_scoped3A : memref<!tpu.dma_semaphore, #tpu.memory_space<semaphore_mem>>) {add = true}
          %dma_wait3A_104 = arith.constant 0 : i32
          %dma_wait3A_105 = tpu.memref_slice %arg8[%add3A_68, %dma_wait3A_104] : memref<40x128xi32, #tpu.memory_space<vmem>> -> memref<1x128xi32, #tpu.memory_space<vmem>>
          %dma_wait3A_106 = tpu.memref_squeeze %dma_wait3A_105 : memref<1x128xi32, #tpu.memory_space<vmem>> -> memref<128xi32, #tpu.memory_space<vmem>>
          %dma_wait3A_107 = arith.constant 0 : i32
          %dma_wait3A_108 = arith.constant 0 : i32
          %dma_wait3A_109 = tpu.memref_slice %arg11[%dma_wait3A_107, %dma_wait3A_108] : memref<10240x128xf32, #tpu.memory_space<vmem_shared>> -> memref<10240x128xf32, #tpu.memory_space<vmem_shared>>
          tpu.wait_indirect_dma semaphore(%run_scoped3A : memref<!tpu.dma_semaphore, #tpu.memory_space<semaphore_mem>>) src(%arg9 : memref<128x128xf32, #tpu.memory_space<vmem>>) dst(%dma_wait3A_109 : memref<10240x128xf32, #tpu.memory_space<vmem_shared>>)
          tpu.yield
        }) : () -> ()
        %add3A_75 = arith.constant 2 : i32
        %add3A_76 = arith.addi %add3A_68, %add3A_75 : i32
        %lt3A = arith.constant 40 : i32
        %lt3A_77 = arith.cmpi slt, %add3A_76, %lt3A : i32
        %convert_element_type3A_78 = arith.extui %lt3A_77 : i1 to i32
        %cond3A_79 = arith.constant 0 : i32
        %cond3A_80 = arith.cmpi ne, %convert_element_type3A_78, %cond3A_79 : i32
        scf.if %cond3A_80 {
          %add3A_98 = arith.constant 2 : i32
          %add3A_99 = arith.addi %add3A_68, %add3A_98 : i32
          %dma_start3A_100 = arith.constant 0 : i32
          %dma_start3A_101 = tpu.memref_slice %arg7[%add3A_99, %dma_start3A_100] : memref<40x128xi32, #tpu.memory_space<vmem>> -> memref<1x128xi32, #tpu.memory_space<vmem>>
          %dma_start3A_102 = tpu.memref_squeeze %dma_start3A_101 : memref<1x128xi32, #tpu.memory_space<vmem>> -> memref<128xi32, #tpu.memory_space<vmem>>
          %dma_start3A_103 = arith.constant 0 : i32
          %dma_start3A_104 = arith.constant 0 : i32
          %dma_start3A_105 = tpu.memref_slice %arg2[%dma_start3A_103, %dma_start3A_104] : memref<10240x128xf32, #tpu.memory_space<hbm>> -> memref<10240x128xf32, #tpu.memory_space<hbm>>
          tpu.enqueue_indirect_dma source(%dma_start3A_105 : memref<10240x128xf32, #tpu.memory_space<hbm>>) target(%arg9 : memref<128x128xf32, #tpu.memory_space<vmem>>) offsets(%dma_start3A_102 : memref<128xi32, #tpu.memory_space<vmem>>) semaphore(%arg12 : memref<!tpu.dma_semaphore, #tpu.memory_space<semaphore_mem>>)
        } else {
        }
        %mul3A_81 = arith.constant 2 : i32
        %mul3A_82 = arith.muli %mul3A_81, %scan3A_64 : i32
        %add3A_83 = arith.constant 1 : i32
        %add3A_84 = arith.addi %mul3A_82, %add3A_83 : i32
        %dma_wait3A_85 = arith.constant 0 : i32
        %dma_wait3A_86 = tpu.memref_slice %arg7[%add3A_84, %dma_wait3A_85] : memref<40x128xi32, #tpu.memory_space<vmem>> -> memref<1x128xi32, #tpu.memory_space<vmem>>
        %dma_wait3A_87 = tpu.memref_squeeze %dma_wait3A_86 : memref<1x128xi32, #tpu.memory_space<vmem>> -> memref<128xi32, #tpu.memory_space<vmem>>
        %dma_wait3A_88 = arith.constant 0 : i32
        %dma_wait3A_89 = arith.constant 0 : i32
        %dma_wait3A_90 = tpu.memref_slice %arg2[%dma_wait3A_88, %dma_wait3A_89] : memref<10240x128xf32, #tpu.memory_space<hbm>> -> memref<10240x128xf32, #tpu.memory_space<hbm>>
        tpu.wait_indirect_dma semaphore(%arg13 : memref<!tpu.dma_semaphore, #tpu.memory_space<semaphore_mem>>) src(%dma_wait3A_90 : memref<10240x128xf32, #tpu.memory_space<hbm>>) dst(%arg10 : memref<128x128xf32, #tpu.memory_space<vmem>>)
        "tpu.region"() ({
          %run_scoped3A = tpu.sem_alloc : memref<!tpu.dma_semaphore, #tpu.memory_space<semaphore_mem>>
          %dma_start3A_98 = arith.constant 0 : i32
          %dma_start3A_99 = tpu.memref_slice %arg8[%add3A_84, %dma_start3A_98] : memref<40x128xi32, #tpu.memory_space<vmem>> -> memref<1x128xi32, #tpu.memory_space<vmem>>
          %dma_start3A_100 = tpu.memref_squeeze %dma_start3A_99 : memref<1x128xi32, #tpu.memory_space<vmem>> -> memref<128xi32, #tpu.memory_space<vmem>>
          %dma_start3A_101 = arith.constant 0 : i32
          %dma_start3A_102 = arith.constant 0 : i32
          %dma_start3A_103 = tpu.memref_slice %arg11[%dma_start3A_101, %dma_start3A_102] : memref<10240x128xf32, #tpu.memory_space<vmem_shared>> -> memref<10240x128xf32, #tpu.memory_space<vmem_shared>>
          tpu.enqueue_indirect_dma source(%arg10 : memref<128x128xf32, #tpu.memory_space<vmem>>) target(%dma_start3A_103 : memref<10240x128xf32, #tpu.memory_space<vmem_shared>>) offsets(%dma_start3A_100 : memref<128xi32, #tpu.memory_space<vmem>>) semaphore(%run_scoped3A : memref<!tpu.dma_semaphore, #tpu.memory_space<semaphore_mem>>) {add = true}
          %dma_wait3A_104 = arith.constant 0 : i32
          %dma_wait3A_105 = tpu.memref_slice %arg8[%add3A_84, %dma_wait3A_104] : memref<40x128xi32, #tpu.memory_space<vmem>> -> memref<1x128xi32, #tpu.memory_space<vmem>>
          %dma_wait3A_106 = tpu.memref_squeeze %dma_wait3A_105 : memref<1x128xi32, #tpu.memory_space<vmem>> -> memref<128xi32, #tpu.memory_space<vmem>>
          %dma_wait3A_107 = arith.constant 0 : i32
          %dma_wait3A_108 = arith.constant 0 : i32
          %dma_wait3A_109 = tpu.memref_slice %arg11[%dma_wait3A_107, %dma_wait3A_108] : memref<10240x128xf32, #tpu.memory_space<vmem_shared>> -> memref<10240x128xf32, #tpu.memory_space<vmem_shared>>
          tpu.wait_indirect_dma semaphore(%run_scoped3A : memref<!tpu.dma_semaphore, #tpu.memory_space<semaphore_mem>>) src(%arg10 : memref<128x128xf32, #tpu.memory_space<vmem>>) dst(%dma_wait3A_109 : memref<10240x128xf32, #tpu.memory_space<vmem_shared>>)
          tpu.yield
        }) : () -> ()
        %add3A_91 = arith.constant 2 : i32
        %add3A_92 = arith.addi %add3A_84, %add3A_91 : i32
        %lt3A_93 = arith.constant 40 : i32
        %lt3A_94 = arith.cmpi slt, %add3A_92, %lt3A_93 : i32
        %convert_element_type3A_95 = arith.extui %lt3A_94 : i1 to i32
        %cond3A_96 = arith.constant 0 : i32
        %cond3A_97 = arith.cmpi ne, %convert_element_type3A_95, %cond3A_96 : i32
        scf.if %cond3A_97 {
          %add3A_98 = arith.constant 2 : i32
          %add3A_99 = arith.addi %add3A_84, %add3A_98 : i32
          %dma_start3A_100 = arith.constant 0 : i32
          %dma_start3A_101 = tpu.memref_slice %arg7[%add3A_99, %dma_start3A_100] : memref<40x128xi32, #tpu.memory_space<vmem>> -> memref<1x128xi32, #tpu.memory_space<vmem>>
          %dma_start3A_102 = tpu.memref_squeeze %dma_start3A_101 : memref<1x128xi32, #tpu.memory_space<vmem>> -> memref<128xi32, #tpu.memory_space<vmem>>
          %dma_start3A_103 = arith.constant 0 : i32
          %dma_start3A_104 = arith.constant 0 : i32
          %dma_start3A_105 = tpu.memref_slice %arg2[%dma_start3A_103, %dma_start3A_104] : memref<10240x128xf32, #tpu.memory_space<hbm>> -> memref<10240x128xf32, #tpu.memory_space<hbm>>
          tpu.enqueue_indirect_dma source(%dma_start3A_105 : memref<10240x128xf32, #tpu.memory_space<hbm>>) target(%arg10 : memref<128x128xf32, #tpu.memory_space<vmem>>) offsets(%dma_start3A_102 : memref<128xi32, #tpu.memory_space<vmem>>) semaphore(%arg13 : memref<!tpu.dma_semaphore, #tpu.memory_space<semaphore_mem>>)
        } else {
        }
      }
      %scan3A_63 = arith.constant 20 : i32
    } else {
    }
    %eq3A_4 = arith.constant 1 : i32
    %eq3A_5 = arith.cmpi eq, %arg0, %eq3A_4 : i32
    %convert_element_type3A_6 = arith.extui %eq3A_5 : i1 to i32
    %cond3A_7 = arith.constant 0 : i32
    %cond3A_8 = arith.cmpi ne, %convert_element_type3A_6, %cond3A_7 : i32
    scf.if %cond3A_8 {
      %mul3A_15 = arith.constant 160 : i32
      %mul3A_16 = arith.muli %arg1, %mul3A_15 : i32
      %add3A_17 = arith.constant 80 : i32
      %add3A_18 = arith.addi %mul3A_16, %add3A_17 : i32
      %add3A_19 = arith.constant 0 : i32
      %add3A_20 = arith.addi %add3A_18, %add3A_19 : i32
      "tpu.region"() ({
        %run_scoped3A = tpu.sem_alloc : memref<!tpu.dma_semaphore, #tpu.memory_space<semaphore_mem>>
        %dma_start3A_66 = arith.constant 0 : i32
        %dma_start3A_67 = tpu.memref_slice %arg3[%add3A_20, %dma_start3A_66] : memref<2560x128xi32, #tpu.memory_space<hbm>> -> memref<40x128xi32, #tpu.memory_space<hbm>>
        %dma_start3A_68 = arith.constant 0 : i32
        %dma_start3A_69 = tpu.memref_slice %arg3[%add3A_20, %dma_start3A_68] : memref<2560x128xi32, #tpu.memory_space<hbm>> -> memref<40x128xi32, #tpu.memory_space<hbm>>
        tpu.enqueue_dma source(%dma_start3A_69 : memref<40x128xi32, #tpu.memory_space<hbm>>) target(%arg7 : memref<40x128xi32, #tpu.memory_space<vmem>>) target_semaphore(%run_scoped3A : memref<!tpu.dma_semaphore, #tpu.memory_space<semaphore_mem>>)
        %dma_wait3A_70 = arith.constant 0 : i32
        %dma_wait3A_71 = tpu.memref_slice %arg3[%add3A_20, %dma_wait3A_70] : memref<2560x128xi32, #tpu.memory_space<hbm>> -> memref<40x128xi32, #tpu.memory_space<hbm>>
        %dma_wait3A_72 = arith.constant 0 : i32
        %dma_wait3A_73 = tpu.memref_slice %arg3[%add3A_20, %dma_wait3A_72] : memref<2560x128xi32, #tpu.memory_space<hbm>> -> memref<40x128xi32, #tpu.memory_space<hbm>>
        tpu.wait_dma2 semaphore(%run_scoped3A : memref<!tpu.dma_semaphore, #tpu.memory_space<semaphore_mem>>) src(%dma_wait3A_73 : memref<40x128xi32, #tpu.memory_space<hbm>>) dst(%arg7 : memref<40x128xi32, #tpu.memory_space<vmem>>)
        tpu.yield
      }) : () -> ()
      %add3A_21 = arith.constant 0 : i32
      %add3A_22 = arith.addi %add3A_18, %add3A_21 : i32
      "tpu.region"() ({
        %run_scoped3A = tpu.sem_alloc : memref<!tpu.dma_semaphore, #tpu.memory_space<semaphore_mem>>
        %dma_start3A_66 = arith.constant 0 : i32
        %dma_start3A_67 = tpu.memref_slice %arg4[%add3A_22, %dma_start3A_66] : memref<2560x128xi32, #tpu.memory_space<hbm>> -> memref<40x128xi32, #tpu.memory_space<hbm>>
        %dma_start3A_68 = arith.constant 0 : i32
        %dma_start3A_69 = tpu.memref_slice %arg4[%add3A_22, %dma_start3A_68] : memref<2560x128xi32, #tpu.memory_space<hbm>> -> memref<40x128xi32, #tpu.memory_space<hbm>>
        tpu.enqueue_dma source(%dma_start3A_69 : memref<40x128xi32, #tpu.memory_space<hbm>>) target(%arg8 : memref<40x128xi32, #tpu.memory_space<vmem>>) target_semaphore(%run_scoped3A : memref<!tpu.dma_semaphore, #tpu.memory_space<semaphore_mem>>)
        %dma_wait3A_70 = arith.constant 0 : i32
        %dma_wait3A_71 = tpu.memref_slice %arg4[%add3A_22, %dma_wait3A_70] : memref<2560x128xi32, #tpu.memory_space<hbm>> -> memref<40x128xi32, #tpu.memory_space<hbm>>
        %dma_wait3A_72 = arith.constant 0 : i32
        %dma_wait3A_73 = tpu.memref_slice %arg4[%add3A_22, %dma_wait3A_72] : memref<2560x128xi32, #tpu.memory_space<hbm>> -> memref<40x128xi32, #tpu.memory_space<hbm>>
        tpu.wait_dma2 semaphore(%run_scoped3A : memref<!tpu.dma_semaphore, #tpu.memory_space<semaphore_mem>>) src(%dma_wait3A_73 : memref<40x128xi32, #tpu.memory_space<hbm>>) dst(%arg8 : memref<40x128xi32, #tpu.memory_space<vmem>>)
        tpu.yield
      }) : () -> ()
      %dma_start3A_23 = arith.constant 0 : i32
      %dma_start3A_24 = arith.constant 0 : i32
      %dma_start3A_25 = tpu.memref_slice %arg7[%dma_start3A_23, %dma_start3A_24] : memref<40x128xi32, #tpu.memory_space<vmem>> -> memref<1x128xi32, #tpu.memory_space<vmem>>
      %dma_start3A_26 = tpu.memref_squeeze %dma_start3A_25 : memref<1x128xi32, #tpu.memory_space<vmem>> -> memref<128xi32, #tpu.memory_space<vmem>>
      %dma_start3A_27 = arith.constant 0 : i32
      %dma_start3A_28 = arith.constant 0 : i32
      %dma_start3A_29 = tpu.memref_slice %arg2[%dma_start3A_27, %dma_start3A_28] : memref<10240x128xf32, #tpu.memory_space<hbm>> -> memref<10240x128xf32, #tpu.memory_space<hbm>>
      tpu.enqueue_indirect_dma source(%dma_start3A_29 : memref<10240x128xf32, #tpu.memory_space<hbm>>) target(%arg9 : memref<128x128xf32, #tpu.memory_space<vmem>>) offsets(%dma_start3A_26 : memref<128xi32, #tpu.memory_space<vmem>>) semaphore(%arg12 : memref<!tpu.dma_semaphore, #tpu.memory_space<semaphore_mem>>)
      %dma_start3A_30 = arith.constant 1 : i32
      %dma_start3A_31 = arith.constant 0 : i32
      %dma_start3A_32 = tpu.memref_slice %arg7[%dma_start3A_30, %dma_start3A_31] : memref<40x128xi32, #tpu.memory_space<vmem>> -> memref<1x128xi32, #tpu.memory_space<vmem>>
      %dma_start3A_33 = tpu.memref_squeeze %dma_start3A_32 : memref<1x128xi32, #tpu.memory_space<vmem>> -> memref<128xi32, #tpu.memory_space<vmem>>
      %dma_start3A_34 = arith.constant 0 : i32
      %dma_start3A_35 = arith.constant 0 : i32
      %dma_start3A_36 = tpu.memref_slice %arg2[%dma_start3A_34, %dma_start3A_35] : memref<10240x128xf32, #tpu.memory_space<hbm>> -> memref<10240x128xf32, #tpu.memory_space<hbm>>
      tpu.enqueue_indirect_dma source(%dma_start3A_36 : memref<10240x128xf32, #tpu.memory_space<hbm>>) target(%arg10 : memref<128x128xf32, #tpu.memory_space<vmem>>) offsets(%dma_start3A_33 : memref<128xi32, #tpu.memory_space<vmem>>) semaphore(%arg13 : memref<!tpu.dma_semaphore, #tpu.memory_space<semaphore_mem>>)
      %dma_wait3A = arith.constant 0 : i32
      %dma_wait3A_37 = tpu.memref_slice %arg11[%mul3A_0, %dma_wait3A] : memref<10240x128xf32, #tpu.memory_space<vmem_shared>> -> memref<640x128xf32, #tpu.memory_space<vmem_shared>>
      tpu.wait_dma2 semaphore(%arg14 : memref<!tpu.dma_semaphore, #tpu.memory_space<semaphore_mem>>) src(%arg5 : memref<640x128xf32, #tpu.memory_space<hbm>>) dst(%dma_wait3A_37 : memref<640x128xf32, #tpu.memory_space<vmem_shared>>)
      %barrier3A_38 = arith.constant 0 : index
      tpu.barrier barrier_id(%barrier3A_38)
      %scan3A = arith.constant 0 : i32
      %scan3A_39 = arith.constant 20 : i32
      %scan3A_40 = arith.addi %scan3A, %scan3A_39 : i32
      %scan3A_41 = arith.constant 1 : i32
      scf.for %scan3A_66 = %scan3A to %scan3A_40 step %scan3A_41  : i32 {
        %mul3A_67 = arith.constant 2 : i32
        %mul3A_68 = arith.muli %mul3A_67, %scan3A_66 : i32
        %add3A_69 = arith.constant 0 : i32
        %add3A_70 = arith.addi %mul3A_68, %add3A_69 : i32
        %dma_wait3A_71 = arith.constant 0 : i32
        %dma_wait3A_72 = tpu.memref_slice %arg7[%add3A_70, %dma_wait3A_71] : memref<40x128xi32, #tpu.memory_space<vmem>> -> memref<1x128xi32, #tpu.memory_space<vmem>>
        %dma_wait3A_73 = tpu.memref_squeeze %dma_wait3A_72 : memref<1x128xi32, #tpu.memory_space<vmem>> -> memref<128xi32, #tpu.memory_space<vmem>>
        %dma_wait3A_74 = arith.constant 0 : i32
        %dma_wait3A_75 = arith.constant 0 : i32
        %dma_wait3A_76 = tpu.memref_slice %arg2[%dma_wait3A_74, %dma_wait3A_75] : memref<10240x128xf32, #tpu.memory_space<hbm>> -> memref<10240x128xf32, #tpu.memory_space<hbm>>
        tpu.wait_indirect_dma semaphore(%arg12 : memref<!tpu.dma_semaphore, #tpu.memory_space<semaphore_mem>>) src(%dma_wait3A_76 : memref<10240x128xf32, #tpu.memory_space<hbm>>) dst(%arg9 : memref<128x128xf32, #tpu.memory_space<vmem>>)
        "tpu.region"() ({
          %run_scoped3A = tpu.sem_alloc : memref<!tpu.dma_semaphore, #tpu.memory_space<semaphore_mem>>
          %dma_start3A_100 = arith.constant 0 : i32
          %dma_start3A_101 = tpu.memref_slice %arg8[%add3A_70, %dma_start3A_100] : memref<40x128xi32, #tpu.memory_space<vmem>> -> memref<1x128xi32, #tpu.memory_space<vmem>>
          %dma_start3A_102 = tpu.memref_squeeze %dma_start3A_101 : memref<1x128xi32, #tpu.memory_space<vmem>> -> memref<128xi32, #tpu.memory_space<vmem>>
          %dma_start3A_103 = arith.constant 0 : i32
          %dma_start3A_104 = arith.constant 0 : i32
          %dma_start3A_105 = tpu.memref_slice %arg11[%dma_start3A_103, %dma_start3A_104] : memref<10240x128xf32, #tpu.memory_space<vmem_shared>> -> memref<10240x128xf32, #tpu.memory_space<vmem_shared>>
          tpu.enqueue_indirect_dma source(%arg9 : memref<128x128xf32, #tpu.memory_space<vmem>>) target(%dma_start3A_105 : memref<10240x128xf32, #tpu.memory_space<vmem_shared>>) offsets(%dma_start3A_102 : memref<128xi32, #tpu.memory_space<vmem>>) semaphore(%run_scoped3A : memref<!tpu.dma_semaphore, #tpu.memory_space<semaphore_mem>>) {add = true}
          %dma_wait3A_106 = arith.constant 0 : i32
          %dma_wait3A_107 = tpu.memref_slice %arg8[%add3A_70, %dma_wait3A_106] : memref<40x128xi32, #tpu.memory_space<vmem>> -> memref<1x128xi32, #tpu.memory_space<vmem>>
          %dma_wait3A_108 = tpu.memref_squeeze %dma_wait3A_107 : memref<1x128xi32, #tpu.memory_space<vmem>> -> memref<128xi32, #tpu.memory_space<vmem>>
          %dma_wait3A_109 = arith.constant 0 : i32
          %dma_wait3A_110 = arith.constant 0 : i32
          %dma_wait3A_111 = tpu.memref_slice %arg11[%dma_wait3A_109, %dma_wait3A_110] : memref<10240x128xf32, #tpu.memory_space<vmem_shared>> -> memref<10240x128xf32, #tpu.memory_space<vmem_shared>>
          tpu.wait_indirect_dma semaphore(%run_scoped3A : memref<!tpu.dma_semaphore, #tpu.memory_space<semaphore_mem>>) src(%arg9 : memref<128x128xf32, #tpu.memory_space<vmem>>) dst(%dma_wait3A_111 : memref<10240x128xf32, #tpu.memory_space<vmem_shared>>)
          tpu.yield
        }) : () -> ()
        %add3A_77 = arith.constant 2 : i32
        %add3A_78 = arith.addi %add3A_70, %add3A_77 : i32
        %lt3A = arith.constant 40 : i32
        %lt3A_79 = arith.cmpi slt, %add3A_78, %lt3A : i32
        %convert_element_type3A_80 = arith.extui %lt3A_79 : i1 to i32
        %cond3A_81 = arith.constant 0 : i32
        %cond3A_82 = arith.cmpi ne, %convert_element_type3A_80, %cond3A_81 : i32
        scf.if %cond3A_82 {
          %add3A_100 = arith.constant 2 : i32
          %add3A_101 = arith.addi %add3A_70, %add3A_100 : i32
          %dma_start3A_102 = arith.constant 0 : i32
          %dma_start3A_103 = tpu.memref_slice %arg7[%add3A_101, %dma_start3A_102] : memref<40x128xi32, #tpu.memory_space<vmem>> -> memref<1x128xi32, #tpu.memory_space<vmem>>
          %dma_start3A_104 = tpu.memref_squeeze %dma_start3A_103 : memref<1x128xi32, #tpu.memory_space<vmem>> -> memref<128xi32, #tpu.memory_space<vmem>>
          %dma_start3A_105 = arith.constant 0 : i32
          %dma_start3A_106 = arith.constant 0 : i32
          %dma_start3A_107 = tpu.memref_slice %arg2[%dma_start3A_105, %dma_start3A_106] : memref<10240x128xf32, #tpu.memory_space<hbm>> -> memref<10240x128xf32, #tpu.memory_space<hbm>>
          tpu.enqueue_indirect_dma source(%dma_start3A_107 : memref<10240x128xf32, #tpu.memory_space<hbm>>) target(%arg9 : memref<128x128xf32, #tpu.memory_space<vmem>>) offsets(%dma_start3A_104 : memref<128xi32, #tpu.memory_space<vmem>>) semaphore(%arg12 : memref<!tpu.dma_semaphore, #tpu.memory_space<semaphore_mem>>)
        } else {
        }
        %mul3A_83 = arith.constant 2 : i32
        %mul3A_84 = arith.muli %mul3A_83, %scan3A_66 : i32
        %add3A_85 = arith.constant 1 : i32
        %add3A_86 = arith.addi %mul3A_84, %add3A_85 : i32
        %dma_wait3A_87 = arith.constant 0 : i32
        %dma_wait3A_88 = tpu.memref_slice %arg7[%add3A_86, %dma_wait3A_87] : memref<40x128xi32, #tpu.memory_space<vmem>> -> memref<1x128xi32, #tpu.memory_space<vmem>>
        %dma_wait3A_89 = tpu.memref_squeeze %dma_wait3A_88 : memref<1x128xi32, #tpu.memory_space<vmem>> -> memref<128xi32, #tpu.memory_space<vmem>>
        %dma_wait3A_90 = arith.constant 0 : i32
        %dma_wait3A_91 = arith.constant 0 : i32
        %dma_wait3A_92 = tpu.memref_slice %arg2[%dma_wait3A_90, %dma_wait3A_91] : memref<10240x128xf32, #tpu.memory_space<hbm>> -> memref<10240x128xf32, #tpu.memory_space<hbm>>
        tpu.wait_indirect_dma semaphore(%arg13 : memref<!tpu.dma_semaphore, #tpu.memory_space<semaphore_mem>>) src(%dma_wait3A_92 : memref<10240x128xf32, #tpu.memory_space<hbm>>) dst(%arg10 : memref<128x128xf32, #tpu.memory_space<vmem>>)
        "tpu.region"() ({
          %run_scoped3A = tpu.sem_alloc : memref<!tpu.dma_semaphore, #tpu.memory_space<semaphore_mem>>
          %dma_start3A_100 = arith.constant 0 : i32
          %dma_start3A_101 = tpu.memref_slice %arg8[%add3A_86, %dma_start3A_100] : memref<40x128xi32, #tpu.memory_space<vmem>> -> memref<1x128xi32, #tpu.memory_space<vmem>>
          %dma_start3A_102 = tpu.memref_squeeze %dma_start3A_101 : memref<1x128xi32, #tpu.memory_space<vmem>> -> memref<128xi32, #tpu.memory_space<vmem>>
          %dma_start3A_103 = arith.constant 0 : i32
          %dma_start3A_104 = arith.constant 0 : i32
          %dma_start3A_105 = tpu.memref_slice %arg11[%dma_start3A_103, %dma_start3A_104] : memref<10240x128xf32, #tpu.memory_space<vmem_shared>> -> memref<10240x128xf32, #tpu.memory_space<vmem_shared>>
          tpu.enqueue_indirect_dma source(%arg10 : memref<128x128xf32, #tpu.memory_space<vmem>>) target(%dma_start3A_105 : memref<10240x128xf32, #tpu.memory_space<vmem_shared>>) offsets(%dma_start3A_102 : memref<128xi32, #tpu.memory_space<vmem>>) semaphore(%run_scoped3A : memref<!tpu.dma_semaphore, #tpu.memory_space<semaphore_mem>>) {add = true}
          %dma_wait3A_106 = arith.constant 0 : i32
          %dma_wait3A_107 = tpu.memref_slice %arg8[%add3A_86, %dma_wait3A_106] : memref<40x128xi32, #tpu.memory_space<vmem>> -> memref<1x128xi32, #tpu.memory_space<vmem>>
          %dma_wait3A_108 = tpu.memref_squeeze %dma_wait3A_107 : memref<1x128xi32, #tpu.memory_space<vmem>> -> memref<128xi32, #tpu.memory_space<vmem>>
          %dma_wait3A_109 = arith.constant 0 : i32
          %dma_wait3A_110 = arith.constant 0 : i32
          %dma_wait3A_111 = tpu.memref_slice %arg11[%dma_wait3A_109, %dma_wait3A_110] : memref<10240x128xf32, #tpu.memory_space<vmem_shared>> -> memref<10240x128xf32, #tpu.memory_space<vmem_shared>>
          tpu.wait_indirect_dma semaphore(%run_scoped3A : memref<!tpu.dma_semaphore, #tpu.memory_space<semaphore_mem>>) src(%arg10 : memref<128x128xf32, #tpu.memory_space<vmem>>) dst(%dma_wait3A_111 : memref<10240x128xf32, #tpu.memory_space<vmem_shared>>)
          tpu.yield
        }) : () -> ()
        %add3A_93 = arith.constant 2 : i32
        %add3A_94 = arith.addi %add3A_86, %add3A_93 : i32
        %lt3A_95 = arith.constant 40 : i32
        %lt3A_96 = arith.cmpi slt, %add3A_94, %lt3A_95 : i32
        %convert_element_type3A_97 = arith.extui %lt3A_96 : i1 to i32
        %cond3A_98 = arith.constant 0 : i32
        %cond3A_99 = arith.cmpi ne, %convert_element_type3A_97, %cond3A_98 : i32
        scf.if %cond3A_99 {
          %add3A_100 = arith.constant 2 : i32
          %add3A_101 = arith.addi %add3A_86, %add3A_100 : i32
          %dma_start3A_102 = arith.constant 0 : i32
          %dma_start3A_103 = tpu.memref_slice %arg7[%add3A_101, %dma_start3A_102] : memref<40x128xi32, #tpu.memory_space<vmem>> -> memref<1x128xi32, #tpu.memory_space<vmem>>
          %dma_start3A_104 = tpu.memref_squeeze %dma_start3A_103 : memref<1x128xi32, #tpu.memory_space<vmem>> -> memref<128xi32, #tpu.memory_space<vmem>>
          %dma_start3A_105 = arith.constant 0 : i32
          %dma_start3A_106 = arith.constant 0 : i32
          %dma_start3A_107 = tpu.memref_slice %arg2[%dma_start3A_105, %dma_start3A_106] : memref<10240x128xf32, #tpu.memory_space<hbm>> -> memref<10240x128xf32, #tpu.memory_space<hbm>>
          tpu.enqueue_indirect_dma source(%dma_start3A_107 : memref<10240x128xf32, #tpu.memory_space<hbm>>) target(%arg10 : memref<128x128xf32, #tpu.memory_space<vmem>>) offsets(%dma_start3A_104 : memref<128xi32, #tpu.memory_space<vmem>>) semaphore(%arg13 : memref<!tpu.dma_semaphore, #tpu.memory_space<semaphore_mem>>)
        } else {
        }
      }
      %scan3A_42 = arith.constant 20 : i32
      %add3A_43 = arith.constant 40 : i32
      %add3A_44 = arith.addi %add3A_18, %add3A_43 : i32
      "tpu.region"() ({
        %run_scoped3A = tpu.sem_alloc : memref<!tpu.dma_semaphore, #tpu.memory_space<semaphore_mem>>
        %dma_start3A_66 = arith.constant 0 : i32
        %dma_start3A_67 = tpu.memref_slice %arg3[%add3A_44, %dma_start3A_66] : memref<2560x128xi32, #tpu.memory_space<hbm>> -> memref<40x128xi32, #tpu.memory_space<hbm>>
        %dma_start3A_68 = arith.constant 0 : i32
        %dma_start3A_69 = tpu.memref_slice %arg3[%add3A_44, %dma_start3A_68] : memref<2560x128xi32, #tpu.memory_space<hbm>> -> memref<40x128xi32, #tpu.memory_space<hbm>>
        tpu.enqueue_dma source(%dma_start3A_69 : memref<40x128xi32, #tpu.memory_space<hbm>>) target(%arg7 : memref<40x128xi32, #tpu.memory_space<vmem>>) target_semaphore(%run_scoped3A : memref<!tpu.dma_semaphore, #tpu.memory_space<semaphore_mem>>)
        %dma_wait3A_70 = arith.constant 0 : i32
        %dma_wait3A_71 = tpu.memref_slice %arg3[%add3A_44, %dma_wait3A_70] : memref<2560x128xi32, #tpu.memory_space<hbm>> -> memref<40x128xi32, #tpu.memory_space<hbm>>
        %dma_wait3A_72 = arith.constant 0 : i32
        %dma_wait3A_73 = tpu.memref_slice %arg3[%add3A_44, %dma_wait3A_72] : memref<2560x128xi32, #tpu.memory_space<hbm>> -> memref<40x128xi32, #tpu.memory_space<hbm>>
        tpu.wait_dma2 semaphore(%run_scoped3A : memref<!tpu.dma_semaphore, #tpu.memory_space<semaphore_mem>>) src(%dma_wait3A_73 : memref<40x128xi32, #tpu.memory_space<hbm>>) dst(%arg7 : memref<40x128xi32, #tpu.memory_space<vmem>>)
        tpu.yield
      }) : () -> ()
      %add3A_45 = arith.constant 40 : i32
      %add3A_46 = arith.addi %add3A_18, %add3A_45 : i32
      "tpu.region"() ({
        %run_scoped3A = tpu.sem_alloc : memref<!tpu.dma_semaphore, #tpu.memory_space<semaphore_mem>>
        %dma_start3A_66 = arith.constant 0 : i32
        %dma_start3A_67 = tpu.memref_slice %arg4[%add3A_46, %dma_start3A_66] : memref<2560x128xi32, #tpu.memory_space<hbm>> -> memref<40x128xi32, #tpu.memory_space<hbm>>
        %dma_start3A_68 = arith.constant 0 : i32
        %dma_start3A_69 = tpu.memref_slice %arg4[%add3A_46, %dma_start3A_68] : memref<2560x128xi32, #tpu.memory_space<hbm>> -> memref<40x128xi32, #tpu.memory_space<hbm>>
        tpu.enqueue_dma source(%dma_start3A_69 : memref<40x128xi32, #tpu.memory_space<hbm>>) target(%arg8 : memref<40x128xi32, #tpu.memory_space<vmem>>) target_semaphore(%run_scoped3A : memref<!tpu.dma_semaphore, #tpu.memory_space<semaphore_mem>>)
        %dma_wait3A_70 = arith.constant 0 : i32
        %dma_wait3A_71 = tpu.memref_slice %arg4[%add3A_46, %dma_wait3A_70] : memref<2560x128xi32, #tpu.memory_space<hbm>> -> memref<40x128xi32, #tpu.memory_space<hbm>>
        %dma_wait3A_72 = arith.constant 0 : i32
        %dma_wait3A_73 = tpu.memref_slice %arg4[%add3A_46, %dma_wait3A_72] : memref<2560x128xi32, #tpu.memory_space<hbm>> -> memref<40x128xi32, #tpu.memory_space<hbm>>
        tpu.wait_dma2 semaphore(%run_scoped3A : memref<!tpu.dma_semaphore, #tpu.memory_space<semaphore_mem>>) src(%dma_wait3A_73 : memref<40x128xi32, #tpu.memory_space<hbm>>) dst(%arg8 : memref<40x128xi32, #tpu.memory_space<vmem>>)
        tpu.yield
      }) : () -> ()
      %dma_start3A_47 = arith.constant 0 : i32
      %dma_start3A_48 = arith.constant 0 : i32
      %dma_start3A_49 = tpu.memref_slice %arg7[%dma_start3A_47, %dma_start3A_48] : memref<40x128xi32, #tpu.memory_space<vmem>> -> memref<1x128xi32, #tpu.memory_space<vmem>>
      %dma_start3A_50 = tpu.memref_squeeze %dma_start3A_49 : memref<1x128xi32, #tpu.memory_space<vmem>> -> memref<128xi32, #tpu.memory_space<vmem>>
      %dma_start3A_51 = arith.constant 0 : i32
      %dma_start3A_52 = arith.constant 0 : i32
      %dma_start3A_53 = tpu.memref_slice %arg2[%dma_start3A_51, %dma_start3A_52] : memref<10240x128xf32, #tpu.memory_space<hbm>> -> memref<10240x128xf32, #tpu.memory_space<hbm>>
      tpu.enqueue_indirect_dma source(%dma_start3A_53 : memref<10240x128xf32, #tpu.memory_space<hbm>>) target(%arg9 : memref<128x128xf32, #tpu.memory_space<vmem>>) offsets(%dma_start3A_50 : memref<128xi32, #tpu.memory_space<vmem>>) semaphore(%arg12 : memref<!tpu.dma_semaphore, #tpu.memory_space<semaphore_mem>>)
      %dma_start3A_54 = arith.constant 1 : i32
      %dma_start3A_55 = arith.constant 0 : i32
      %dma_start3A_56 = tpu.memref_slice %arg7[%dma_start3A_54, %dma_start3A_55] : memref<40x128xi32, #tpu.memory_space<vmem>> -> memref<1x128xi32, #tpu.memory_space<vmem>>
      %dma_start3A_57 = tpu.memref_squeeze %dma_start3A_56 : memref<1x128xi32, #tpu.memory_space<vmem>> -> memref<128xi32, #tpu.memory_space<vmem>>
      %dma_start3A_58 = arith.constant 0 : i32
      %dma_start3A_59 = arith.constant 0 : i32
      %dma_start3A_60 = tpu.memref_slice %arg2[%dma_start3A_58, %dma_start3A_59] : memref<10240x128xf32, #tpu.memory_space<hbm>> -> memref<10240x128xf32, #tpu.memory_space<hbm>>
      tpu.enqueue_indirect_dma source(%dma_start3A_60 : memref<10240x128xf32, #tpu.memory_space<hbm>>) target(%arg10 : memref<128x128xf32, #tpu.memory_space<vmem>>) offsets(%dma_start3A_57 : memref<128xi32, #tpu.memory_space<vmem>>) semaphore(%arg13 : memref<!tpu.dma_semaphore, #tpu.memory_space<semaphore_mem>>)
      %scan3A_61 = arith.constant 0 : i32
      %scan3A_62 = arith.constant 20 : i32
      %scan3A_63 = arith.addi %scan3A_61, %scan3A_62 : i32
      %scan3A_64 = arith.constant 1 : i32
      scf.for %scan3A_66 = %scan3A_61 to %scan3A_63 step %scan3A_64  : i32 {
        %mul3A_67 = arith.constant 2 : i32
        %mul3A_68 = arith.muli %mul3A_67, %scan3A_66 : i32
        %add3A_69 = arith.constant 0 : i32
        %add3A_70 = arith.addi %mul3A_68, %add3A_69 : i32
        %dma_wait3A_71 = arith.constant 0 : i32
        %dma_wait3A_72 = tpu.memref_slice %arg7[%add3A_70, %dma_wait3A_71] : memref<40x128xi32, #tpu.memory_space<vmem>> -> memref<1x128xi32, #tpu.memory_space<vmem>>
        %dma_wait3A_73 = tpu.memref_squeeze %dma_wait3A_72 : memref<1x128xi32, #tpu.memory_space<vmem>> -> memref<128xi32, #tpu.memory_space<vmem>>
        %dma_wait3A_74 = arith.constant 0 : i32
        %dma_wait3A_75 = arith.constant 0 : i32
        %dma_wait3A_76 = tpu.memref_slice %arg2[%dma_wait3A_74, %dma_wait3A_75] : memref<10240x128xf32, #tpu.memory_space<hbm>> -> memref<10240x128xf32, #tpu.memory_space<hbm>>
        tpu.wait_indirect_dma semaphore(%arg12 : memref<!tpu.dma_semaphore, #tpu.memory_space<semaphore_mem>>) src(%dma_wait3A_76 : memref<10240x128xf32, #tpu.memory_space<hbm>>) dst(%arg9 : memref<128x128xf32, #tpu.memory_space<vmem>>)
        "tpu.region"() ({
          %run_scoped3A = tpu.sem_alloc : memref<!tpu.dma_semaphore, #tpu.memory_space<semaphore_mem>>
          %dma_start3A_100 = arith.constant 0 : i32
          %dma_start3A_101 = tpu.memref_slice %arg8[%add3A_70, %dma_start3A_100] : memref<40x128xi32, #tpu.memory_space<vmem>> -> memref<1x128xi32, #tpu.memory_space<vmem>>
          %dma_start3A_102 = tpu.memref_squeeze %dma_start3A_101 : memref<1x128xi32, #tpu.memory_space<vmem>> -> memref<128xi32, #tpu.memory_space<vmem>>
          %dma_start3A_103 = arith.constant 0 : i32
          %dma_start3A_104 = arith.constant 0 : i32
          %dma_start3A_105 = tpu.memref_slice %arg11[%dma_start3A_103, %dma_start3A_104] : memref<10240x128xf32, #tpu.memory_space<vmem_shared>> -> memref<10240x128xf32, #tpu.memory_space<vmem_shared>>
          tpu.enqueue_indirect_dma source(%arg9 : memref<128x128xf32, #tpu.memory_space<vmem>>) target(%dma_start3A_105 : memref<10240x128xf32, #tpu.memory_space<vmem_shared>>) offsets(%dma_start3A_102 : memref<128xi32, #tpu.memory_space<vmem>>) semaphore(%run_scoped3A : memref<!tpu.dma_semaphore, #tpu.memory_space<semaphore_mem>>) {add = true}
          %dma_wait3A_106 = arith.constant 0 : i32
          %dma_wait3A_107 = tpu.memref_slice %arg8[%add3A_70, %dma_wait3A_106] : memref<40x128xi32, #tpu.memory_space<vmem>> -> memref<1x128xi32, #tpu.memory_space<vmem>>
          %dma_wait3A_108 = tpu.memref_squeeze %dma_wait3A_107 : memref<1x128xi32, #tpu.memory_space<vmem>> -> memref<128xi32, #tpu.memory_space<vmem>>
          %dma_wait3A_109 = arith.constant 0 : i32
          %dma_wait3A_110 = arith.constant 0 : i32
          %dma_wait3A_111 = tpu.memref_slice %arg11[%dma_wait3A_109, %dma_wait3A_110] : memref<10240x128xf32, #tpu.memory_space<vmem_shared>> -> memref<10240x128xf32, #tpu.memory_space<vmem_shared>>
          tpu.wait_indirect_dma semaphore(%run_scoped3A : memref<!tpu.dma_semaphore, #tpu.memory_space<semaphore_mem>>) src(%arg9 : memref<128x128xf32, #tpu.memory_space<vmem>>) dst(%dma_wait3A_111 : memref<10240x128xf32, #tpu.memory_space<vmem_shared>>)
          tpu.yield
        }) : () -> ()
        %add3A_77 = arith.constant 2 : i32
        %add3A_78 = arith.addi %add3A_70, %add3A_77 : i32
        %lt3A = arith.constant 40 : i32
        %lt3A_79 = arith.cmpi slt, %add3A_78, %lt3A : i32
        %convert_element_type3A_80 = arith.extui %lt3A_79 : i1 to i32
        %cond3A_81 = arith.constant 0 : i32
        %cond3A_82 = arith.cmpi ne, %convert_element_type3A_80, %cond3A_81 : i32
        scf.if %cond3A_82 {
          %add3A_100 = arith.constant 2 : i32
          %add3A_101 = arith.addi %add3A_70, %add3A_100 : i32
          %dma_start3A_102 = arith.constant 0 : i32
          %dma_start3A_103 = tpu.memref_slice %arg7[%add3A_101, %dma_start3A_102] : memref<40x128xi32, #tpu.memory_space<vmem>> -> memref<1x128xi32, #tpu.memory_space<vmem>>
          %dma_start3A_104 = tpu.memref_squeeze %dma_start3A_103 : memref<1x128xi32, #tpu.memory_space<vmem>> -> memref<128xi32, #tpu.memory_space<vmem>>
          %dma_start3A_105 = arith.constant 0 : i32
          %dma_start3A_106 = arith.constant 0 : i32
          %dma_start3A_107 = tpu.memref_slice %arg2[%dma_start3A_105, %dma_start3A_106] : memref<10240x128xf32, #tpu.memory_space<hbm>> -> memref<10240x128xf32, #tpu.memory_space<hbm>>
          tpu.enqueue_indirect_dma source(%dma_start3A_107 : memref<10240x128xf32, #tpu.memory_space<hbm>>) target(%arg9 : memref<128x128xf32, #tpu.memory_space<vmem>>) offsets(%dma_start3A_104 : memref<128xi32, #tpu.memory_space<vmem>>) semaphore(%arg12 : memref<!tpu.dma_semaphore, #tpu.memory_space<semaphore_mem>>)
        } else {
        }
        %mul3A_83 = arith.constant 2 : i32
        %mul3A_84 = arith.muli %mul3A_83, %scan3A_66 : i32
        %add3A_85 = arith.constant 1 : i32
        %add3A_86 = arith.addi %mul3A_84, %add3A_85 : i32
        %dma_wait3A_87 = arith.constant 0 : i32
        %dma_wait3A_88 = tpu.memref_slice %arg7[%add3A_86, %dma_wait3A_87] : memref<40x128xi32, #tpu.memory_space<vmem>> -> memref<1x128xi32, #tpu.memory_space<vmem>>
        %dma_wait3A_89 = tpu.memref_squeeze %dma_wait3A_88 : memref<1x128xi32, #tpu.memory_space<vmem>> -> memref<128xi32, #tpu.memory_space<vmem>>
        %dma_wait3A_90 = arith.constant 0 : i32
        %dma_wait3A_91 = arith.constant 0 : i32
        %dma_wait3A_92 = tpu.memref_slice %arg2[%dma_wait3A_90, %dma_wait3A_91] : memref<10240x128xf32, #tpu.memory_space<hbm>> -> memref<10240x128xf32, #tpu.memory_space<hbm>>
        tpu.wait_indirect_dma semaphore(%arg13 : memref<!tpu.dma_semaphore, #tpu.memory_space<semaphore_mem>>) src(%dma_wait3A_92 : memref<10240x128xf32, #tpu.memory_space<hbm>>) dst(%arg10 : memref<128x128xf32, #tpu.memory_space<vmem>>)
        "tpu.region"() ({
          %run_scoped3A = tpu.sem_alloc : memref<!tpu.dma_semaphore, #tpu.memory_space<semaphore_mem>>
          %dma_start3A_100 = arith.constant 0 : i32
          %dma_start3A_101 = tpu.memref_slice %arg8[%add3A_86, %dma_start3A_100] : memref<40x128xi32, #tpu.memory_space<vmem>> -> memref<1x128xi32, #tpu.memory_space<vmem>>
          %dma_start3A_102 = tpu.memref_squeeze %dma_start3A_101 : memref<1x128xi32, #tpu.memory_space<vmem>> -> memref<128xi32, #tpu.memory_space<vmem>>
          %dma_start3A_103 = arith.constant 0 : i32
          %dma_start3A_104 = arith.constant 0 : i32
          %dma_start3A_105 = tpu.memref_slice %arg11[%dma_start3A_103, %dma_start3A_104] : memref<10240x128xf32, #tpu.memory_space<vmem_shared>> -> memref<10240x128xf32, #tpu.memory_space<vmem_shared>>
          tpu.enqueue_indirect_dma source(%arg10 : memref<128x128xf32, #tpu.memory_space<vmem>>) target(%dma_start3A_105 : memref<10240x128xf32, #tpu.memory_space<vmem_shared>>) offsets(%dma_start3A_102 : memref<128xi32, #tpu.memory_space<vmem>>) semaphore(%run_scoped3A : memref<!tpu.dma_semaphore, #tpu.memory_space<semaphore_mem>>) {add = true}
          %dma_wait3A_106 = arith.constant 0 : i32
          %dma_wait3A_107 = tpu.memref_slice %arg8[%add3A_86, %dma_wait3A_106] : memref<40x128xi32, #tpu.memory_space<vmem>> -> memref<1x128xi32, #tpu.memory_space<vmem>>
          %dma_wait3A_108 = tpu.memref_squeeze %dma_wait3A_107 : memref<1x128xi32, #tpu.memory_space<vmem>> -> memref<128xi32, #tpu.memory_space<vmem>>
          %dma_wait3A_109 = arith.constant 0 : i32
          %dma_wait3A_110 = arith.constant 0 : i32
          %dma_wait3A_111 = tpu.memref_slice %arg11[%dma_wait3A_109, %dma_wait3A_110] : memref<10240x128xf32, #tpu.memory_space<vmem_shared>> -> memref<10240x128xf32, #tpu.memory_space<vmem_shared>>
          tpu.wait_indirect_dma semaphore(%run_scoped3A : memref<!tpu.dma_semaphore, #tpu.memory_space<semaphore_mem>>) src(%arg10 : memref<128x128xf32, #tpu.memory_space<vmem>>) dst(%dma_wait3A_111 : memref<10240x128xf32, #tpu.memory_space<vmem_shared>>)
          tpu.yield
        }) : () -> ()
        %add3A_93 = arith.constant 2 : i32
        %add3A_94 = arith.addi %add3A_86, %add3A_93 : i32
        %lt3A_95 = arith.constant 40 : i32
        %lt3A_96 = arith.cmpi slt, %add3A_94, %lt3A_95 : i32
        %convert_element_type3A_97 = arith.extui %lt3A_96 : i1 to i32
        %cond3A_98 = arith.constant 0 : i32
        %cond3A_99 = arith.cmpi ne, %convert_element_type3A_97, %cond3A_98 : i32
        scf.if %cond3A_99 {
          %add3A_100 = arith.constant 2 : i32
          %add3A_101 = arith.addi %add3A_86, %add3A_100 : i32
          %dma_start3A_102 = arith.constant 0 : i32
          %dma_start3A_103 = tpu.memref_slice %arg7[%add3A_101, %dma_start3A_102] : memref<40x128xi32, #tpu.memory_space<vmem>> -> memref<1x128xi32, #tpu.memory_space<vmem>>
          %dma_start3A_104 = tpu.memref_squeeze %dma_start3A_103 : memref<1x128xi32, #tpu.memory_space<vmem>> -> memref<128xi32, #tpu.memory_space<vmem>>
          %dma_start3A_105 = arith.constant 0 : i32
          %dma_start3A_106 = arith.constant 0 : i32
          %dma_start3A_107 = tpu.memref_slice %arg2[%dma_start3A_105, %dma_start3A_106] : memref<10240x128xf32, #tpu.memory_space<hbm>> -> memref<10240x128xf32, #tpu.memory_space<hbm>>
          tpu.enqueue_indirect_dma source(%dma_start3A_107 : memref<10240x128xf32, #tpu.memory_space<hbm>>) target(%arg10 : memref<128x128xf32, #tpu.memory_space<vmem>>) offsets(%dma_start3A_104 : memref<128xi32, #tpu.memory_space<vmem>>) semaphore(%arg13 : memref<!tpu.dma_semaphore, #tpu.memory_space<semaphore_mem>>)
        } else {
        }
      }
      %scan3A_65 = arith.constant 20 : i32
    } else {
    }
    %barrier3A = arith.constant 0 : index
    tpu.barrier barrier_id(%barrier3A)
    %mul3A_9 = arith.constant 640 : i32
    %mul3A_10 = arith.muli %arg1, %mul3A_9 : i32
    %mul3A_11 = arith.constant 10240 : i32
    %mul3A_12 = arith.muli %arg0, %mul3A_11 : i32
    %mul3A_13 = arith.constant 640 : i32
    %mul3A_14 = arith.muli %arg1, %mul3A_13 : i32
    %add3A = arith.addi %mul3A_12, %mul3A_14 : i32
    "tpu.region"() ({
      %run_scoped3A = tpu.sem_alloc : memref<!tpu.dma_semaphore, #tpu.memory_space<semaphore_mem>>
      %dma_start3A_15 = arith.constant 0 : i32
      %dma_start3A_16 = tpu.memref_slice %arg6[%add3A, %dma_start3A_15] : memref<20480x128xf32, #tpu.memory_space<hbm>> -> memref<640x128xf32, #tpu.memory_space<hbm>>
      %dma_start3A_17 = arith.constant 0 : i32
      %dma_start3A_18 = tpu.memref_slice %arg11[%mul3A_10, %dma_start3A_17] : memref<10240x128xf32, #tpu.memory_space<vmem_shared>> -> memref<640x128xf32, #tpu.memory_space<vmem_shared>>
      tpu.enqueue_dma source(%dma_start3A_18 : memref<640x128xf32, #tpu.memory_space<vmem_shared>>) target(%dma_start3A_16 : memref<640x128xf32, #tpu.memory_space<hbm>>) target_semaphore(%run_scoped3A : memref<!tpu.dma_semaphore, #tpu.memory_space<semaphore_mem>>)
      %dma_wait3A = arith.constant 0 : i32
      %dma_wait3A_19 = tpu.memref_slice %arg6[%add3A, %dma_wait3A] : memref<20480x128xf32, #tpu.memory_space<hbm>> -> memref<640x128xf32, #tpu.memory_space<hbm>>
      %dma_wait3A_20 = arith.constant 0 : i32
      %dma_wait3A_21 = tpu.memref_slice %arg11[%mul3A_10, %dma_wait3A_20] : memref<10240x128xf32, #tpu.memory_space<vmem_shared>> -> memref<640x128xf32, #tpu.memory_space<vmem_shared>>
      tpu.wait_dma2 semaphore(%run_scoped3A : memref<!tpu.dma_semaphore, #tpu.memory_space<semaphore_mem>>) src(%dma_wait3A_21 : memref<640x128xf32, #tpu.memory_space<vmem_shared>>) dst(%dma_wait3A_19 : memref<640x128xf32, #tpu.memory_space<hbm>>)
      tpu.yield
    }) : () -> ()
    return
  }
}

module attributes {stable_mosaic.version = 14 : i64} {
  func.func @_tc_lin_body(%arg0: i32, %arg1: memref<512x128xf32, #tpu.memory_space<vmem>>, %arg2: memref<128x128xf32, #tpu.memory_space<vmem>>, %arg3: memref<512x1xf32, #tpu.memory_space<vmem>>, %arg4: memref<512x1xf32, #tpu.memory_space<vmem>>, %arg5: memref<512x128xf32, #tpu.memory_space<vmem>>) attributes {dimension_semantics = [#tpu.dimension_semantics<arbitrary>], iteration_bounds = array<i64: 20>, scalar_prefetch = 0 : i64, scratch_operands = 0 : i64, tpu.core_type = #tpu.core_type<tc>, window_params = [{transform_indices = @transform_0, window_bounds = array<i64: 512, 128>}, {pipeline_mode = #tpu.pipeline_mode<synchronous>, transform_indices = @transform_1, window_bounds = array<i64: 128, 128>}, {transform_indices = @transform_2, window_bounds = array<i64: 512, 1>}, {transform_indices = @transform_3, window_bounds = array<i64: 512, 1>}, {transform_indices = @transform_4, window_bounds = array<i64: 512, 128>}]} {
    %get3A = arith.constant 0 : index
    %get3A_0 = arith.constant 0 : index
    %get3A_1 = vector.load %arg3[%get3A, %get3A_0] : memref<512x1xf32, #tpu.memory_space<vmem>>, vector<512x1xf32>
    %get3A_2 = arith.constant 0 : index
    %get3A_3 = arith.constant 0 : index
    %get3A_4 = vector.load %arg4[%get3A_2, %get3A_3] : memref<512x1xf32, #tpu.memory_space<vmem>>, vector<512x1xf32>
    %add3A = arith.addf %get3A_1, %get3A_4 : vector<512x1xf32>
    %add3A_5 = arith.constant 1.000000e+00 : f32
    %add3A_6 = vector.broadcast %add3A_5 : f32 to vector<512x1xf32>
    %add3A_7 = arith.addf %add3A, %add3A_6 : vector<512x1xf32>
    %rsqrt3A = math.rsqrt %add3A_7 : vector<512x1xf32>
    %get3A_8 = arith.constant 0 : index
    %get3A_9 = arith.constant 0 : index
    %get3A_10 = vector.load %arg1[%get3A_8, %get3A_9] : memref<512x128xf32, #tpu.memory_space<vmem>>, vector<512x128xf32>
    %get3A_11 = arith.constant 0 : index
    %get3A_12 = arith.constant 0 : index
    %get3A_13 = vector.load %arg2[%get3A_11, %get3A_12] : memref<128x128xf32, #tpu.memory_space<vmem>>, vector<128x128xf32>
    %dot_general3A = arith.constant dense<0.000000e+00> : vector<512x128xf32>
    %dot_general3A_14 = tpu.matmul %get3A_10, %get3A_13, %dot_general3A {dimension_numbers = #tpu.dot_dimension_numbers<[1], [0], [0], [1], [0, 0, 1, 1], [], []>, transpose_lhs_hint = false} : vector<512x128xf32>, vector<128x128xf32>, vector<512x128xf32> -> vector<512x128xf32>
    %mul3A = vector.broadcast %rsqrt3A : vector<512x1xf32> to vector<512x128xf32>
    %mul3A_15 = arith.mulf %mul3A, %dot_general3A_14 : vector<512x128xf32>
    %swap3A = arith.constant 0 : index
    %swap3A_16 = arith.constant 0 : index
    %swap3A_17 = vector.load %arg5[%swap3A, %swap3A_16] : memref<512x128xf32, #tpu.memory_space<vmem>>, vector<512x128xf32>
    tpu.vector_store %arg5[%swap3A, %swap3A_16], %mul3A_15 {strides = array<i32>} : memref<512x128xf32, #tpu.memory_space<vmem>>, vector<512x128xf32>,
    return
  }
  func.func @transform_0(%arg0: i32) -> (i32, i32) {
    %c0_i32 = arith.constant 0 : i32
    %c0_i32_0 = arith.constant 0 : i32
    return %arg0, %c0_i32 : i32, i32
  }
  func.func @transform_1(%arg0: i32) -> (i32, i32) {
    %c0_i32 = arith.constant 0 : i32
    %c0_i32_0 = arith.constant 0 : i32
    %c0_i32_1 = arith.constant 0 : i32
    return %c0_i32, %c0_i32_0 : i32, i32
  }
  func.func @transform_2(%arg0: i32) -> (i32, i32) {
    %c0_i32 = arith.constant 0 : i32
    %c0_i32_0 = arith.constant 0 : i32
    return %arg0, %c0_i32 : i32, i32
  }
  func.func @transform_3(%arg0: i32) -> (i32, i32) {
    %c0_i32 = arith.constant 0 : i32
    %c0_i32_0 = arith.constant 0 : i32
    return %arg0, %c0_i32 : i32, i32
  }
  func.func @transform_4(%arg0: i32) -> (i32, i32) {
    %c0_i32 = arith.constant 0 : i32
    %c0_i32_0 = arith.constant 0 : i32
    return %arg0, %c0_i32 : i32, i32
  }
}

module attributes {stable_mosaic.version = 14 : i64} {
  func.func @_tc_mid_body(%arg0: i32, %arg1: memref<512x128xf32, #tpu.memory_space<vmem>>, %arg2: memref<512x128xf32, #tpu.memory_space<vmem>>, %arg3: memref<512x128xf32, #tpu.memory_space<vmem>>, %arg4: memref<512x1xf32, #tpu.memory_space<vmem>>, %arg5: memref<512x1xf32, #tpu.memory_space<vmem>>, %arg6: memref<1x128xf32, #tpu.memory_space<vmem>>, %arg7: memref<128x128xf32, #tpu.memory_space<vmem>>, %arg8: memref<512x128xf32, #tpu.memory_space<vmem>>) attributes {dimension_semantics = [#tpu.dimension_semantics<arbitrary>], iteration_bounds = array<i64: 20>, scalar_prefetch = 0 : i64, scratch_operands = 0 : i64, tpu.core_type = #tpu.core_type<tc>, window_params = [{transform_indices = @transform_0, window_bounds = array<i64: 512, 128>}, {transform_indices = @transform_1, window_bounds = array<i64: 512, 128>}, {transform_indices = @transform_2, window_bounds = array<i64: 512, 128>}, {transform_indices = @transform_3, window_bounds = array<i64: 512, 1>}, {transform_indices = @transform_4, window_bounds = array<i64: 512, 1>}, {pipeline_mode = #tpu.pipeline_mode<synchronous>, transform_indices = @transform_5, window_bounds = array<i64: 1, 128>}, {pipeline_mode = #tpu.pipeline_mode<synchronous>, transform_indices = @transform_6, window_bounds = array<i64: 128, 128>}, {transform_indices = @transform_7, window_bounds = array<i64: 512, 128>}]} {
    %get3A = arith.constant 0 : index
    %get3A_0 = arith.constant 0 : index
    %get3A_1 = vector.load %arg4[%get3A, %get3A_0] : memref<512x1xf32, #tpu.memory_space<vmem>>, vector<512x1xf32>
    %get3A_2 = arith.constant 0 : index
    %get3A_3 = arith.constant 0 : index
    %get3A_4 = vector.load %arg5[%get3A_2, %get3A_3] : memref<512x1xf32, #tpu.memory_space<vmem>>, vector<512x1xf32>
    %add3A = arith.addf %get3A_1, %get3A_4 : vector<512x1xf32>
    %add3A_5 = arith.constant 1.000000e+00 : f32
    %add3A_6 = vector.broadcast %add3A_5 : f32 to vector<512x1xf32>
    %add3A_7 = arith.addf %add3A, %add3A_6 : vector<512x1xf32>
    %rsqrt3A = math.rsqrt %add3A_7 : vector<512x1xf32>
    %get3A_8 = arith.constant 0 : index
    %get3A_9 = arith.constant 0 : index
    %get3A_10 = vector.load %arg1[%get3A_8, %get3A_9] : memref<512x128xf32, #tpu.memory_space<vmem>>, vector<512x128xf32>
    %get3A_11 = arith.constant 0 : index
    %get3A_12 = arith.constant 0 : index
    %get3A_13 = vector.load %arg2[%get3A_11, %get3A_12] : memref<512x128xf32, #tpu.memory_space<vmem>>, vector<512x128xf32>
    %add3A_14 = arith.addf %get3A_10, %get3A_13 : vector<512x128xf32>
    %get3A_15 = arith.constant 0 : index
    %get3A_16 = arith.constant 0 : index
    %get3A_17 = vector.load %arg3[%get3A_15, %get3A_16] : memref<512x128xf32, #tpu.memory_space<vmem>>, vector<512x128xf32>
    %add3A_18 = arith.addf %add3A_14, %get3A_17 : vector<512x128xf32>
    %mul3A = vector.broadcast %rsqrt3A : vector<512x1xf32> to vector<512x128xf32>
    %mul3A_19 = arith.mulf %mul3A, %add3A_18 : vector<512x128xf32>
    %get3A_20 = arith.constant 0 : index
    %get3A_21 = arith.constant 0 : index
    %get3A_22 = vector.load %arg6[%get3A_20, %get3A_21] : memref<1x128xf32, #tpu.memory_space<vmem>>, vector<1x128xf32>
    %add3A_23 = vector.broadcast %get3A_22 : vector<1x128xf32> to vector<512x128xf32>
    %add3A_24 = arith.addf %mul3A_19, %add3A_23 : vector<512x128xf32>
    %max3A = arith.constant 0.000000e+00 : f32
    %max3A_25 = vector.broadcast %max3A : f32 to vector<512x128xf32>
    %max3A_26 = arith.maximumf %add3A_24, %max3A_25 : vector<512x128xf32>
    %mul3A_27 = arith.mulf %max3A_26, %max3A_26 : vector<512x128xf32>
    %reduce_sum3A = arith.constant dense<0.000000e+00> : vector<512xf32>
    %reduce_sum3A_28 = vector.multi_reduction <add>, %mul3A_27, %reduce_sum3A [1] : vector<512x128xf32> to vector<512xf32>
    %broadcast_in_dim3A = vector.shape_cast %reduce_sum3A_28 : vector<512xf32> to vector<512x1xf32>
    %sqrt3A = math.sqrt %broadcast_in_dim3A : vector<512x1xf32>
    %max3A_29 = arith.constant 9.99999996E-13 : f32
    %max3A_30 = vector.broadcast %max3A_29 : f32 to vector<512x1xf32>
    %max3A_31 = arith.maximumf %sqrt3A, %max3A_30 : vector<512x1xf32>
    %div3A = vector.broadcast %max3A_31 : vector<512x1xf32> to vector<512x128xf32>
    %div3A_32 = arith.divf %max3A_26, %div3A : vector<512x128xf32>
    %get3A_33 = arith.constant 0 : index
    %get3A_34 = arith.constant 0 : index
    %get3A_35 = vector.load %arg7[%get3A_33, %get3A_34] : memref<128x128xf32, #tpu.memory_space<vmem>>, vector<128x128xf32>
    %dot_general3A = arith.constant dense<0.000000e+00> : vector<512x128xf32>
    %dot_general3A_36 = tpu.matmul %div3A_32, %get3A_35, %dot_general3A {dimension_numbers = #tpu.dot_dimension_numbers<[1], [0], [0], [1], [0, 0, 1, 1], [], []>, transpose_lhs_hint = false} : vector<512x128xf32>, vector<128x128xf32>, vector<512x128xf32> -> vector<512x128xf32>
    %mul3A_37 = vector.broadcast %rsqrt3A : vector<512x1xf32> to vector<512x128xf32>
    %mul3A_38 = arith.mulf %mul3A_37, %dot_general3A_36 : vector<512x128xf32>
    %swap3A = arith.constant 0 : index
    %swap3A_39 = arith.constant 0 : index
    %swap3A_40 = vector.load %arg8[%swap3A, %swap3A_39] : memref<512x128xf32, #tpu.memory_space<vmem>>, vector<512x128xf32>
    tpu.vector_store %arg8[%swap3A, %swap3A_39], %mul3A_38 {strides = array<i32>} : memref<512x128xf32, #tpu.memory_space<vmem>>, vector<512x128xf32>,
    return
  }
  func.func @transform_0(%arg0: i32) -> (i32, i32) {
    %c0_i32 = arith.constant 0 : i32
    %c0_i32_0 = arith.constant 0 : i32
    return %arg0, %c0_i32 : i32, i32
  }
  func.func @transform_1(%arg0: i32) -> (i32, i32) {
    %c0_i32 = arith.constant 0 : i32
    %c0_i32_0 = arith.constant 0 : i32
    return %arg0, %c0_i32 : i32, i32
  }
  func.func @transform_2(%arg0: i32) -> (i32, i32) {
    %c0_i32 = arith.constant 0 : i32
    %c0_i32_0 = arith.constant 0 : i32
    return %arg0, %c0_i32 : i32, i32
  }
  func.func @transform_3(%arg0: i32) -> (i32, i32) {
    %c0_i32 = arith.constant 0 : i32
    %c0_i32_0 = arith.constant 0 : i32
    return %arg0, %c0_i32 : i32, i32
  }
  func.func @transform_4(%arg0: i32) -> (i32, i32) {
    %c0_i32 = arith.constant 0 : i32
    %c0_i32_0 = arith.constant 0 : i32
    return %arg0, %c0_i32 : i32, i32
  }
  func.func @transform_5(%arg0: i32) -> (i32, i32) {
    %c0_i32 = arith.constant 0 : i32
    %c0_i32_0 = arith.constant 0 : i32
    %c0_i32_1 = arith.constant 0 : i32
    return %c0_i32, %c0_i32_0 : i32, i32
  }
  func.func @transform_6(%arg0: i32) -> (i32, i32) {
    %c0_i32 = arith.constant 0 : i32
    %c0_i32_0 = arith.constant 0 : i32
    %c0_i32_1 = arith.constant 0 : i32
    return %c0_i32, %c0_i32_0 : i32, i32
  }
  func.func @transform_7(%arg0: i32) -> (i32, i32) {
    %c0_i32 = arith.constant 0 : i32
    %c0_i32_0 = arith.constant 0 : i32
    return %arg0, %c0_i32 : i32, i32
  }
}

module attributes {stable_mosaic.version = 14 : i64} {
  func.func @_tc_fin_body(%arg0: i32, %arg1: memref<512x128xf32, #tpu.memory_space<vmem>>, %arg2: memref<512x128xf32, #tpu.memory_space<vmem>>, %arg3: memref<512x128xf32, #tpu.memory_space<vmem>>, %arg4: memref<512x1xf32, #tpu.memory_space<vmem>>, %arg5: memref<512x1xf32, #tpu.memory_space<vmem>>, %arg6: memref<1x128xf32, #tpu.memory_space<vmem>>, %arg7: memref<512x128xf32, #tpu.memory_space<vmem>>) attributes {dimension_semantics = [#tpu.dimension_semantics<arbitrary>], iteration_bounds = array<i64: 20>, scalar_prefetch = 0 : i64, scratch_operands = 0 : i64, tpu.core_type = #tpu.core_type<tc>, window_params = [{transform_indices = @transform_0, window_bounds = array<i64: 512, 128>}, {transform_indices = @transform_1, window_bounds = array<i64: 512, 128>}, {transform_indices = @transform_2, window_bounds = array<i64: 512, 128>}, {transform_indices = @transform_3, window_bounds = array<i64: 512, 1>}, {transform_indices = @transform_4, window_bounds = array<i64: 512, 1>}, {pipeline_mode = #tpu.pipeline_mode<synchronous>, transform_indices = @transform_5, window_bounds = array<i64: 1, 128>}, {transform_indices = @transform_6, window_bounds = array<i64: 512, 128>}]} {
    %get3A = arith.constant 0 : index
    %get3A_0 = arith.constant 0 : index
    %get3A_1 = vector.load %arg4[%get3A, %get3A_0] : memref<512x1xf32, #tpu.memory_space<vmem>>, vector<512x1xf32>
    %get3A_2 = arith.constant 0 : index
    %get3A_3 = arith.constant 0 : index
    %get3A_4 = vector.load %arg5[%get3A_2, %get3A_3] : memref<512x1xf32, #tpu.memory_space<vmem>>, vector<512x1xf32>
    %add3A = arith.addf %get3A_1, %get3A_4 : vector<512x1xf32>
    %add3A_5 = arith.constant 1.000000e+00 : f32
    %add3A_6 = vector.broadcast %add3A_5 : f32 to vector<512x1xf32>
    %add3A_7 = arith.addf %add3A, %add3A_6 : vector<512x1xf32>
    %rsqrt3A = math.rsqrt %add3A_7 : vector<512x1xf32>
    %get3A_8 = arith.constant 0 : index
    %get3A_9 = arith.constant 0 : index
    %get3A_10 = vector.load %arg1[%get3A_8, %get3A_9] : memref<512x128xf32, #tpu.memory_space<vmem>>, vector<512x128xf32>
    %get3A_11 = arith.constant 0 : index
    %get3A_12 = arith.constant 0 : index
    %get3A_13 = vector.load %arg2[%get3A_11, %get3A_12] : memref<512x128xf32, #tpu.memory_space<vmem>>, vector<512x128xf32>
    %add3A_14 = arith.addf %get3A_10, %get3A_13 : vector<512x128xf32>
    %get3A_15 = arith.constant 0 : index
    %get3A_16 = arith.constant 0 : index
    %get3A_17 = vector.load %arg3[%get3A_15, %get3A_16] : memref<512x128xf32, #tpu.memory_space<vmem>>, vector<512x128xf32>
    %add3A_18 = arith.addf %add3A_14, %get3A_17 : vector<512x128xf32>
    %mul3A = vector.broadcast %rsqrt3A : vector<512x1xf32> to vector<512x128xf32>
    %mul3A_19 = arith.mulf %mul3A, %add3A_18 : vector<512x128xf32>
    %get3A_20 = arith.constant 0 : index
    %get3A_21 = arith.constant 0 : index
    %get3A_22 = vector.load %arg6[%get3A_20, %get3A_21] : memref<1x128xf32, #tpu.memory_space<vmem>>, vector<1x128xf32>
    %add3A_23 = vector.broadcast %get3A_22 : vector<1x128xf32> to vector<512x128xf32>
    %add3A_24 = arith.addf %mul3A_19, %add3A_23 : vector<512x128xf32>
    %swap3A = arith.constant 0 : index
    %swap3A_25 = arith.constant 0 : index
    %swap3A_26 = vector.load %arg7[%swap3A, %swap3A_25] : memref<512x128xf32, #tpu.memory_space<vmem>>, vector<512x128xf32>
    tpu.vector_store %arg7[%swap3A, %swap3A_25], %add3A_24 {strides = array<i32>} : memref<512x128xf32, #tpu.memory_space<vmem>>, vector<512x128xf32>,
    return
  }
  func.func @transform_0(%arg0: i32) -> (i32, i32) {
    %c0_i32 = arith.constant 0 : i32
    %c0_i32_0 = arith.constant 0 : i32
    return %arg0, %c0_i32 : i32, i32
  }
  func.func @transform_1(%arg0: i32) -> (i32, i32) {
    %c0_i32 = arith.constant 0 : i32
    %c0_i32_0 = arith.constant 0 : i32
    return %arg0, %c0_i32 : i32, i32
  }
  func.func @transform_2(%arg0: i32) -> (i32, i32) {
    %c0_i32 = arith.constant 0 : i32
    %c0_i32_0 = arith.constant 0 : i32
    return %arg0, %c0_i32 : i32, i32
  }
  func.func @transform_3(%arg0: i32) -> (i32, i32) {
    %c0_i32 = arith.constant 0 : i32
    %c0_i32_0 = arith.constant 0 : i32
    return %arg0, %c0_i32 : i32, i32
  }
  func.func @transform_4(%arg0: i32) -> (i32, i32) {
    %c0_i32 = arith.constant 0 : i32
    %c0_i32_0 = arith.constant 0 : i32
    return %arg0, %c0_i32 : i32, i32
  }
  func.func @transform_5(%arg0: i32) -> (i32, i32) {
    %c0_i32 = arith.constant 0 : i32
    %c0_i32_0 = arith.constant 0 : i32
    %c0_i32_1 = arith.constant 0 : i32
    return %c0_i32, %c0_i32_0 : i32, i32
  }
  func.func @transform_6(%arg0: i32) -> (i32, i32) {
    %c0_i32 = arith.constant 0 : i32
    %c0_i32_0 = arith.constant 0 : i32
    return %arg0, %c0_i32 : i32, i32
  }
}

</mosaic_0001>

<sc_bundles>
// kernel: kernel.11.cloned.1.call-start
scs
__scs_entry_jumppad:
0x0: {  	(pc) =	sbr.rel $0x88, $3  }
0x1: {  	(tag) =	ssettag $0x0;
	lr =	simm.s32 $0x1  }
0x2: {  	[smem:$0x3F9B] =	sst lr;
	_ =	strace $0xD0000000  }
0x3: {  	_ = 	snop  }
0x4: {  	_ = 	snop  }
0x5: {  	_ = 	snop  }
0x6: {  	_ = 	snop  }
0x7: {  	_ = 	snop  }
__scs_overlays_trampoline_lowered:
0x8: {  	[smem:$0x3FAA] =	sst s0  }
0x9: {  	[smem:$0x3FAB] =	sst s1  }
0xa: {  	[smem:$0x3FAC] =	sst s2  }
0xb: {  	[smem:$0x3FAD] =	sst s3  }
0xc: {  	[smem:$0x3FAE] =	sst s4  }
0xd: {  	[smem:$0x3FAF] =	sst s5  }
0xe: {  	[smem:$0x3FB0] =	sst s6  }
0xf: {  	[smem:$0x3FB1] =	sst s7  }
0x10: {  	[smem:$0x3FB2] =	sst s8  }
0x11: {  	[smem:$0x3FB3] =	sst s9;
	s0 =	simm.s32 @!p0 $0x0  }
0x12: {  	s1 =	sld [smem:$0x3F99];
	s0 =	simm.s32 @p0 $0x1  }
0x13: {  	[smem:$0x3FB4] =	sst s0;
	s0 =	simm.s32 @!p1 $0x0  }
0x14: {  	s2 =	sld [smem:$0x3F98];
	s0 =	simm.s32 @p1 $0x1  }
0x15: {  	[smem:$0x3FB5] =	sst s0;
	s0 =	simm.s32 @!p2 $0x0  }
0x16: {  	s3 =	sld [smem:$0x3FDB];
	s0 =	simm.s32 @p2 $0x1  }
0x17: {  	s4 =	simm.s32 $0x1BF5;
	[smem:$0x3FB7] =	sst s0  }
0x18: {  	s0 =	sld [smem:$0x3F9A];
	_ =	swait.ge [sflag:s4], $0x0  }
0x19: {  	s7 =	sld [smem:$0x3F9B]  }
0x1a: {  	s8 =	sadd.s32 $0xFFFFE003, lr  }
0x1b: {  	s9 =	sadd.s32 $0xFFFFFEF7, lr;
	s5 =	simm.s32 $0xFFFFFFFF;
	p2 =	slt.u32 s8, $0xFFFFF086  }
0x1c: {  	p1 =	slt.u32 s9, $0xF7A;
	s5 =	simm.s32 @!p2 $0x0  }
0x1d: {  	s5 =	simm.s32 @p1 $0x1;
	p0 =	seq.s32 s7, s2  }
0x1e: {  	s7 =	smul.u32 @!p0 $0xF7A, s2;
	p2 =	seq.s32 @!p0 s5, $0x0  }
0x1f: {  	s9 =	smul.u32 $0xF7A, s1;
	s8 =	simm.s32 @!p0 $0x1BF5;
	p2 =	por !p2, p0  }
0x20: {  	[sflag:s8] =	ssyncset.s32 @!p0 $0xFFFFF086;
	s6 =	sadd.s32 @!p0 s3, s7;
	s7 =	simm.s32 @!p0 $0x108  }
0x21: {  	s3 =	sadd.s32 s3, s9;
	s6 =	sadd.s32 @!p0 $0x88, s6;
	s7 =	simm.s32 @p2 $0x1082  }
0x22: {  	[simem:s7], [sflag:s8] =	dma.local @!p0 [hbm:s6], $0xF7A  }
0x23: {  	s9 =	sor.u32 $0xD0000000, s2;
	s6 =	simm.s32 $0x108;
	_ =	swait.ge @!p0 [sflag:s8], $0x0  }
0x24: {  	s3 =	sadd.s32 $0x88, s3;
	s6 =	simm.s32 @!p1 $0x1082;
	[sflag:s4] =	ssyncset.s32 $0xFFFFF086  }
0x25: {  	[simem:s6], [sflag:s4] =	dma.local [hbm:s3], $0xF7A  }
0x26: {  	[smem:$0x3F9B] =	sst s1;
	(tag) =	ssettag s2;
	_ =	strace s9  }
0x27: {  	s1 =	sld [smem:$0x3FAB]  }
0x28: {  	s2 =	sld [smem:$0x3FAC]  }
0x29: {  	s4 =	sld [smem:$0x3FAE]  }
0x2a: {  	p0 =	seq.s32 s5, $0x0;
	s5 =	sld [smem:$0x3FAF]  }
0x2b: {  	s6 =	sld [smem:$0x3FB0]  }
0x2c: {  	s7 =	sld [smem:$0x3FB1]  }
0x2d: {  	s3 =	simm.s32 $0x108;
	s8 =	sld [smem:$0x3FB2]  }
0x2e: {  	s3 =	simm.s32 @!p0 $0x1082;
	s9 =	sld [smem:$0x3FB3]  }
0x2f: {  	lr =	sadd.s32 s0, s3;
	s0 =	sld [smem:$0x3FAA]  }
0x30: {  	s3 =	sld [smem:$0x3FAD]  }
0x31: {  	[smem:$0x3FB6] =	sst s10  }
0x32: {  	s10 =	sld [smem:$0x3FB4];
	_ =	sdelay $0x3  }
0x33: {  	p0 =	seq.s32 s10, $0x1;
	s10 =	sld [smem:$0x3FB6];
	_ =	sdelay $0x3  }
0x34: {  	[smem:$0x3FB6] =	sst s10  }
0x35: {  	s10 =	sld [smem:$0x3FB5];
	_ =	sdelay $0x3  }
0x36: {  	p1 =	seq.s32 s10, $0x1;
	s10 =	sld [smem:$0x3FB6];
	_ =	sdelay $0x3  }
0x37: {  	[smem:$0x3FB6] =	sst s10  }
0x38: {  	s10 =	sld [smem:$0x3FB7]  }
0x39: {  	_ = 	snop;
	(pc) =	sbr.ind lr, $3  }
0x3a: {  	_ = 	snop  }
0x3b: {  	_ = 	snop  }
0x3c: {  	p2 =	seq.s32 s10, $0x1;
	s10 =	sld [smem:$0x3FB6]  }
0x3d: {  	_ =	shalt  }
0x3e: {  	_ =	shalt  }
0x3f: {  	_ =	shalt  }
0x40: {  	_ =	shalt  }
0x41: {  	_ =	shalt  }
0x42: {  	_ =	shalt  }
0x43: {  	_ =	shalt  }
0x44: {  	_ =	shalt  }
0x45: {  	_ =	shalt  }
0x46: {  	_ =	shalt  }
0x47: {  	_ =	shalt  }
0x48: {  	_ =	shalt  }
0x49: {  	_ =	shalt  }
0x4a: {  	_ =	shalt  }
0x4b: {  	_ =	shalt  }
0x4c: {  	_ =	shalt  }
0x4d: {  	_ =	shalt  }
0x4e: {  	_ =	shalt  }
0x4f: {  	_ =	shalt  }
0x50: {  	_ =	shalt  }
0x51: {  	_ =	shalt  }
0x52: {  	_ =	shalt  }
0x53: {  	_ =	shalt  }
0x54: {  	_ =	shalt  }
0x55: {  	_ =	shalt  }
0x56: {  	_ =	shalt  }
0x57: {  	_ =	shalt  }
0x58: {  	_ =	shalt  }
0x59: {  	_ =	shalt  }
0x5a: {  	_ =	shalt  }
0x5b: {  	_ =	shalt  }
0x5c: {  	_ =	shalt  }
0x5d: {  	_ =	shalt  }
0x5e: {  	_ =	shalt  }
0x5f: {  	_ =	shalt  }
0x60: {  	_ =	shalt  }
0x61: {  	_ =	shalt  }
0x62: {  	_ =	shalt  }
0x63: {  	_ =	shalt  }
0x64: {  	_ =	shalt  }
0x65: {  	_ =	shalt  }
0x66: {  	_ =	shalt  }
0x67: {  	_ =	shalt  }
0x68: {  	_ =	shalt  }
0x69: {  	_ =	shalt  }
0x6a: {  	_ =	shalt  }
0x6b: {  	_ =	shalt  }
0x6c: {  	_ =	shalt  }
0x6d: {  	_ =	shalt  }
0x6e: {  	_ =	shalt  }
0x6f: {  	_ =	shalt  }
0x70: {  	_ =	shalt  }
0x71: {  	_ =	shalt  }
0x72: {  	_ =	shalt  }
0x73: {  	_ =	shalt  }
0x74: {  	_ =	shalt  }
0x75: {  	_ =	shalt  }
0x76: {  	_ =	shalt  }
0x77: {  	_ =	shalt  }
0x78: {  	_ =	shalt  }
0x79: {  	_ =	shalt  }
0x7a: {  	_ =	shalt  }
0x7b: {  	_ =	shalt  }
0x7c: {  	_ =	shalt  }
0x7d: {  	_ =	shalt  }
0x7e: {  	_ =	shalt  }
0x7f: {  	_ =	shalt  }
0x80: {  	_ =	shalt  }
0x81: {  	_ =	shalt  }
0x82: {  	_ =	shalt  }
0x83: {  	_ =	shalt  }
0x84: {  	_ =	shalt  }
0x85: {  	_ =	shalt  }
0x86: {  	_ =	shalt  }
0x87: {  	_ =	shalt  }
.Lfunc_end0:
.L_simem_size_0:
called_computation.1_lowered:
.L_overlay_start_0:
0x88: {  	s2 =	sld [smem:$0x3FD9]  }
0x89: {  	s3 =	sld [smem:$0x3FFE];
	_ =	sdelay $0x1  }
0x8a: {  	s1 =	srdreg.scid  }
0x8b: {  	s0 =	sand.u32 $0x1, s1  }
0x8c: {  	s17 =	sshll.u32 s0, $0xA;
	s2 =	sadd.s32 s3, s2  }
0x8d: {  	s2 =	sadd.s32 s2, s17  }
0x8e: {  	[smem:$0x3FC2] =	sst s2  }
0x8f: {  	_ = 	snop  }
0x90: {  	s2 =	sld [smem:$0x3FD0];
	(tm) =	ssettm $0x1  }
0x91: {  	s18 =	sld [smem:$0x3FFB];
	_ =	sdelay $0x3  }
0x92: {  	_ =	strace s18  }
0x93: {  	s3 =	sld [smem:$0x3FFC];
	_ =	sdelay $0x3  }
0x94: {  	_ =	strace s3  }
0x95: {  	s3 =	sld [smem:$0x3FFD];
	_ =	sdelay $0x3  }
0x96: {  	_ =	strace s3  }
0x97: {  	_ =	strace $0x8FFFFFFF  }
0x98: {  	s19 =	sld [smem:$0x3FDB];
	_ =	sdelay $0x1  }
0x99: {  	s4 =	simm.s32 $_scs_section_size  }
0x9a: {  	s5 =	simm.s32 $_size__tile_overlayer_lowered;
	s6 =	simm.s32 $_tile_overlayer_lowered  }
0x9b: {  	s22 =	simm.s32 $0x1BFF;
	s21 =	sshll.u32 s6, $0x1;
	s3 =	sadd.s32 s4, s19  }
0x9c: {  	s7 =	simm.s32 $0x0;
	s20 =	sshll.u32 s5, $0x1;
	s5 =	sadd.s32 s21, s3  }
0x9d: {  	[timem:s7], [sflag:s22] =	dma.local [hbm:s5], s20  }
0x9e: {  	_ =	swait.ge [sflag:s22], s20  }
0x9f: {  	s4 =	ssub.s32 $0x0, s20;
	[sflag:s22] =	ssyncset.done $0x0  }
0xa0: {  	[sflag:s22] =	ssyncadd.s32 s4;
	_ =	sdelay $0x1  }
0xa1: {  	s23 =	simm.s32 $0x1B8B  }
0xa2: {  	_ =	swait.ge [sflag:s23], $0x1  }
0xa3: {  	[sflag:s23] =	ssyncset.done $0x0  }
0xa4: {  	s25 =	simm.s32 $0x1B8E;
	s24 =	sld [smem:$0x3FFE];
	[sflag:s23] =	ssyncadd.s32 $0xFFFFFFFF  }
0xa5: {  	s26 =	simm.s32 $execute0_lowered;
	[smem:$0x3FD2] =	sst s25  }
0xa6: {  	s5 =	sshll.u32 s26, $0x1;
	_ =	strace $0x80000049;
	[dreg:$0x1] =	wrdreg $0xFFFFFFFF  }
0xa7: {  	s28 =	simm.s32 $_size_execute0_lowered;
	s3 =	sadd.s32 s3, s5;
	[dreg:$0x0] =	wrdreg $0x0  }
0xa8: {  	s5 =	sshll.u32 s28, $0x1;
	[dreg:$0x2] =	wrdreg s3  }
0xa9: {  	[dreg:$0x3] =	wrdreg s5  }
0xaa: {  	[dreg:$0x4] =	wrdreg $0xC0  }
0xab: {  	_ =	task [dreg:s7], $0x5FFFF  }
0xac: {  	[dreg:$0x1] =	wrdreg $0xFFFFFFFF  }
0xad: {  	[dreg:$0x0] =	wrdreg $0x60  }
0xae: {  	[dreg:$0x2] =	wrdreg s24  }
0xaf: {  	[dreg:$0x3] =	wrdreg s2  }
0xb0: {  	[dreg:$0x4] =	wrdreg $0xA8000  }
0xb1: {  	[dreg:$0x5] =	wrdreg $0x9  }
0xb2: {  	_ =	task.clear_ibuf [dreg:s7], $0x6FFFF;
	_ =	strace $0x90000049  }
0xb3: {  	s29 =	simm.s32 $0x9;
	_ =	strace $0x8000004B  }
0xb4: {  	_ =	swait.ge [sflag:s29], $0x1  }
0xb5: {  	[sflag:s29] =	ssyncadd.s32 $0xFFFFFFFF  }
0xb6: {  	_ =	strace $0x9000004B  }
0xb7: {  	_ =	sfence  }
0xb8: {  	s30 =	sld [smem:$0x0];
	_ =	sdelay $0x2  }
0xb9: {  	s31 =	sshll.u32 s1, $0xD;
	s1 =	sshrl.u32 s1, $0x2  }
0xba: {  	s3 =	sand.u32 $0x4000, s31;
	s1 =	sadd.s32 s1, s30  }
0xbb: {  	s0 =	sor.u32 s3, s0;
	s1 =	sshll.u32 s1, $0x11  }
0xbc: {  	s0 =	sor.u32 s1, s0  }
0xbd: {  	s0 =	sadd.s32 $0x8F2B, s0  }
0xbe: {  	[sflag:s0] =	ssyncadd.remote.s32 $0x1  }
0xbf: {  	_ =	sfence.sel $0xFFFF  }
0xc0: {  	[dreg:$0x0] =	wrdreg $0xFFFFFFFF;
	(pc) =	sbr.abs _section_cstart, $3  }
0xc1: {  	[dreg:$0x1] =	wrdreg $0xFFFFFFFF  }
0xc2: {  	_ =	task.clear_ibuf [dreg:s7], $0x2FFFF;
	_ =	strace $0x9FFFFFFF  }
0xc3: {  	(tm) =	ssettm $0x7FFFFFFF  }
tec
execute0_lowered:
.L_overlay_start_1:
0x0: {  	(tag) =	ssettag $0x1  }
0x1: {  	s6 =	rddreg [dreg:$0x0]  }
0x2: {  	s15 =	rddreg [dreg:$0x1]  }
0x3: {  	s2 =	rddreg [dreg:$0x2]  }
0x4: {  	s4 =	srdreg.scid;
	s1 =	stileid.u32  }
0x5: {  	s3 =	simm.s32 $0x0;
	s20 =	simm.s32 $0x1400;
	s21 =	simm.s32 $0x80  }
0x6: {  	s22 =	simm.s32 $0x2800;
	s23 =	simm.s32 $0x6800;
	s5 =	smul.u32 $0x2800, s1  }
0x7: {  	s24 =	simm.s32 $0x3;
	s28 =	simm.s32 $0x2700;
	s10 =	smul.u32 $0x50000, s1  }
0x8: {  	s29 =	simm.s32 $0x2780;
	s8 =	sand.u32 $0x1, s4;
	s30 =	smul.u32 $0x5000, s1  }
0x9: {  	[smem:$0x7FF] =	sst s3;
	s4 =	sadd.s32 $0x5CE00, s6;
	s31 =	smul.u32 $0xA00, s1  }
0xa: {  	s14 =	sadd.s32 $0x2E00, s6;
	s7 =	smul.u32 $0x28000, s8;
	s9 =	ssub.s32 $0x2, s8  }
0xb: {  	_ =	strace $0x8000004A;
	p0 =	seq.s32 s8, $0x1;
	s25 =	sshrl.u32 s9, $0x1  }
0xc: {  	s26 =	sshrl.u32 s10, $0x2;
	s19 =	sshrl.u32 s30, $0x3;
	s8 =	sadd.s32 s14, s31  }
0xd: {  	s7 =	sadd.s32 s5, s7;
	s5 =	sadd.s32 $0x84E00, s6;
	s17 =	ssub.s32 s9, s25  }
0xe: {  	s18 =	sadd.s32 s26, s2;
	s9 =	sadd.s32 s15, s31;
	s11 =	sadd.s32 $0x280, s19  }
0xf: {  	s13 =	sadd.s32 $0x500, s19;
	s19 =	sadd.s32 $0x780, s19;
	s25 =	simm.s32 $0x1  }
.Ltmp0:
0x10: {  	s26 =	simm.s32 $0x2;
	s16 =	sadd.s32 s7, s6;
	(pc) =	sbr.rel .LBB2_1-.Ltmp0, $4  }
0x11: {  	s6 =	sshll.u32 s1, $0x6;
	s10 =	sadd.s32 s14, s11;
	s11 =	sadd.s32 s15, s11  }
0x12: {  	s12 =	sadd.s32 s14, s13;
	s13 =	sadd.s32 s15, s13;
	s14 =	sadd.s32 s14, s19  }
0x13: {  	s15 =	sadd.s32 s15, s19;
	s17 =	smax.u32 s17, $0x1;
	s18 =	sshrl.u32 s18, $0x3  }
0x14: {  	s19 =	simm.s32 $0x4;
	s7 =	sor.u32 $0x1C03, s6;
	s16 =	sadd.s32 $0x87600, s16  }
.LBB2_11:
0x15: {  	[tilespmem:s23], [sflag:$0x2] =	stream.indirect.gather [hbm4b:s4+s21], $0x80, s31, s21, $0xb8;
	[tilespmem:$0x1E800] =	vst v63  }
.LBB2_12:
0x16: {  	_ =	swait.ge [sflag:s25], $0x4000  }
0x17: {  	[sflag:s25] =	ssyncset.done $0x0  }
0x18: {  	[sflag:s25] =	ssyncadd.s32 $0xFFFFC000  }
0x19: {  	[spmem:s2] =	stream.indirect.scatter.add.f32 [tilespmem:s22], [sflag:$0x4], $0x80, s28, s21, $0xb8;
	[tilespmem:$0x1E800] =	vst v63  }
0x1a: {  	_ =	swait.ge [sflag:s19], $0x4000  }
0x1b: {  	[sflag:s19] =	ssyncset.done $0x0  }
0x1c: {  	[sflag:s19] =	ssyncadd.s32 $0xFFFFC000  }
0x1d: {  	_ =	swait.ge [sflag:s26], $0x4000  }
0x1e: {  	[sflag:s26] =	ssyncset.done $0x0  }
0x1f: {  	[sflag:s26] =	ssyncadd.s32 $0xFFFFC000  }
0x20: {  	[spmem:s2] =	stream.indirect.scatter.add.f32 [tilespmem:s23], [sflag:$0x4], $0x80, s29, s21, $0xb8;
	[tilespmem:$0x1E800] =	vst v63  }
0x21: {  	_ =	swait.ge [sflag:s19], $0x4000  }
0x22: {  	s3 =	sadd.s32 $0x1, s3;
	[sflag:s19] =	ssyncset.done $0x0  }
0x23: {  	p1 =	sne.s32 s3, s17;
	[sflag:s19] =	ssyncadd.s32 $0xFFFFC000  }
.Ltmp1:
0x24: {  	s0 =	sor.u32 $0x1C04, s6;
	[bflag:$0x0] =	sbarrier.arrive $0xFFFF;
	(pc) =	sbr.rel @!p1 .LBB2_13-.Ltmp1, $4  }
0x25: {  	[hbm:s16], [sflag:s0] =	dma.local [spmem:s18], $0x2800  }
0x26: {  	_ =	swait.ge [sflag:s19], $0x2800  }
0x27: {  	[sflag:s19] =	ssyncset.done $0x0  }
0x28: {  	[sflag:s19] =	ssyncadd.s32 $0xFFFFD800  }
.LBB2_1:
.Ltmp2:
0x29: {  	(pc) =	sbr.rel @!p0 .LBB2_2-.Ltmp2, $2  }
0x2a: {  	_ =	sdelay $0x2  }
0x2b: {  	[spmem:s18], [sflag:s7] =	dma.local [hbm:s5], $0x2800  }
0x2c: {  	s0 =	simm.s32 $0x0  }
0x2d: {  	[tilespmem:s0], [sflag:$0x4] =	stream.linear.gather [hbm4b:s12+s0], $0x1400, $0x38;
	[tilespmem:$0x1E800] =	vst v63  }
0x2e: {  	_ =	swait.ge [sflag:s19], $0x1400  }
0x2f: {  	[sflag:s19] =	ssyncset.done $0x0  }
0x30: {  	[sflag:s19] =	ssyncadd.s32 $0xFFFFEC00  }
0x31: {  	[tilespmem:s20], [sflag:$0x4] =	stream.linear.gather [hbm4b:s13+s0], $0x1400, $0x38;
	[tilespmem:$0x1E800] =	vst v63  }
0x32: {  	_ =	swait.ge [sflag:s19], $0x1400  }
0x33: {  	[sflag:s19] =	ssyncset.done $0x0  }
0x34: {  	[sflag:s19] =	ssyncadd.s32 $0xFFFFEC00  }
0x35: {  	[tilespmem:s22], [sflag:$0x1] =	stream.indirect.gather [hbm4b:s4+s21], $0x80, s0, s21, $0xb8;
	[tilespmem:$0x1E800] =	vst v63  }
0x36: {  	_ = 	snop  }
0x37: {  	[tilespmem:s23], [sflag:$0x2] =	stream.indirect.gather [hbm4b:s4+s21], $0x80, s21, s21, $0xb8;
	[tilespmem:$0x1E800] =	vst v63  }
0x38: {  	_ =	swait.ge [sflag:s24], $0x2800  }
0x39: {  	[sflag:s24] =	ssyncset.done $0x0  }
0x3a: {  	[sflag:s24] =	ssyncadd.s32 $0xFFFFD800  }
0x3b: {  	[bflag:$0x0] =	sbarrier.arrive $0xFFFF  }
0x3c: {  	_ =	swait.ge [sflag:s25], $0x4000  }
0x3d: {  	[sflag:s25] =	ssyncset.done $0x0  }
0x3e: {  	s0 =	simm.s32 $0x1400;
	[sflag:s25] =	ssyncadd.s32 $0xFFFFC000  }
0x3f: {  	[spmem:s2] =	stream.indirect.scatter.add.f32 [tilespmem:s22], [sflag:$0x4], $0x80, s0, s21, $0xb8;
	[tilespmem:$0x1E800] =	vst v63  }
0x40: {  	_ =	swait.ge [sflag:s19], $0x4000  }
0x41: {  	[sflag:s19] =	ssyncset.done $0x0  }
0x42: {  	s0 =	simm.s32 $0x100;
	[sflag:s19] =	ssyncadd.s32 $0xFFFFC000  }
0x43: {  	[tilespmem:s22], [sflag:$0x1] =	stream.indirect.gather [hbm4b:s4+s21], $0x80, s0, s21, $0xb8;
	[tilespmem:$0x1E800] =	vst v63  }
0x44: {  	_ =	swait.ge [sflag:s26], $0x4000  }
0x45: {  	[sflag:s26] =	ssyncset.done $0x0  }
0x46: {  	s0 =	simm.s32 $0x1480;
	[sflag:s26] =	ssyncadd.s32 $0xFFFFC000  }
0x47: {  	[spmem:s2] =	stream.indirect.scatter.add.f32 [tilespmem:s23], [sflag:$0x4], $0x80, s0, s21, $0xb8;
	[tilespmem:$0x1E800] =	vst v63  }
0x48: {  	_ =	swait.ge [sflag:s19], $0x4000  }
0x49: {  	[sflag:s19] =	ssyncset.done $0x0  }
0x4a: {  	s30 =	simm.s32 $0x400;
	s31 =	simm.s32 $0x180;
	[sflag:s19] =	ssyncadd.s32 $0xFFFFC000  }
.LBB2_8:
0x4b: {  	[tilespmem:s23], [sflag:$0x2] =	stream.indirect.gather [hbm4b:s4+s21], $0x80, s31, s21, $0xb8;
	[tilespmem:$0x1E800] =	vst v63  }
0x4c: {  	s0 =	smov.u32 s30  }
0x4d: {  	p1 =	sne.s32 s30, $0x4800;
	s30 =	sadd.s32 $0x400, s30;
	_ =	swait.ge [sflag:s25], $0x4000  }
0x4e: {  	s0 =	sshra.s32 s0, $0x2;
	[sflag:s25] =	ssyncset.done $0x0  }
0x4f: {  	s31 =	sadd.s32 $0x1400, s0;
	[sflag:s25] =	ssyncadd.s32 $0xFFFFC000  }
0x50: {  	[spmem:s2] =	stream.indirect.scatter.add.f32 [tilespmem:s22], [sflag:$0x4], $0x80, s31, s21, $0xb8;
	[tilespmem:$0x1E800] =	vst v63  }
0x51: {  	_ =	swait.ge [sflag:s19], $0x4000  }
0x52: {  	[sflag:s19] =	ssyncset.done $0x0  }
0x53: {  	s31 =	sadd.s32 $0x100, s0;
	[sflag:s19] =	ssyncadd.s32 $0xFFFFC000  }
0x54: {  	[tilespmem:s22], [sflag:$0x1] =	stream.indirect.gather [hbm4b:s4+s21], $0x80, s31, s21, $0xb8;
	[tilespmem:$0x1E800] =	vst v63  }
0x55: {  	_ =	swait.ge [sflag:s26], $0x4000  }
0x56: {  	[sflag:s26] =	ssyncset.done $0x0  }
.Ltmp3:
0x57: {  	s31 =	sadd.s32 $0x1480, s0;
	[sflag:s26] =	ssyncadd.s32 $0xFFFFC000;
	(pc) =	sbr.rel @p1 .LBB2_8-.Ltmp3, $4  }
0x58: {  	[spmem:s2] =	stream.indirect.scatter.add.f32 [tilespmem:s23], [sflag:$0x4], $0x80, s31, s21, $0xb8;
	[tilespmem:$0x1E800] =	vst v63  }
0x59: {  	_ =	swait.ge [sflag:s19], $0x4000  }
0x5a: {  	[sflag:s19] =	ssyncset.done $0x0  }
0x5b: {  	s31 =	sadd.s32 $0x180, s0;
	[sflag:s19] =	ssyncadd.s32 $0xFFFFC000  }
0x5c: {  	[tilespmem:s23], [sflag:$0x2] =	stream.indirect.gather [hbm4b:s4+s21], $0x80, s31, s21, $0xb8;
	[tilespmem:$0x1E800] =	vst v63  }
0x5d: {  	_ =	swait.ge [sflag:s25], $0x4000  }
0x5e: {  	[sflag:s25] =	ssyncset.done $0x0  }
0x5f: {  	[sflag:s25] =	ssyncadd.s32 $0xFFFFC000  }
0x60: {  	[spmem:s2] =	stream.indirect.scatter.add.f32 [tilespmem:s22], [sflag:$0x4], $0x80, s28, s21, $0xb8;
	[tilespmem:$0x1E800] =	vst v63  }
0x61: {  	_ =	swait.ge [sflag:s19], $0x4000  }
0x62: {  	[sflag:s19] =	ssyncset.done $0x0  }
0x63: {  	[sflag:s19] =	ssyncadd.s32 $0xFFFFC000  }
0x64: {  	_ =	swait.ge [sflag:s26], $0x4000  }
0x65: {  	[sflag:s26] =	ssyncset.done $0x0  }
0x66: {  	[sflag:s26] =	ssyncadd.s32 $0xFFFFC000  }
0x67: {  	[spmem:s2] =	stream.indirect.scatter.add.f32 [tilespmem:s23], [sflag:$0x4], $0x80, s29, s21, $0xb8;
	[tilespmem:$0x1E800] =	vst v63  }
0x68: {  	_ =	swait.ge [sflag:s19], $0x4000  }
0x69: {  	[sflag:s19] =	ssyncset.done $0x0  }
0x6a: {  	s0 =	simm.s32 $0x0;
	[sflag:s19] =	ssyncadd.s32 $0xFFFFC000  }
0x6b: {  	[tilespmem:s0], [sflag:$0x4] =	stream.linear.gather [hbm4b:s14+s0], $0x1400, $0x38;
	[tilespmem:$0x1E800] =	vst v63  }
0x6c: {  	_ =	swait.ge [sflag:s19], $0x1400  }
0x6d: {  	[sflag:s19] =	ssyncset.done $0x0  }
0x6e: {  	[sflag:s19] =	ssyncadd.s32 $0xFFFFEC00  }
0x6f: {  	[tilespmem:s20], [sflag:$0x4] =	stream.linear.gather [hbm4b:s15+s0], $0x1400, $0x38;
	[tilespmem:$0x1E800] =	vst v63  }
0x70: {  	_ =	swait.ge [sflag:s19], $0x1400  }
0x71: {  	[sflag:s19] =	ssyncset.done $0x0  }
0x72: {  	[sflag:s19] =	ssyncadd.s32 $0xFFFFEC00  }
0x73: {  	[tilespmem:s22], [sflag:$0x1] =	stream.indirect.gather [hbm4b:s4+s21], $0x80, s0, s21, $0xb8;
	[tilespmem:$0x1E800] =	vst v63  }
0x74: {  	_ = 	snop  }
0x75: {  	[tilespmem:s23], [sflag:$0x2] =	stream.indirect.gather [hbm4b:s4+s21], $0x80, s21, s21, $0xb8;
	[tilespmem:$0x1E800] =	vst v63  }
0x76: {  	_ =	swait.ge [sflag:s25], $0x4000  }
0x77: {  	[sflag:s25] =	ssyncset.done $0x0  }
0x78: {  	s0 =	simm.s32 $0x1400;
	[sflag:s25] =	ssyncadd.s32 $0xFFFFC000  }
0x79: {  	[spmem:s2] =	stream.indirect.scatter.add.f32 [tilespmem:s22], [sflag:$0x4], $0x80, s0, s21, $0xb8;
	[tilespmem:$0x1E800] =	vst v63  }
0x7a: {  	_ =	swait.ge [sflag:s19], $0x4000  }
0x7b: {  	[sflag:s19] =	ssyncset.done $0x0  }
0x7c: {  	s0 =	simm.s32 $0x100;
	[sflag:s19] =	ssyncadd.s32 $0xFFFFC000  }
0x7d: {  	[tilespmem:s22], [sflag:$0x1] =	stream.indirect.gather [hbm4b:s4+s21], $0x80, s0, s21, $0xb8;
	[tilespmem:$0x1E800] =	vst v63  }
0x7e: {  	_ =	swait.ge [sflag:s26], $0x4000  }
0x7f: {  	[sflag:s26] =	ssyncset.done $0x0  }
0x80: {  	s0 =	simm.s32 $0x1480;
	[sflag:s26] =	ssyncadd.s32 $0xFFFFC000  }
0x81: {  	[spmem:s2] =	stream.indirect.scatter.add.f32 [tilespmem:s23], [sflag:$0x4], $0x80, s0, s21, $0xb8;
	[tilespmem:$0x1E800] =	vst v63  }
0x82: {  	_ =	swait.ge [sflag:s19], $0x4000  }
0x83: {  	[sflag:s19] =	ssyncset.done $0x0  }
0x84: {  	s30 =	simm.s32 $0x400;
	s31 =	simm.s32 $0x180;
	[sflag:s19] =	ssyncadd.s32 $0xFFFFC000  }
.LBB2_10:
0x85: {  	[tilespmem:s23], [sflag:$0x2] =	stream.indirect.gather [hbm4b:s4+s21], $0x80, s31, s21, $0xb8;
	[tilespmem:$0x1E800] =	vst v63  }
0x86: {  	s0 =	smov.u32 s30  }
0x87: {  	p1 =	sne.s32 s30, $0x4800;
	s30 =	sadd.s32 $0x400, s30;
	_ =	swait.ge [sflag:s25], $0x4000  }
0x88: {  	s0 =	sshra.s32 s0, $0x2;
	[sflag:s25] =	ssyncset.done $0x0  }
0x89: {  	s31 =	sadd.s32 $0x1400, s0;
	[sflag:s25] =	ssyncadd.s32 $0xFFFFC000  }
0x8a: {  	[spmem:s2] =	stream.indirect.scatter.add.f32 [tilespmem:s22], [sflag:$0x4], $0x80, s31, s21, $0xb8;
	[tilespmem:$0x1E800] =	vst v63  }
0x8b: {  	_ =	swait.ge [sflag:s19], $0x4000  }
0x8c: {  	[sflag:s19] =	ssyncset.done $0x0  }
0x8d: {  	s31 =	sadd.s32 $0x100, s0;
	[sflag:s19] =	ssyncadd.s32 $0xFFFFC000  }
0x8e: {  	[tilespmem:s22], [sflag:$0x1] =	stream.indirect.gather [hbm4b:s4+s21], $0x80, s31, s21, $0xb8;
	[tilespmem:$0x1E800] =	vst v63  }
0x8f: {  	_ =	swait.ge [sflag:s26], $0x4000  }
0x90: {  	[sflag:s26] =	ssyncset.done $0x0  }
.Ltmp4:
0x91: {  	s31 =	sadd.s32 $0x1480, s0;
	[sflag:s26] =	ssyncadd.s32 $0xFFFFC000;
	(pc) =	sbr.rel @p1 .LBB2_10-.Ltmp4, $4  }
0x92: {  	[spmem:s2] =	stream.indirect.scatter.add.f32 [tilespmem:s23], [sflag:$0x4], $0x80, s31, s21, $0xb8;
	[tilespmem:$0x1E800] =	vst v63  }
0x93: {  	_ =	swait.ge [sflag:s19], $0x4000  }
0x94: {  	[sflag:s19] =	ssyncset.done $0x0  }
0x95: {  	s31 =	sadd.s32 $0x180, s0;
	[sflag:s19] =	ssyncadd.s32 $0xFFFFC000  }
.Ltmp5:
0x96: {  	_ = 	snop;
	(pc) =	sbr.rel .LBB2_11-.Ltmp5, $1  }
0x97: {  	_ =	sdelay $0x3  }
.LBB2_2:
0x98: {  	s30 =	simm.s32 $0x0  }
0x99: {  	[tilespmem:s30], [sflag:$0x4] =	stream.linear.gather [hbm4b:s8+s30], $0x1400, $0x38;
	[tilespmem:$0x1E800] =	vst v63  }
0x9a: {  	_ =	swait.ge [sflag:s19], $0x1400  }
0x9b: {  	[sflag:s19] =	ssyncset.done $0x0  }
0x9c: {  	[sflag:s19] =	ssyncadd.s32 $0xFFFFEC00  }
0x9d: {  	[tilespmem:s20], [sflag:$0x4] =	stream.linear.gather [hbm4b:s9+s30], $0x1400, $0x38;
	[tilespmem:$0x1E800] =	vst v63  }
0x9e: {  	_ =	swait.ge [sflag:s19], $0x1400  }
0x9f: {  	[sflag:s19] =	ssyncset.done $0x0  }
0xa0: {  	[sflag:s19] =	ssyncadd.s32 $0xFFFFEC00  }
0xa1: {  	[tilespmem:s22], [sflag:$0x1] =	stream.indirect.gather [hbm4b:s4+s21], $0x80, s30, s21, $0xb8;
	[tilespmem:$0x1E800] =	vst v63  }
0xa2: {  	_ = 	snop  }
0xa3: {  	[tilespmem:s23], [sflag:$0x2] =	stream.indirect.gather [hbm4b:s4+s21], $0x80, s21, s21, $0xb8;
	[tilespmem:$0x1E800] =	vst v63  }
0xa4: {  	_ =	swait.ge [sflag:s24], $0x2800  }
0xa5: {  	[sflag:s24] =	ssyncset.done $0x0  }
0xa6: {  	[sflag:s24] =	ssyncadd.s32 $0xFFFFD800  }
0xa7: {  	[bflag:$0x0] =	sbarrier.arrive $0xFFFF  }
0xa8: {  	_ =	swait.ge [sflag:s25], $0x4000  }
0xa9: {  	[sflag:s25] =	ssyncset.done $0x0  }
0xaa: {  	s30 =	simm.s32 $0x1400;
	[sflag:s25] =	ssyncadd.s32 $0xFFFFC000  }
0xab: {  	[spmem:s2] =	stream.indirect.scatter.add.f32 [tilespmem:s22], [sflag:$0x4], $0x80, s30, s21, $0xb8;
	[tilespmem:$0x1E800] =	vst v63  }
0xac: {  	_ =	swait.ge [sflag:s19], $0x4000  }
0xad: {  	[sflag:s19] =	ssyncset.done $0x0  }
0xae: {  	s30 =	simm.s32 $0x100;
	[sflag:s19] =	ssyncadd.s32 $0xFFFFC000  }
0xaf: {  	[tilespmem:s22], [sflag:$0x1] =	stream.indirect.gather [hbm4b:s4+s21], $0x80, s30, s21, $0xb8;
	[tilespmem:$0x1E800] =	vst v63  }
0xb0: {  	_ =	swait.ge [sflag:s26], $0x4000  }
0xb1: {  	[sflag:s26] =	ssyncset.done $0x0  }
0xb2: {  	s30 =	simm.s32 $0x1480;
	[sflag:s26] =	ssyncadd.s32 $0xFFFFC000  }
0xb3: {  	[spmem:s2] =	stream.indirect.scatter.add.f32 [tilespmem:s23], [sflag:$0x4], $0x80, s30, s21, $0xb8;
	[tilespmem:$0x1E800] =	vst v63  }
0xb4: {  	_ =	swait.ge [sflag:s19], $0x4000  }
0xb5: {  	[sflag:s19] =	ssyncset.done $0x0  }
0xb6: {  	s31 =	simm.s32 $0x180;
	s30 =	simm.s32 $0x400;
	[sflag:s19] =	ssyncadd.s32 $0xFFFFC000  }
.LBB2_3:
0xb7: {  	[tilespmem:s23], [sflag:$0x2] =	stream.indirect.gather [hbm4b:s4+s21], $0x80, s31, s21, $0xb8;
	[tilespmem:$0x1E800] =	vst v63  }
0xb8: {  	s31 =	smov.u32 s30  }
0xb9: {  	p1 =	sne.s32 s30, $0x4800;
	s30 =	sadd.s32 $0x400, s30;
	_ =	swait.ge [sflag:s25], $0x4000  }
0xba: {  	s31 =	sshra.s32 s31, $0x2;
	[sflag:s25] =	ssyncset.done $0x0  }
0xbb: {  	s0 =	sadd.s32 $0x1400, s31;
	[sflag:s25] =	ssyncadd.s32 $0xFFFFC000  }
0xbc: {  	[spmem:s2] =	stream.indirect.scatter.add.f32 [tilespmem:s22], [sflag:$0x4], $0x80, s0, s21, $0xb8;
	[tilespmem:$0x1E800] =	vst v63  }
0xbd: {  	_ =	swait.ge [sflag:s19], $0x4000  }
0xbe: {  	[sflag:s19] =	ssyncset.done $0x0  }
0xbf: {  	s0 =	sadd.s32 $0x100, s31;
	[sflag:s19] =	ssyncadd.s32 $0xFFFFC000  }
0xc0: {  	[tilespmem:s22], [sflag:$0x1] =	stream.indirect.gather [hbm4b:s4+s21], $0x80, s0, s21, $0xb8;
	[tilespmem:$0x1E800] =	vst v63  }
0xc1: {  	_ =	swait.ge [sflag:s26], $0x4000  }
0xc2: {  	[sflag:s26] =	ssyncset.done $0x0  }
.Ltmp6:
0xc3: {  	s0 =	sadd.s32 $0x1480, s31;
	[sflag:s26] =	ssyncadd.s32 $0xFFFFC000;
	(pc) =	sbr.rel @p1 .LBB2_3-.Ltmp6, $4  }
0xc4: {  	[spmem:s2] =	stream.indirect.scatter.add.f32 [tilespmem:s23], [sflag:$0x4], $0x80, s0, s21, $0xb8;
	[tilespmem:$0x1E800] =	vst v63  }
0xc5: {  	_ =	swait.ge [sflag:s19], $0x4000  }
0xc6: {  	[sflag:s19] =	ssyncset.done $0x0  }
0xc7: {  	s31 =	sadd.s32 $0x180, s31;
	[sflag:s19] =	ssyncadd.s32 $0xFFFFC000  }
0xc8: {  	[tilespmem:s23], [sflag:$0x2] =	stream.indirect.gather [hbm4b:s4+s21], $0x80, s31, s21, $0xb8;
	[tilespmem:$0x1E800] =	vst v63  }
0xc9: {  	_ =	swait.ge [sflag:s25], $0x4000  }
0xca: {  	[sflag:s25] =	ssyncset.done $0x0  }
0xcb: {  	[sflag:s25] =	ssyncadd.s32 $0xFFFFC000  }
0xcc: {  	[spmem:s2] =	stream.indirect.scatter.add.f32 [tilespmem:s22], [sflag:$0x4], $0x80, s28, s21, $0xb8;
	[tilespmem:$0x1E800] =	vst v63  }
0xcd: {  	_ =	swait.ge [sflag:s19], $0x4000  }
0xce: {  	[sflag:s19] =	ssyncset.done $0x0  }
0xcf: {  	[sflag:s19] =	ssyncadd.s32 $0xFFFFC000  }
0xd0: {  	_ =	swait.ge [sflag:s26], $0x4000  }
0xd1: {  	[sflag:s26] =	ssyncset.done $0x0  }
0xd2: {  	[sflag:s26] =	ssyncadd.s32 $0xFFFFC000  }
0xd3: {  	[spmem:s2] =	stream.indirect.scatter.add.f32 [tilespmem:s23], [sflag:$0x4], $0x80, s29, s21, $0xb8;
	[tilespmem:$0x1E800] =	vst v63  }
0xd4: {  	_ =	swait.ge [sflag:s19], $0x4000  }
0xd5: {  	[sflag:s19] =	ssyncset.done $0x0  }
0xd6: {  	s0 =	simm.s32 $0x0;
	[sflag:s19] =	ssyncadd.s32 $0xFFFFC000  }
0xd7: {  	[tilespmem:s0], [sflag:$0x4] =	stream.linear.gather [hbm4b:s10+s0], $0x1400, $0x38;
	[tilespmem:$0x1E800] =	vst v63  }
0xd8: {  	_ =	swait.ge [sflag:s19], $0x1400  }
0xd9: {  	[sflag:s19] =	ssyncset.done $0x0  }
0xda: {  	[sflag:s19] =	ssyncadd.s32 $0xFFFFEC00  }
0xdb: {  	[tilespmem:s20], [sflag:$0x4] =	stream.linear.gather [hbm4b:s11+s0], $0x1400, $0x38;
	[tilespmem:$0x1E800] =	vst v63  }
0xdc: {  	_ =	swait.ge [sflag:s19], $0x1400  }
0xdd: {  	[sflag:s19] =	ssyncset.done $0x0  }
0xde: {  	[sflag:s19] =	ssyncadd.s32 $0xFFFFEC00  }
0xdf: {  	[tilespmem:s22], [sflag:$0x1] =	stream.indirect.gather [hbm4b:s4+s21], $0x80, s0, s21, $0xb8;
	[tilespmem:$0x1E800] =	vst v63  }
0xe0: {  	_ = 	snop  }
0xe1: {  	[tilespmem:s23], [sflag:$0x2] =	stream.indirect.gather [hbm4b:s4+s21], $0x80, s21, s21, $0xb8;
	[tilespmem:$0x1E800] =	vst v63  }
0xe2: {  	_ =	swait.ge [sflag:s25], $0x4000  }
0xe3: {  	[sflag:s25] =	ssyncset.done $0x0  }
0xe4: {  	s0 =	simm.s32 $0x1400;
	[sflag:s25] =	ssyncadd.s32 $0xFFFFC000  }
0xe5: {  	[spmem:s2] =	stream.indirect.scatter.add.f32 [tilespmem:s22], [sflag:$0x4], $0x80, s0, s21, $0xb8;
	[tilespmem:$0x1E800] =	vst v63  }
0xe6: {  	_ =	swait.ge [sflag:s19], $0x4000  }
0xe7: {  	[sflag:s19] =	ssyncset.done $0x0  }
0xe8: {  	s0 =	simm.s32 $0x100;
	[sflag:s19] =	ssyncadd.s32 $0xFFFFC000  }
0xe9: {  	[tilespmem:s22], [sflag:$0x1] =	stream.indirect.gather [hbm4b:s4+s21], $0x80, s0, s21, $0xb8;
	[tilespmem:$0x1E800] =	vst v63  }
0xea: {  	_ =	swait.ge [sflag:s26], $0x4000  }
0xeb: {  	[sflag:s26] =	ssyncset.done $0x0  }
0xec: {  	s0 =	simm.s32 $0x1480;
	[sflag:s26] =	ssyncadd.s32 $0xFFFFC000  }
0xed: {  	[spmem:s2] =	stream.indirect.scatter.add.f32 [tilespmem:s23], [sflag:$0x4], $0x80, s0, s21, $0xb8;
	[tilespmem:$0x1E800] =	vst v63  }
0xee: {  	_ =	swait.ge [sflag:s19], $0x4000  }
0xef: {  	[sflag:s19] =	ssyncset.done $0x0  }
0xf0: {  	s30 =	simm.s32 $0x400;
	s31 =	simm.s32 $0x180;
	[sflag:s19] =	ssyncadd.s32 $0xFFFFC000  }
.LBB2_5:
0xf1: {  	[tilespmem:s23], [sflag:$0x2] =	stream.indirect.gather [hbm4b:s4+s21], $0x80, s31, s21, $0xb8;
	[tilespmem:$0x1E800] =	vst v63  }
0xf2: {  	s0 =	smov.u32 s30  }
0xf3: {  	p1 =	seq.s32 s30, $0x4800;
	s30 =	sadd.s32 $0x400, s30;
	_ =	swait.ge [sflag:s25], $0x4000  }
0xf4: {  	s0 =	sshra.s32 s0, $0x2;
	[sflag:s25] =	ssyncset.done $0x0  }
0xf5: {  	s31 =	sadd.s32 $0x1400, s0;
	[sflag:s25] =	ssyncadd.s32 $0xFFFFC000  }
0xf6: {  	[spmem:s2] =	stream.indirect.scatter.add.f32 [tilespmem:s22], [sflag:$0x4], $0x80, s31, s21, $0xb8;
	[tilespmem:$0x1E800] =	vst v63  }
0xf7: {  	_ =	swait.ge [sflag:s19], $0x4000  }
0xf8: {  	[sflag:s19] =	ssyncset.done $0x0  }
0xf9: {  	s31 =	sadd.s32 $0x100, s0;
	[sflag:s19] =	ssyncadd.s32 $0xFFFFC000  }
0xfa: {  	[tilespmem:s22], [sflag:$0x1] =	stream.indirect.gather [hbm4b:s4+s21], $0x80, s31, s21, $0xb8;
	[tilespmem:$0x1E800] =	vst v63  }
0xfb: {  	_ =	swait.ge [sflag:s26], $0x4000  }
0xfc: {  	[sflag:s26] =	ssyncset.done $0x0  }
.Ltmp7:
0xfd: {  	s31 =	sadd.s32 $0x1480, s0;
	[sflag:s26] =	ssyncadd.s32 $0xFFFFC000;
	(pc) =	sbr.rel @!p1 .LBB2_5-.Ltmp7, $4  }
0xfe: {  	[spmem:s2] =	stream.indirect.scatter.add.f32 [tilespmem:s23], [sflag:$0x4], $0x80, s31, s21, $0xb8;
	[tilespmem:$0x1E800] =	vst v63  }
0xff: {  	_ =	swait.ge [sflag:s19], $0x4000  }
0x100: {  	[sflag:s19] =	ssyncset.done $0x0  }
0x101: {  	s31 =	sadd.s32 $0x180, s0;
	[sflag:s19] =	ssyncadd.s32 $0xFFFFC000  }
.Ltmp8:
0x102: {  	(pc) =	sbr.rel .LBB2_12-.Ltmp8, $2  }
0x103: {  	_ =	sdelay $0x2  }
0x104: {  	[tilespmem:s23], [sflag:$0x2] =	stream.indirect.gather [hbm4b:s4+s21], $0x80, s31, s21, $0xb8;
	[tilespmem:$0x1E800] =	vst v63  }
.LBB2_13:
0x105: {  	_ =	sfence.sel $0x180000  }
0x106: {  	[bflag:$0x0] =	sbarrier.arrive $0xFFFF  }
0x107: {  	_ =	strace $0x9000004A  }
0x108: {  	[bflag:$0x2] =	sbarrier.arrive $0xFFFF  }
0x109: {  	p0 =	sne.s32 s1, $0x0;
	s0 =	rddreg [dreg:$0x3]  }
0x10a: {  	s0 =	sadd.s32 @!p0 $0x100000, s0  }
0x10b: {  	[sflag:s0] =	ssyncadd.tile.s32 @!p0 $0x1;
	_ =	shalt  }
.Lfunc_end2:
_tile_overlayer_lowered:
.L_overlay_start_2:
0x10c: {  	(tag) =	ssettag $0x2  }
0x10d: {  	s0 =	rddreg [dreg:$0x0];
	s2 =	stileid.u32  }
0x10e: {  	s1 =	rddreg [dreg:$0x1];
	p0 =	sne.s32 s2, $0x0  }
0x10f: {  	s3 =	rddreg [dreg:$0x2];
	[bflag:$0x3] =	sbarrier.arrive $0xFFFF;
	s2 =	simm.s32 @!p0 $0x1C04  }
0x110: {  	[timem:s3], [sflag:s2] =	dma.local @!p0 [hbm:s0], s1  }
0x111: {  	s0 =	simm.s32 @!p0 $0x4  }
0x112: {  	_ =	swait.ge @!p0 [sflag:s0], s1  }
0x113: {  	s1 =	ssub.s32 @!p0 $0x0, s1;
	[sflag:s0] =	ssyncset.done @!p0 $0x0  }
0x114: {  	[sflag:s0] =	ssyncadd.s32 @!p0 s1  }
0x115: {  	[bflag:$0x3] =	sbarrier.arrive $0xFFFF  }
0x116: {  	_ =	shalt  }

// kernel: kernel.14.cloned.1.call-start
scs
__scs_entry_jumppad:
0x0: {  	(pc) =	sbr.rel $0x88, $3  }
0x1: {  	(tag) =	ssettag $0x0;
	lr =	simm.s32 $0x1  }
0x2: {  	[smem:$0x3F9B] =	sst lr;
	_ =	strace $0xD0000000  }
0x3: {  	_ = 	snop  }
0x4: {  	_ = 	snop  }
0x5: {  	_ = 	snop  }
0x6: {  	_ = 	snop  }
0x7: {  	_ = 	snop  }
__scs_overlays_trampoline_lowered:
0x8: {  	[smem:$0x3FAA] =	sst s0  }
0x9: {  	[smem:$0x3FAB] =	sst s1  }
0xa: {  	[smem:$0x3FAC] =	sst s2  }
0xb: {  	[smem:$0x3FAD] =	sst s3  }
0xc: {  	[smem:$0x3FAE] =	sst s4  }
0xd: {  	[smem:$0x3FAF] =	sst s5  }
0xe: {  	[smem:$0x3FB0] =	sst s6  }
0xf: {  	[smem:$0x3FB1] =	sst s7  }
0x10: {  	[smem:$0x3FB2] =	sst s8  }
0x11: {  	[smem:$0x3FB3] =	sst s9;
	s0 =	simm.s32 @!p0 $0x0  }
0x12: {  	s1 =	sld [smem:$0x3F99];
	s0 =	simm.s32 @p0 $0x1  }
0x13: {  	[smem:$0x3FB4] =	sst s0;
	s0 =	simm.s32 @!p1 $0x0  }
0x14: {  	s2 =	sld [smem:$0x3F98];
	s0 =	simm.s32 @p1 $0x1  }
0x15: {  	[smem:$0x3FB5] =	sst s0;
	s0 =	simm.s32 @!p2 $0x0  }
0x16: {  	s3 =	sld [smem:$0x3FDB];
	s0 =	simm.s32 @p2 $0x1  }
0x17: {  	s4 =	simm.s32 $0x1BF5;
	[smem:$0x3FB7] =	sst s0  }
0x18: {  	s0 =	sld [smem:$0x3F9A];
	_ =	swait.ge [sflag:s4], $0x0  }
0x19: {  	s7 =	sld [smem:$0x3F9B]  }
0x1a: {  	s8 =	sadd.s32 $0xFFFFE003, lr  }
0x1b: {  	s9 =	sadd.s32 $0xFFFFFEF7, lr;
	s5 =	simm.s32 $0xFFFFFFFF;
	p2 =	slt.u32 s8, $0xFFFFF086  }
0x1c: {  	p1 =	slt.u32 s9, $0xF7A;
	s5 =	simm.s32 @!p2 $0x0  }
0x1d: {  	s5 =	simm.s32 @p1 $0x1;
	p0 =	seq.s32 s7, s2  }
0x1e: {  	s7 =	smul.u32 @!p0 $0xF7A, s2;
	p2 =	seq.s32 @!p0 s5, $0x0  }
0x1f: {  	s9 =	smul.u32 $0xF7A, s1;
	s8 =	simm.s32 @!p0 $0x1BF5;
	p2 =	por !p2, p0  }
0x20: {  	[sflag:s8] =	ssyncset.s32 @!p0 $0xFFFFF086;
	s6 =	sadd.s32 @!p0 s3, s7;
	s7 =	simm.s32 @!p0 $0x108  }
0x21: {  	s3 =	sadd.s32 s3, s9;
	s6 =	sadd.s32 @!p0 $0x88, s6;
	s7 =	simm.s32 @p2 $0x1082  }
0x22: {  	[simem:s7], [sflag:s8] =	dma.local @!p0 [hbm:s6], $0xF7A  }
0x23: {  	s9 =	sor.u32 $0xD0000000, s2;
	s6 =	simm.s32 $0x108;
	_ =	swait.ge @!p0 [sflag:s8], $0x0  }
0x24: {  	s3 =	sadd.s32 $0x88, s3;
	s6 =	simm.s32 @!p1 $0x1082;
	[sflag:s4] =	ssyncset.s32 $0xFFFFF086  }
0x25: {  	[simem:s6], [sflag:s4] =	dma.local [hbm:s3], $0xF7A  }
0x26: {  	[smem:$0x3F9B] =	sst s1;
	(tag) =	ssettag s2;
	_ =	strace s9  }
0x27: {  	s1 =	sld [smem:$0x3FAB]  }
0x28: {  	s2 =	sld [smem:$0x3FAC]  }
0x29: {  	s4 =	sld [smem:$0x3FAE]  }
0x2a: {  	p0 =	seq.s32 s5, $0x0;
	s5 =	sld [smem:$0x3FAF]  }
0x2b: {  	s6 =	sld [smem:$0x3FB0]  }
0x2c: {  	s7 =	sld [smem:$0x3FB1]  }
0x2d: {  	s3 =	simm.s32 $0x108;
	s8 =	sld [smem:$0x3FB2]  }
0x2e: {  	s3 =	simm.s32 @!p0 $0x1082;
	s9 =	sld [smem:$0x3FB3]  }
0x2f: {  	lr =	sadd.s32 s0, s3;
	s0 =	sld [smem:$0x3FAA]  }
0x30: {  	s3 =	sld [smem:$0x3FAD]  }
0x31: {  	[smem:$0x3FB6] =	sst s10  }
0x32: {  	s10 =	sld [smem:$0x3FB4];
	_ =	sdelay $0x3  }
0x33: {  	p0 =	seq.s32 s10, $0x1;
	s10 =	sld [smem:$0x3FB6];
	_ =	sdelay $0x3  }
0x34: {  	[smem:$0x3FB6] =	sst s10  }
0x35: {  	s10 =	sld [smem:$0x3FB5];
	_ =	sdelay $0x3  }
0x36: {  	p1 =	seq.s32 s10, $0x1;
	s10 =	sld [smem:$0x3FB6];
	_ =	sdelay $0x3  }
0x37: {  	[smem:$0x3FB6] =	sst s10  }
0x38: {  	s10 =	sld [smem:$0x3FB7]  }
0x39: {  	_ = 	snop;
	(pc) =	sbr.ind lr, $3  }
0x3a: {  	_ = 	snop  }
0x3b: {  	_ = 	snop  }
0x3c: {  	p2 =	seq.s32 s10, $0x1;
	s10 =	sld [smem:$0x3FB6]  }
0x3d: {  	_ =	shalt  }
0x3e: {  	_ =	shalt  }
0x3f: {  	_ =	shalt  }
0x40: {  	_ =	shalt  }
0x41: {  	_ =	shalt  }
0x42: {  	_ =	shalt  }
0x43: {  	_ =	shalt  }
0x44: {  	_ =	shalt  }
0x45: {  	_ =	shalt  }
0x46: {  	_ =	shalt  }
0x47: {  	_ =	shalt  }
0x48: {  	_ =	shalt  }
0x49: {  	_ =	shalt  }
0x4a: {  	_ =	shalt  }
0x4b: {  	_ =	shalt  }
0x4c: {  	_ =	shalt  }
0x4d: {  	_ =	shalt  }
0x4e: {  	_ =	shalt  }
0x4f: {  	_ =	shalt  }
0x50: {  	_ =	shalt  }
0x51: {  	_ =	shalt  }
0x52: {  	_ =	shalt  }
0x53: {  	_ =	shalt  }
0x54: {  	_ =	shalt  }
0x55: {  	_ =	shalt  }
0x56: {  	_ =	shalt  }
0x57: {  	_ =	shalt  }
0x58: {  	_ =	shalt  }
0x59: {  	_ =	shalt  }
0x5a: {  	_ =	shalt  }
0x5b: {  	_ =	shalt  }
0x5c: {  	_ =	shalt  }
0x5d: {  	_ =	shalt  }
0x5e: {  	_ =	shalt  }
0x5f: {  	_ =	shalt  }
0x60: {  	_ =	shalt  }
0x61: {  	_ =	shalt  }
0x62: {  	_ =	shalt  }
0x63: {  	_ =	shalt  }
0x64: {  	_ =	shalt  }
0x65: {  	_ =	shalt  }
0x66: {  	_ =	shalt  }
0x67: {  	_ =	shalt  }
0x68: {  	_ =	shalt  }
0x69: {  	_ =	shalt  }
0x6a: {  	_ =	shalt  }
0x6b: {  	_ =	shalt  }
0x6c: {  	_ =	shalt  }
0x6d: {  	_ =	shalt  }
0x6e: {  	_ =	shalt  }
0x6f: {  	_ =	shalt  }
0x70: {  	_ =	shalt  }
0x71: {  	_ =	shalt  }
0x72: {  	_ =	shalt  }
0x73: {  	_ =	shalt  }
0x74: {  	_ =	shalt  }
0x75: {  	_ =	shalt  }
0x76: {  	_ =	shalt  }
0x77: {  	_ =	shalt  }
0x78: {  	_ =	shalt  }
0x79: {  	_ =	shalt  }
0x7a: {  	_ =	shalt  }
0x7b: {  	_ =	shalt  }
0x7c: {  	_ =	shalt  }
0x7d: {  	_ =	shalt  }
0x7e: {  	_ =	shalt  }
0x7f: {  	_ =	shalt  }
0x80: {  	_ =	shalt  }
0x81: {  	_ =	shalt  }
0x82: {  	_ =	shalt  }
0x83: {  	_ =	shalt  }
0x84: {  	_ =	shalt  }
0x85: {  	_ =	shalt  }
0x86: {  	_ =	shalt  }
0x87: {  	_ =	shalt  }
.Lfunc_end0:
.L_simem_size_0:
called_computation.2_lowered:
.L_overlay_start_0:
0x88: {  	s2 =	sld [smem:$0x3FD9]  }
0x89: {  	s3 =	sld [smem:$0x3FFE];
	_ =	sdelay $0x1  }
0x8a: {  	s1 =	srdreg.scid  }
0x8b: {  	s0 =	sand.u32 $0x1, s1  }
0x8c: {  	s17 =	sshll.u32 s0, $0xA;
	s2 =	sadd.s32 s3, s2  }
0x8d: {  	s2 =	sadd.s32 s2, s17  }
0x8e: {  	[smem:$0x3FC2] =	sst s2  }
0x8f: {  	_ = 	snop  }
0x90: {  	s2 =	sld [smem:$0x3FD0];
	(tm) =	ssettm $0x1  }
0x91: {  	s18 =	sld [smem:$0x3FFB];
	_ =	sdelay $0x3  }
0x92: {  	_ =	strace s18  }
0x93: {  	s3 =	sld [smem:$0x3FFC];
	_ =	sdelay $0x3  }
0x94: {  	_ =	strace s3  }
0x95: {  	s3 =	sld [smem:$0x3FFD];
	_ =	sdelay $0x3  }
0x96: {  	_ =	strace s3  }
0x97: {  	_ =	strace $0x8FFFFFFF  }
0x98: {  	s19 =	sld [smem:$0x3FDB];
	_ =	sdelay $0x1  }
0x99: {  	s4 =	simm.s32 $_scs_section_size  }
0x9a: {  	s5 =	simm.s32 $_size__tile_overlayer_lowered;
	s6 =	simm.s32 $_tile_overlayer_lowered  }
0x9b: {  	s22 =	simm.s32 $0x1BFF;
	s21 =	sshll.u32 s6, $0x1;
	s3 =	sadd.s32 s4, s19  }
0x9c: {  	s7 =	simm.s32 $0x0;
	s20 =	sshll.u32 s5, $0x1;
	s5 =	sadd.s32 s21, s3  }
0x9d: {  	[timem:s7], [sflag:s22] =	dma.local [hbm:s5], s20  }
0x9e: {  	_ =	swait.ge [sflag:s22], s20  }
0x9f: {  	s4 =	ssub.s32 $0x0, s20;
	[sflag:s22] =	ssyncset.done $0x0  }
0xa0: {  	[sflag:s22] =	ssyncadd.s32 s4;
	_ =	sdelay $0x1  }
0xa1: {  	s23 =	simm.s32 $0x1B8B  }
0xa2: {  	_ =	swait.ge [sflag:s23], $0x1  }
0xa3: {  	[sflag:s23] =	ssyncset.done $0x0  }
0xa4: {  	s25 =	simm.s32 $0x1B8E;
	s24 =	sld [smem:$0x3FFE];
	[sflag:s23] =	ssyncadd.s32 $0xFFFFFFFF  }
0xa5: {  	s26 =	simm.s32 $execute0_lowered;
	[smem:$0x3FD2] =	sst s25  }
0xa6: {  	s5 =	sshll.u32 s26, $0x1;
	_ =	strace $0x8000004C;
	[dreg:$0x1] =	wrdreg $0xFFFFFFFF  }
0xa7: {  	s28 =	simm.s32 $_size_execute0_lowered;
	s3 =	sadd.s32 s3, s5;
	[dreg:$0x0] =	wrdreg $0x0  }
0xa8: {  	s5 =	sshll.u32 s28, $0x1;
	[dreg:$0x2] =	wrdreg s3  }
0xa9: {  	[dreg:$0x3] =	wrdreg s5  }
0xaa: {  	[dreg:$0x4] =	wrdreg $0xC0  }
0xab: {  	_ =	task [dreg:s7], $0x5FFFF  }
0xac: {  	[dreg:$0x1] =	wrdreg $0xFFFFFFFF  }
0xad: {  	[dreg:$0x0] =	wrdreg $0x60  }
0xae: {  	[dreg:$0x2] =	wrdreg s24  }
0xaf: {  	[dreg:$0x3] =	wrdreg s2  }
0xb0: {  	[dreg:$0x4] =	wrdreg $0xA8000  }
0xb1: {  	[dreg:$0x5] =	wrdreg $0x9  }
0xb2: {  	_ =	task.clear_ibuf [dreg:s7], $0x6FFFF;
	_ =	strace $0x9000004C  }
0xb3: {  	s29 =	simm.s32 $0x9;
	_ =	strace $0x8000004E  }
0xb4: {  	_ =	swait.ge [sflag:s29], $0x1  }
0xb5: {  	[sflag:s29] =	ssyncadd.s32 $0xFFFFFFFF  }
0xb6: {  	_ =	strace $0x9000004E  }
0xb7: {  	_ =	sfence  }
0xb8: {  	s30 =	sld [smem:$0x0];
	_ =	sdelay $0x2  }
0xb9: {  	s31 =	sshll.u32 s1, $0xD;
	s1 =	sshrl.u32 s1, $0x2  }
0xba: {  	s3 =	sand.u32 $0x4000, s31;
	s1 =	sadd.s32 s1, s30  }
0xbb: {  	s0 =	sor.u32 s3, s0;
	s1 =	sshll.u32 s1, $0x11  }
0xbc: {  	s0 =	sor.u32 s1, s0  }
0xbd: {  	s0 =	sadd.s32 $0x8F2B, s0  }
0xbe: {  	[sflag:s0] =	ssyncadd.remote.s32 $0x1  }
0xbf: {  	_ =	sfence.sel $0xFFFF  }
0xc0: {  	[dreg:$0x0] =	wrdreg $0xFFFFFFFF;
	(pc) =	sbr.abs _section_cstart, $3  }
0xc1: {  	[dreg:$0x1] =	wrdreg $0xFFFFFFFF  }
0xc2: {  	_ =	task.clear_ibuf [dreg:s7], $0x2FFFF;
	_ =	strace $0x9FFFFFFF  }
0xc3: {  	(tm) =	ssettm $0x7FFFFFFF  }
tec
execute0_lowered:
.L_overlay_start_1:
0x0: {  	(tag) =	ssettag $0x1  }
0x1: {  	s6 =	rddreg [dreg:$0x0]  }
0x2: {  	s15 =	rddreg [dreg:$0x1]  }
0x3: {  	s2 =	rddreg [dreg:$0x2]  }
0x4: {  	s4 =	srdreg.scid;
	s1 =	stileid.u32  }
0x5: {  	s3 =	simm.s32 $0x0;
	s20 =	simm.s32 $0x1400;
	s21 =	simm.s32 $0x80  }
0x6: {  	s22 =	simm.s32 $0x2800;
	s23 =	simm.s32 $0x6800;
	s5 =	smul.u32 $0x2800, s1  }
0x7: {  	s24 =	simm.s32 $0x3;
	s28 =	simm.s32 $0x2700;
	s10 =	smul.u32 $0x50000, s1  }
0x8: {  	s29 =	simm.s32 $0x2780;
	s8 =	sand.u32 $0x1, s4;
	s30 =	smul.u32 $0x5000, s1  }
0x9: {  	[smem:$0x7FF] =	sst s3;
	s4 =	sadd.s32 $0x5CE00, s6;
	s31 =	smul.u32 $0xA00, s1  }
0xa: {  	s14 =	sadd.s32 $0x2E00, s6;
	s7 =	smul.u32 $0x28000, s8;
	s9 =	ssub.s32 $0x2, s8  }
0xb: {  	_ =	strace $0x8000004D;
	p0 =	seq.s32 s8, $0x1;
	s25 =	sshrl.u32 s9, $0x1  }
0xc: {  	s26 =	sshrl.u32 s10, $0x2;
	s19 =	sshrl.u32 s30, $0x3;
	s8 =	sadd.s32 s14, s31  }
0xd: {  	s7 =	sadd.s32 s5, s7;
	s5 =	sadd.s32 $0x84E00, s6;
	s17 =	ssub.s32 s9, s25  }
0xe: {  	s18 =	sadd.s32 s26, s2;
	s9 =	sadd.s32 s15, s31;
	s11 =	sadd.s32 $0x280, s19  }
0xf: {  	s13 =	sadd.s32 $0x500, s19;
	s19 =	sadd.s32 $0x780, s19;
	s25 =	simm.s32 $0x1  }
.Ltmp0:
0x10: {  	s26 =	simm.s32 $0x2;
	s16 =	sadd.s32 s7, s6;
	(pc) =	sbr.rel .LBB2_1-.Ltmp0, $4  }
0x11: {  	s6 =	sshll.u32 s1, $0x6;
	s10 =	sadd.s32 s14, s11;
	s11 =	sadd.s32 s15, s11  }
0x12: {  	s12 =	sadd.s32 s14, s13;
	s13 =	sadd.s32 s15, s13;
	s14 =	sadd.s32 s14, s19  }
0x13: {  	s15 =	sadd.s32 s15, s19;
	s17 =	smax.u32 s17, $0x1;
	s18 =	sshrl.u32 s18, $0x3  }
0x14: {  	s19 =	simm.s32 $0x4;
	s7 =	sor.u32 $0x1C03, s6;
	s16 =	sadd.s32 $0x87600, s16  }
.LBB2_11:
0x15: {  	[tilespmem:s23], [sflag:$0x2] =	stream.indirect.gather [hbm4b:s4+s21], $0x80, s31, s21, $0xb8;
	[tilespmem:$0x1E800] =	vst v63  }
.LBB2_12:
0x16: {  	_ =	swait.ge [sflag:s25], $0x4000  }
0x17: {  	[sflag:s25] =	ssyncset.done $0x0  }
0x18: {  	[sflag:s25] =	ssyncadd.s32 $0xFFFFC000  }
0x19: {  	[spmem:s2] =	stream.indirect.scatter.add.f32 [tilespmem:s22], [sflag:$0x4], $0x80, s28, s21, $0xb8;
	[tilespmem:$0x1E800] =	vst v63  }
0x1a: {  	_ =	swait.ge [sflag:s19], $0x4000  }
0x1b: {  	[sflag:s19] =	ssyncset.done $0x0  }
0x1c: {  	[sflag:s19] =	ssyncadd.s32 $0xFFFFC000  }
0x1d: {  	_ =	swait.ge [sflag:s26], $0x4000  }
0x1e: {  	[sflag:s26] =	ssyncset.done $0x0  }
0x1f: {  	[sflag:s26] =	ssyncadd.s32 $0xFFFFC000  }
0x20: {  	[spmem:s2] =	stream.indirect.scatter.add.f32 [tilespmem:s23], [sflag:$0x4], $0x80, s29, s21, $0xb8;
	[tilespmem:$0x1E800] =	vst v63  }
0x21: {  	_ =	swait.ge [sflag:s19], $0x4000  }
0x22: {  	s3 =	sadd.s32 $0x1, s3;
	[sflag:s19] =	ssyncset.done $0x0  }
0x23: {  	p1 =	sne.s32 s3, s17;
	[sflag:s19] =	ssyncadd.s32 $0xFFFFC000  }
.Ltmp1:
0x24: {  	s0 =	sor.u32 $0x1C04, s6;
	[bflag:$0x0] =	sbarrier.arrive $0xFFFF;
	(pc) =	sbr.rel @!p1 .LBB2_13-.Ltmp1, $4  }
0x25: {  	[hbm:s16], [sflag:s0] =	dma.local [spmem:s18], $0x2800  }
0x26: {  	_ =	swait.ge [sflag:s19], $0x2800  }
0x27: {  	[sflag:s19] =	ssyncset.done $0x0  }
0x28: {  	[sflag:s19] =	ssyncadd.s32 $0xFFFFD800  }
.LBB2_1:
.Ltmp2:
0x29: {  	(pc) =	sbr.rel @!p0 .LBB2_2-.Ltmp2, $2  }
0x2a: {  	_ =	sdelay $0x2  }
0x2b: {  	[spmem:s18], [sflag:s7] =	dma.local [hbm:s5], $0x2800  }
0x2c: {  	s0 =	simm.s32 $0x0  }
0x2d: {  	[tilespmem:s0], [sflag:$0x4] =	stream.linear.gather [hbm4b:s12+s0], $0x1400, $0x38;
	[tilespmem:$0x1E800] =	vst v63  }
0x2e: {  	_ =	swait.ge [sflag:s19], $0x1400  }
0x2f: {  	[sflag:s19] =	ssyncset.done $0x0  }
0x30: {  	[sflag:s19] =	ssyncadd.s32 $0xFFFFEC00  }
0x31: {  	[tilespmem:s20], [sflag:$0x4] =	stream.linear.gather [hbm4b:s13+s0], $0x1400, $0x38;
	[tilespmem:$0x1E800] =	vst v63  }
0x32: {  	_ =	swait.ge [sflag:s19], $0x1400  }
0x33: {  	[sflag:s19] =	ssyncset.done $0x0  }
0x34: {  	[sflag:s19] =	ssyncadd.s32 $0xFFFFEC00  }
0x35: {  	[tilespmem:s22], [sflag:$0x1] =	stream.indirect.gather [hbm4b:s4+s21], $0x80, s0, s21, $0xb8;
	[tilespmem:$0x1E800] =	vst v63  }
0x36: {  	_ = 	snop  }
0x37: {  	[tilespmem:s23], [sflag:$0x2] =	stream.indirect.gather [hbm4b:s4+s21], $0x80, s21, s21, $0xb8;
	[tilespmem:$0x1E800] =	vst v63  }
0x38: {  	_ =	swait.ge [sflag:s24], $0x2800  }
0x39: {  	[sflag:s24] =	ssyncset.done $0x0  }
0x3a: {  	[sflag:s24] =	ssyncadd.s32 $0xFFFFD800  }
0x3b: {  	[bflag:$0x0] =	sbarrier.arrive $0xFFFF  }
0x3c: {  	_ =	swait.ge [sflag:s25], $0x4000  }
0x3d: {  	[sflag:s25] =	ssyncset.done $0x0  }
0x3e: {  	s0 =	simm.s32 $0x1400;
	[sflag:s25] =	ssyncadd.s32 $0xFFFFC000  }
0x3f: {  	[spmem:s2] =	stream.indirect.scatter.add.f32 [tilespmem:s22], [sflag:$0x4], $0x80, s0, s21, $0xb8;
	[tilespmem:$0x1E800] =	vst v63  }
0x40: {  	_ =	swait.ge [sflag:s19], $0x4000  }
0x41: {  	[sflag:s19] =	ssyncset.done $0x0  }
0x42: {  	s0 =	simm.s32 $0x100;
	[sflag:s19] =	ssyncadd.s32 $0xFFFFC000  }
0x43: {  	[tilespmem:s22], [sflag:$0x1] =	stream.indirect.gather [hbm4b:s4+s21], $0x80, s0, s21, $0xb8;
	[tilespmem:$0x1E800] =	vst v63  }
0x44: {  	_ =	swait.ge [sflag:s26], $0x4000  }
0x45: {  	[sflag:s26] =	ssyncset.done $0x0  }
0x46: {  	s0 =	simm.s32 $0x1480;
	[sflag:s26] =	ssyncadd.s32 $0xFFFFC000  }
0x47: {  	[spmem:s2] =	stream.indirect.scatter.add.f32 [tilespmem:s23], [sflag:$0x4], $0x80, s0, s21, $0xb8;
	[tilespmem:$0x1E800] =	vst v63  }
0x48: {  	_ =	swait.ge [sflag:s19], $0x4000  }
0x49: {  	[sflag:s19] =	ssyncset.done $0x0  }
0x4a: {  	s30 =	simm.s32 $0x400;
	s31 =	simm.s32 $0x180;
	[sflag:s19] =	ssyncadd.s32 $0xFFFFC000  }
.LBB2_8:
0x4b: {  	[tilespmem:s23], [sflag:$0x2] =	stream.indirect.gather [hbm4b:s4+s21], $0x80, s31, s21, $0xb8;
	[tilespmem:$0x1E800] =	vst v63  }
0x4c: {  	s0 =	smov.u32 s30  }
0x4d: {  	p1 =	sne.s32 s30, $0x4800;
	s30 =	sadd.s32 $0x400, s30;
	_ =	swait.ge [sflag:s25], $0x4000  }
0x4e: {  	s0 =	sshra.s32 s0, $0x2;
	[sflag:s25] =	ssyncset.done $0x0  }
0x4f: {  	s31 =	sadd.s32 $0x1400, s0;
	[sflag:s25] =	ssyncadd.s32 $0xFFFFC000  }
0x50: {  	[spmem:s2] =	stream.indirect.scatter.add.f32 [tilespmem:s22], [sflag:$0x4], $0x80, s31, s21, $0xb8;
	[tilespmem:$0x1E800] =	vst v63  }
0x51: {  	_ =	swait.ge [sflag:s19], $0x4000  }
0x52: {  	[sflag:s19] =	ssyncset.done $0x0  }
0x53: {  	s31 =	sadd.s32 $0x100, s0;
	[sflag:s19] =	ssyncadd.s32 $0xFFFFC000  }
0x54: {  	[tilespmem:s22], [sflag:$0x1] =	stream.indirect.gather [hbm4b:s4+s21], $0x80, s31, s21, $0xb8;
	[tilespmem:$0x1E800] =	vst v63  }
0x55: {  	_ =	swait.ge [sflag:s26], $0x4000  }
0x56: {  	[sflag:s26] =	ssyncset.done $0x0  }
.Ltmp3:
0x57: {  	s31 =	sadd.s32 $0x1480, s0;
	[sflag:s26] =	ssyncadd.s32 $0xFFFFC000;
	(pc) =	sbr.rel @p1 .LBB2_8-.Ltmp3, $4  }
0x58: {  	[spmem:s2] =	stream.indirect.scatter.add.f32 [tilespmem:s23], [sflag:$0x4], $0x80, s31, s21, $0xb8;
	[tilespmem:$0x1E800] =	vst v63  }
0x59: {  	_ =	swait.ge [sflag:s19], $0x4000  }
0x5a: {  	[sflag:s19] =	ssyncset.done $0x0  }
0x5b: {  	s31 =	sadd.s32 $0x180, s0;
	[sflag:s19] =	ssyncadd.s32 $0xFFFFC000  }
0x5c: {  	[tilespmem:s23], [sflag:$0x2] =	stream.indirect.gather [hbm4b:s4+s21], $0x80, s31, s21, $0xb8;
	[tilespmem:$0x1E800] =	vst v63  }
0x5d: {  	_ =	swait.ge [sflag:s25], $0x4000  }
0x5e: {  	[sflag:s25] =	ssyncset.done $0x0  }
0x5f: {  	[sflag:s25] =	ssyncadd.s32 $0xFFFFC000  }
0x60: {  	[spmem:s2] =	stream.indirect.scatter.add.f32 [tilespmem:s22], [sflag:$0x4], $0x80, s28, s21, $0xb8;
	[tilespmem:$0x1E800] =	vst v63  }
0x61: {  	_ =	swait.ge [sflag:s19], $0x4000  }
0x62: {  	[sflag:s19] =	ssyncset.done $0x0  }
0x63: {  	[sflag:s19] =	ssyncadd.s32 $0xFFFFC000  }
0x64: {  	_ =	swait.ge [sflag:s26], $0x4000  }
0x65: {  	[sflag:s26] =	ssyncset.done $0x0  }
0x66: {  	[sflag:s26] =	ssyncadd.s32 $0xFFFFC000  }
0x67: {  	[spmem:s2] =	stream.indirect.scatter.add.f32 [tilespmem:s23], [sflag:$0x4], $0x80, s29, s21, $0xb8;
	[tilespmem:$0x1E800] =	vst v63  }
0x68: {  	_ =	swait.ge [sflag:s19], $0x4000  }
0x69: {  	[sflag:s19] =	ssyncset.done $0x0  }
0x6a: {  	s0 =	simm.s32 $0x0;
	[sflag:s19] =	ssyncadd.s32 $0xFFFFC000  }
0x6b: {  	[tilespmem:s0], [sflag:$0x4] =	stream.linear.gather [hbm4b:s14+s0], $0x1400, $0x38;
	[tilespmem:$0x1E800] =	vst v63  }
0x6c: {  	_ =	swait.ge [sflag:s19], $0x1400  }
0x6d: {  	[sflag:s19] =	ssyncset.done $0x0  }
0x6e: {  	[sflag:s19] =	ssyncadd.s32 $0xFFFFEC00  }
0x6f: {  	[tilespmem:s20], [sflag:$0x4] =	stream.linear.gather [hbm4b:s15+s0], $0x1400, $0x38;
	[tilespmem:$0x1E800] =	vst v63  }
0x70: {  	_ =	swait.ge [sflag:s19], $0x1400  }
0x71: {  	[sflag:s19] =	ssyncset.done $0x0  }
0x72: {  	[sflag:s19] =	ssyncadd.s32 $0xFFFFEC00  }
0x73: {  	[tilespmem:s22], [sflag:$0x1] =	stream.indirect.gather [hbm4b:s4+s21], $0x80, s0, s21, $0xb8;
	[tilespmem:$0x1E800] =	vst v63  }
0x74: {  	_ = 	snop  }
0x75: {  	[tilespmem:s23], [sflag:$0x2] =	stream.indirect.gather [hbm4b:s4+s21], $0x80, s21, s21, $0xb8;
	[tilespmem:$0x1E800] =	vst v63  }
0x76: {  	_ =	swait.ge [sflag:s25], $0x4000  }
0x77: {  	[sflag:s25] =	ssyncset.done $0x0  }
0x78: {  	s0 =	simm.s32 $0x1400;
	[sflag:s25] =	ssyncadd.s32 $0xFFFFC000  }
0x79: {  	[spmem:s2] =	stream.indirect.scatter.add.f32 [tilespmem:s22], [sflag:$0x4], $0x80, s0, s21, $0xb8;
	[tilespmem:$0x1E800] =	vst v63  }
0x7a: {  	_ =	swait.ge [sflag:s19], $0x4000  }
0x7b: {  	[sflag:s19] =	ssyncset.done $0x0  }
0x7c: {  	s0 =	simm.s32 $0x100;
	[sflag:s19] =	ssyncadd.s32 $0xFFFFC000  }
0x7d: {  	[tilespmem:s22], [sflag:$0x1] =	stream.indirect.gather [hbm4b:s4+s21], $0x80, s0, s21, $0xb8;
	[tilespmem:$0x1E800] =	vst v63  }
0x7e: {  	_ =	swait.ge [sflag:s26], $0x4000  }
0x7f: {  	[sflag:s26] =	ssyncset.done $0x0  }
0x80: {  	s0 =	simm.s32 $0x1480;
	[sflag:s26] =	ssyncadd.s32 $0xFFFFC000  }
0x81: {  	[spmem:s2] =	stream.indirect.scatter.add.f32 [tilespmem:s23], [sflag:$0x4], $0x80, s0, s21, $0xb8;
	[tilespmem:$0x1E800] =	vst v63  }
0x82: {  	_ =	swait.ge [sflag:s19], $0x4000  }
0x83: {  	[sflag:s19] =	ssyncset.done $0x0  }
0x84: {  	s30 =	simm.s32 $0x400;
	s31 =	simm.s32 $0x180;
	[sflag:s19] =	ssyncadd.s32 $0xFFFFC000  }
.LBB2_10:
0x85: {  	[tilespmem:s23], [sflag:$0x2] =	stream.indirect.gather [hbm4b:s4+s21], $0x80, s31, s21, $0xb8;
	[tilespmem:$0x1E800] =	vst v63  }
0x86: {  	s0 =	smov.u32 s30  }
0x87: {  	p1 =	sne.s32 s30, $0x4800;
	s30 =	sadd.s32 $0x400, s30;
	_ =	swait.ge [sflag:s25], $0x4000  }
0x88: {  	s0 =	sshra.s32 s0, $0x2;
	[sflag:s25] =	ssyncset.done $0x0  }
0x89: {  	s31 =	sadd.s32 $0x1400, s0;
	[sflag:s25] =	ssyncadd.s32 $0xFFFFC000  }
0x8a: {  	[spmem:s2] =	stream.indirect.scatter.add.f32 [tilespmem:s22], [sflag:$0x4], $0x80, s31, s21, $0xb8;
	[tilespmem:$0x1E800] =	vst v63  }
0x8b: {  	_ =	swait.ge [sflag:s19], $0x4000  }
0x8c: {  	[sflag:s19] =	ssyncset.done $0x0  }
0x8d: {  	s31 =	sadd.s32 $0x100, s0;
	[sflag:s19] =	ssyncadd.s32 $0xFFFFC000  }
0x8e: {  	[tilespmem:s22], [sflag:$0x1] =	stream.indirect.gather [hbm4b:s4+s21], $0x80, s31, s21, $0xb8;
	[tilespmem:$0x1E800] =	vst v63  }
0x8f: {  	_ =	swait.ge [sflag:s26], $0x4000  }
0x90: {  	[sflag:s26] =	ssyncset.done $0x0  }
.Ltmp4:
0x91: {  	s31 =	sadd.s32 $0x1480, s0;
	[sflag:s26] =	ssyncadd.s32 $0xFFFFC000;
	(pc) =	sbr.rel @p1 .LBB2_10-.Ltmp4, $4  }
0x92: {  	[spmem:s2] =	stream.indirect.scatter.add.f32 [tilespmem:s23], [sflag:$0x4], $0x80, s31, s21, $0xb8;
	[tilespmem:$0x1E800] =	vst v63  }
0x93: {  	_ =	swait.ge [sflag:s19], $0x4000  }
0x94: {  	[sflag:s19] =	ssyncset.done $0x0  }
0x95: {  	s31 =	sadd.s32 $0x180, s0;
	[sflag:s19] =	ssyncadd.s32 $0xFFFFC000  }
.Ltmp5:
0x96: {  	_ = 	snop;
	(pc) =	sbr.rel .LBB2_11-.Ltmp5, $1  }
0x97: {  	_ =	sdelay $0x3  }
.LBB2_2:
0x98: {  	s30 =	simm.s32 $0x0  }
0x99: {  	[tilespmem:s30], [sflag:$0x4] =	stream.linear.gather [hbm4b:s8+s30], $0x1400, $0x38;
	[tilespmem:$0x1E800] =	vst v63  }
0x9a: {  	_ =	swait.ge [sflag:s19], $0x1400  }
0x9b: {  	[sflag:s19] =	ssyncset.done $0x0  }
0x9c: {  	[sflag:s19] =	ssyncadd.s32 $0xFFFFEC00  }
0x9d: {  	[tilespmem:s20], [sflag:$0x4] =	stream.linear.gather [hbm4b:s9+s30], $0x1400, $0x38;
	[tilespmem:$0x1E800] =	vst v63  }
0x9e: {  	_ =	swait.ge [sflag:s19], $0x1400  }
0x9f: {  	[sflag:s19] =	ssyncset.done $0x0  }
0xa0: {  	[sflag:s19] =	ssyncadd.s32 $0xFFFFEC00  }
0xa1: {  	[tilespmem:s22], [sflag:$0x1] =	stream.indirect.gather [hbm4b:s4+s21], $0x80, s30, s21, $0xb8;
	[tilespmem:$0x1E800] =	vst v63  }
0xa2: {  	_ = 	snop  }
0xa3: {  	[tilespmem:s23], [sflag:$0x2] =	stream.indirect.gather [hbm4b:s4+s21], $0x80, s21, s21, $0xb8;
	[tilespmem:$0x1E800] =	vst v63  }
0xa4: {  	_ =	swait.ge [sflag:s24], $0x2800  }
0xa5: {  	[sflag:s24] =	ssyncset.done $0x0  }
0xa6: {  	[sflag:s24] =	ssyncadd.s32 $0xFFFFD800  }
0xa7: {  	[bflag:$0x0] =	sbarrier.arrive $0xFFFF  }
0xa8: {  	_ =	swait.ge [sflag:s25], $0x4000  }
0xa9: {  	[sflag:s25] =	ssyncset.done $0x0  }
0xaa: {  	s30 =	simm.s32 $0x1400;
	[sflag:s25] =	ssyncadd.s32 $0xFFFFC000  }
0xab: {  	[spmem:s2] =	stream.indirect.scatter.add.f32 [tilespmem:s22], [sflag:$0x4], $0x80, s30, s21, $0xb8;
	[tilespmem:$0x1E800] =	vst v63  }
0xac: {  	_ =	swait.ge [sflag:s19], $0x4000  }
0xad: {  	[sflag:s19] =	ssyncset.done $0x0  }
0xae: {  	s30 =	simm.s32 $0x100;
	[sflag:s19] =	ssyncadd.s32 $0xFFFFC000  }
0xaf: {  	[tilespmem:s22], [sflag:$0x1] =	stream.indirect.gather [hbm4b:s4+s21], $0x80, s30, s21, $0xb8;
	[tilespmem:$0x1E800] =	vst v63  }
0xb0: {  	_ =	swait.ge [sflag:s26], $0x4000  }
0xb1: {  	[sflag:s26] =	ssyncset.done $0x0  }
0xb2: {  	s30 =	simm.s32 $0x1480;
	[sflag:s26] =	ssyncadd.s32 $0xFFFFC000  }
0xb3: {  	[spmem:s2] =	stream.indirect.scatter.add.f32 [tilespmem:s23], [sflag:$0x4], $0x80, s30, s21, $0xb8;
	[tilespmem:$0x1E800] =	vst v63  }
0xb4: {  	_ =	swait.ge [sflag:s19], $0x4000  }
0xb5: {  	[sflag:s19] =	ssyncset.done $0x0  }
0xb6: {  	s31 =	simm.s32 $0x180;
	s30 =	simm.s32 $0x400;
	[sflag:s19] =	ssyncadd.s32 $0xFFFFC000  }
.LBB2_3:
0xb7: {  	[tilespmem:s23], [sflag:$0x2] =	stream.indirect.gather [hbm4b:s4+s21], $0x80, s31, s21, $0xb8;
	[tilespmem:$0x1E800] =	vst v63  }
0xb8: {  	s31 =	smov.u32 s30  }
0xb9: {  	p1 =	sne.s32 s30, $0x4800;
	s30 =	sadd.s32 $0x400, s30;
	_ =	swait.ge [sflag:s25], $0x4000  }
0xba: {  	s31 =	sshra.s32 s31, $0x2;
	[sflag:s25] =	ssyncset.done $0x0  }
0xbb: {  	s0 =	sadd.s32 $0x1400, s31;
	[sflag:s25] =	ssyncadd.s32 $0xFFFFC000  }
0xbc: {  	[spmem:s2] =	stream.indirect.scatter.add.f32 [tilespmem:s22], [sflag:$0x4], $0x80, s0, s21, $0xb8;
	[tilespmem:$0x1E800] =	vst v63  }
0xbd: {  	_ =	swait.ge [sflag:s19], $0x4000  }
0xbe: {  	[sflag:s19] =	ssyncset.done $0x0  }
0xbf: {  	s0 =	sadd.s32 $0x100, s31;
	[sflag:s19] =	ssyncadd.s32 $0xFFFFC000  }
0xc0: {  	[tilespmem:s22], [sflag:$0x1] =	stream.indirect.gather [hbm4b:s4+s21], $0x80, s0, s21, $0xb8;
	[tilespmem:$0x1E800] =	vst v63  }
0xc1: {  	_ =	swait.ge [sflag:s26], $0x4000  }
0xc2: {  	[sflag:s26] =	ssyncset.done $0x0  }
.Ltmp6:
0xc3: {  	s0 =	sadd.s32 $0x1480, s31;
	[sflag:s26] =	ssyncadd.s32 $0xFFFFC000;
	(pc) =	sbr.rel @p1 .LBB2_3-.Ltmp6, $4  }
0xc4: {  	[spmem:s2] =	stream.indirect.scatter.add.f32 [tilespmem:s23], [sflag:$0x4], $0x80, s0, s21, $0xb8;
	[tilespmem:$0x1E800] =	vst v63  }
0xc5: {  	_ =	swait.ge [sflag:s19], $0x4000  }
0xc6: {  	[sflag:s19] =	ssyncset.done $0x0  }
0xc7: {  	s31 =	sadd.s32 $0x180, s31;
	[sflag:s19] =	ssyncadd.s32 $0xFFFFC000  }
0xc8: {  	[tilespmem:s23], [sflag:$0x2] =	stream.indirect.gather [hbm4b:s4+s21], $0x80, s31, s21, $0xb8;
	[tilespmem:$0x1E800] =	vst v63  }
0xc9: {  	_ =	swait.ge [sflag:s25], $0x4000  }
0xca: {  	[sflag:s25] =	ssyncset.done $0x0  }
0xcb: {  	[sflag:s25] =	ssyncadd.s32 $0xFFFFC000  }
0xcc: {  	[spmem:s2] =	stream.indirect.scatter.add.f32 [tilespmem:s22], [sflag:$0x4], $0x80, s28, s21, $0xb8;
	[tilespmem:$0x1E800] =	vst v63  }
0xcd: {  	_ =	swait.ge [sflag:s19], $0x4000  }
0xce: {  	[sflag:s19] =	ssyncset.done $0x0  }
0xcf: {  	[sflag:s19] =	ssyncadd.s32 $0xFFFFC000  }
0xd0: {  	_ =	swait.ge [sflag:s26], $0x4000  }
0xd1: {  	[sflag:s26] =	ssyncset.done $0x0  }
0xd2: {  	[sflag:s26] =	ssyncadd.s32 $0xFFFFC000  }
0xd3: {  	[spmem:s2] =	stream.indirect.scatter.add.f32 [tilespmem:s23], [sflag:$0x4], $0x80, s29, s21, $0xb8;
	[tilespmem:$0x1E800] =	vst v63  }
0xd4: {  	_ =	swait.ge [sflag:s19], $0x4000  }
0xd5: {  	[sflag:s19] =	ssyncset.done $0x0  }
0xd6: {  	s0 =	simm.s32 $0x0;
	[sflag:s19] =	ssyncadd.s32 $0xFFFFC000  }
0xd7: {  	[tilespmem:s0], [sflag:$0x4] =	stream.linear.gather [hbm4b:s10+s0], $0x1400, $0x38;
	[tilespmem:$0x1E800] =	vst v63  }
0xd8: {  	_ =	swait.ge [sflag:s19], $0x1400  }
0xd9: {  	[sflag:s19] =	ssyncset.done $0x0  }
0xda: {  	[sflag:s19] =	ssyncadd.s32 $0xFFFFEC00  }
0xdb: {  	[tilespmem:s20], [sflag:$0x4] =	stream.linear.gather [hbm4b:s11+s0], $0x1400, $0x38;
	[tilespmem:$0x1E800] =	vst v63  }
0xdc: {  	_ =	swait.ge [sflag:s19], $0x1400  }
0xdd: {  	[sflag:s19] =	ssyncset.done $0x0  }
0xde: {  	[sflag:s19] =	ssyncadd.s32 $0xFFFFEC00  }
0xdf: {  	[tilespmem:s22], [sflag:$0x1] =	stream.indirect.gather [hbm4b:s4+s21], $0x80, s0, s21, $0xb8;
	[tilespmem:$0x1E800] =	vst v63  }
0xe0: {  	_ = 	snop  }
0xe1: {  	[tilespmem:s23], [sflag:$0x2] =	stream.indirect.gather [hbm4b:s4+s21], $0x80, s21, s21, $0xb8;
	[tilespmem:$0x1E800] =	vst v63  }
0xe2: {  	_ =	swait.ge [sflag:s25], $0x4000  }
0xe3: {  	[sflag:s25] =	ssyncset.done $0x0  }
0xe4: {  	s0 =	simm.s32 $0x1400;
	[sflag:s25] =	ssyncadd.s32 $0xFFFFC000  }
0xe5: {  	[spmem:s2] =	stream.indirect.scatter.add.f32 [tilespmem:s22], [sflag:$0x4], $0x80, s0, s21, $0xb8;
	[tilespmem:$0x1E800] =	vst v63  }
0xe6: {  	_ =	swait.ge [sflag:s19], $0x4000  }
0xe7: {  	[sflag:s19] =	ssyncset.done $0x0  }
0xe8: {  	s0 =	simm.s32 $0x100;
	[sflag:s19] =	ssyncadd.s32 $0xFFFFC000  }
0xe9: {  	[tilespmem:s22], [sflag:$0x1] =	stream.indirect.gather [hbm4b:s4+s21], $0x80, s0, s21, $0xb8;
	[tilespmem:$0x1E800] =	vst v63  }
0xea: {  	_ =	swait.ge [sflag:s26], $0x4000  }
0xeb: {  	[sflag:s26] =	ssyncset.done $0x0  }
0xec: {  	s0 =	simm.s32 $0x1480;
	[sflag:s26] =	ssyncadd.s32 $0xFFFFC000  }
0xed: {  	[spmem:s2] =	stream.indirect.scatter.add.f32 [tilespmem:s23], [sflag:$0x4], $0x80, s0, s21, $0xb8;
	[tilespmem:$0x1E800] =	vst v63  }
0xee: {  	_ =	swait.ge [sflag:s19], $0x4000  }
0xef: {  	[sflag:s19] =	ssyncset.done $0x0  }
0xf0: {  	s30 =	simm.s32 $0x400;
	s31 =	simm.s32 $0x180;
	[sflag:s19] =	ssyncadd.s32 $0xFFFFC000  }
.LBB2_5:
0xf1: {  	[tilespmem:s23], [sflag:$0x2] =	stream.indirect.gather [hbm4b:s4+s21], $0x80, s31, s21, $0xb8;
	[tilespmem:$0x1E800] =	vst v63  }
0xf2: {  	s0 =	smov.u32 s30  }
0xf3: {  	p1 =	seq.s32 s30, $0x4800;
	s30 =	sadd.s32 $0x400, s30;
	_ =	swait.ge [sflag:s25], $0x4000  }
0xf4: {  	s0 =	sshra.s32 s0, $0x2;
	[sflag:s25] =	ssyncset.done $0x0  }
0xf5: {  	s31 =	sadd.s32 $0x1400, s0;
	[sflag:s25] =	ssyncadd.s32 $0xFFFFC000  }
0xf6: {  	[spmem:s2] =	stream.indirect.scatter.add.f32 [tilespmem:s22], [sflag:$0x4], $0x80, s31, s21, $0xb8;
	[tilespmem:$0x1E800] =	vst v63  }
0xf7: {  	_ =	swait.ge [sflag:s19], $0x4000  }
0xf8: {  	[sflag:s19] =	ssyncset.done $0x0  }
0xf9: {  	s31 =	sadd.s32 $0x100, s0;
	[sflag:s19] =	ssyncadd.s32 $0xFFFFC000  }
0xfa: {  	[tilespmem:s22], [sflag:$0x1] =	stream.indirect.gather [hbm4b:s4+s21], $0x80, s31, s21, $0xb8;
	[tilespmem:$0x1E800] =	vst v63  }
0xfb: {  	_ =	swait.ge [sflag:s26], $0x4000  }
0xfc: {  	[sflag:s26] =	ssyncset.done $0x0  }
.Ltmp7:
0xfd: {  	s31 =	sadd.s32 $0x1480, s0;
	[sflag:s26] =	ssyncadd.s32 $0xFFFFC000;
	(pc) =	sbr.rel @!p1 .LBB2_5-.Ltmp7, $4  }
0xfe: {  	[spmem:s2] =	stream.indirect.scatter.add.f32 [tilespmem:s23], [sflag:$0x4], $0x80, s31, s21, $0xb8;
	[tilespmem:$0x1E800] =	vst v63  }
0xff: {  	_ =	swait.ge [sflag:s19], $0x4000  }
0x100: {  	[sflag:s19] =	ssyncset.done $0x0  }
0x101: {  	s31 =	sadd.s32 $0x180, s0;
	[sflag:s19] =	ssyncadd.s32 $0xFFFFC000  }
.Ltmp8:
0x102: {  	(pc) =	sbr.rel .LBB2_12-.Ltmp8, $2  }
0x103: {  	_ =	sdelay $0x2  }
0x104: {  	[tilespmem:s23], [sflag:$0x2] =	stream.indirect.gather [hbm4b:s4+s21], $0x80, s31, s21, $0xb8;
	[tilespmem:$0x1E800] =	vst v63  }
.LBB2_13:
0x105: {  	_ =	sfence.sel $0x180000  }
0x106: {  	[bflag:$0x0] =	sbarrier.arrive $0xFFFF  }
0x107: {  	_ =	strace $0x9000004D  }
0x108: {  	[bflag:$0x2] =	sbarrier.arrive $0xFFFF  }
0x109: {  	p0 =	sne.s32 s1, $0x0;
	s0 =	rddreg [dreg:$0x3]  }
0x10a: {  	s0 =	sadd.s32 @!p0 $0x100000, s0  }
0x10b: {  	[sflag:s0] =	ssyncadd.tile.s32 @!p0 $0x1;
	_ =	shalt  }
.Lfunc_end2:
_tile_overlayer_lowered:
.L_overlay_start_2:
0x10c: {  	(tag) =	ssettag $0x2  }
0x10d: {  	s0 =	rddreg [dreg:$0x0];
	s2 =	stileid.u32  }
0x10e: {  	s1 =	rddreg [dreg:$0x1];
	p0 =	sne.s32 s2, $0x0  }
0x10f: {  	s3 =	rddreg [dreg:$0x2];
	[bflag:$0x3] =	sbarrier.arrive $0xFFFF;
	s2 =	simm.s32 @!p0 $0x1C04  }
0x110: {  	[timem:s3], [sflag:s2] =	dma.local @!p0 [hbm:s0], s1  }
0x111: {  	s0 =	simm.s32 @!p0 $0x4  }
0x112: {  	_ =	swait.ge @!p0 [sflag:s0], s1  }
0x113: {  	s1 =	ssub.s32 @!p0 $0x0, s1;
	[sflag:s0] =	ssyncset.done @!p0 $0x0  }
0x114: {  	[sflag:s0] =	ssyncadd.s32 @!p0 s1  }
0x115: {  	[bflag:$0x3] =	sbarrier.arrive $0xFFFF  }
0x116: {  	_ =	shalt  }

// kernel: kernel.8.cloned.1.call-start
scs
__scs_entry_jumppad:
0x0: {  	(pc) =	sbr.rel $0x88, $3  }
0x1: {  	(tag) =	ssettag $0x0;
	lr =	simm.s32 $0x1  }
0x2: {  	[smem:$0x3F9B] =	sst lr;
	_ =	strace $0xD0000000  }
0x3: {  	_ = 	snop  }
0x4: {  	_ = 	snop  }
0x5: {  	_ = 	snop  }
0x6: {  	_ = 	snop  }
0x7: {  	_ = 	snop  }
__scs_overlays_trampoline_lowered:
0x8: {  	[smem:$0x3FAA] =	sst s0  }
0x9: {  	[smem:$0x3FAB] =	sst s1  }
0xa: {  	[smem:$0x3FAC] =	sst s2  }
0xb: {  	[smem:$0x3FAD] =	sst s3  }
0xc: {  	[smem:$0x3FAE] =	sst s4  }
0xd: {  	[smem:$0x3FAF] =	sst s5  }
0xe: {  	[smem:$0x3FB0] =	sst s6  }
0xf: {  	[smem:$0x3FB1] =	sst s7  }
0x10: {  	[smem:$0x3FB2] =	sst s8  }
0x11: {  	[smem:$0x3FB3] =	sst s9;
	s0 =	simm.s32 @!p0 $0x0  }
0x12: {  	s1 =	sld [smem:$0x3F99];
	s0 =	simm.s32 @p0 $0x1  }
0x13: {  	[smem:$0x3FB4] =	sst s0;
	s0 =	simm.s32 @!p1 $0x0  }
0x14: {  	s2 =	sld [smem:$0x3F98];
	s0 =	simm.s32 @p1 $0x1  }
0x15: {  	[smem:$0x3FB5] =	sst s0;
	s0 =	simm.s32 @!p2 $0x0  }
0x16: {  	s3 =	sld [smem:$0x3FDB];
	s0 =	simm.s32 @p2 $0x1  }
0x17: {  	s4 =	simm.s32 $0x1BF5;
	[smem:$0x3FB7] =	sst s0  }
0x18: {  	s0 =	sld [smem:$0x3F9A];
	_ =	swait.ge [sflag:s4], $0x0  }
0x19: {  	s7 =	sld [smem:$0x3F9B]  }
0x1a: {  	s8 =	sadd.s32 $0xFFFFE003, lr  }
0x1b: {  	s9 =	sadd.s32 $0xFFFFFEF7, lr;
	s5 =	simm.s32 $0xFFFFFFFF;
	p2 =	slt.u32 s8, $0xFFFFF086  }
0x1c: {  	p1 =	slt.u32 s9, $0xF7A;
	s5 =	simm.s32 @!p2 $0x0  }
0x1d: {  	s5 =	simm.s32 @p1 $0x1;
	p0 =	seq.s32 s7, s2  }
0x1e: {  	s7 =	smul.u32 @!p0 $0xF7A, s2;
	p2 =	seq.s32 @!p0 s5, $0x0  }
0x1f: {  	s9 =	smul.u32 $0xF7A, s1;
	s8 =	simm.s32 @!p0 $0x1BF5;
	p2 =	por !p2, p0  }
0x20: {  	[sflag:s8] =	ssyncset.s32 @!p0 $0xFFFFF086;
	s6 =	sadd.s32 @!p0 s3, s7;
	s7 =	simm.s32 @!p0 $0x108  }
0x21: {  	s3 =	sadd.s32 s3, s9;
	s6 =	sadd.s32 @!p0 $0x88, s6;
	s7 =	simm.s32 @p2 $0x1082  }
0x22: {  	[simem:s7], [sflag:s8] =	dma.local @!p0 [hbm:s6], $0xF7A  }
0x23: {  	s9 =	sor.u32 $0xD0000000, s2;
	s6 =	simm.s32 $0x108;
	_ =	swait.ge @!p0 [sflag:s8], $0x0  }
0x24: {  	s3 =	sadd.s32 $0x88, s3;
	s6 =	simm.s32 @!p1 $0x1082;
	[sflag:s4] =	ssyncset.s32 $0xFFFFF086  }
0x25: {  	[simem:s6], [sflag:s4] =	dma.local [hbm:s3], $0xF7A  }
0x26: {  	[smem:$0x3F9B] =	sst s1;
	(tag) =	ssettag s2;
	_ =	strace s9  }
0x27: {  	s1 =	sld [smem:$0x3FAB]  }
0x28: {  	s2 =	sld [smem:$0x3FAC]  }
0x29: {  	s4 =	sld [smem:$0x3FAE]  }
0x2a: {  	p0 =	seq.s32 s5, $0x0;
	s5 =	sld [smem:$0x3FAF]  }
0x2b: {  	s6 =	sld [smem:$0x3FB0]  }
0x2c: {  	s7 =	sld [smem:$0x3FB1]  }
0x2d: {  	s3 =	simm.s32 $0x108;
	s8 =	sld [smem:$0x3FB2]  }
0x2e: {  	s3 =	simm.s32 @!p0 $0x1082;
	s9 =	sld [smem:$0x3FB3]  }
0x2f: {  	lr =	sadd.s32 s0, s3;
	s0 =	sld [smem:$0x3FAA]  }
0x30: {  	s3 =	sld [smem:$0x3FAD]  }
0x31: {  	[smem:$0x3FB6] =	sst s10  }
0x32: {  	s10 =	sld [smem:$0x3FB4];
	_ =	sdelay $0x3  }
0x33: {  	p0 =	seq.s32 s10, $0x1;
	s10 =	sld [smem:$0x3FB6];
	_ =	sdelay $0x3  }
0x34: {  	[smem:$0x3FB6] =	sst s10  }
0x35: {  	s10 =	sld [smem:$0x3FB5];
	_ =	sdelay $0x3  }
0x36: {  	p1 =	seq.s32 s10, $0x1;
	s10 =	sld [smem:$0x3FB6];
	_ =	sdelay $0x3  }
0x37: {  	[smem:$0x3FB6] =	sst s10  }
0x38: {  	s10 =	sld [smem:$0x3FB7]  }
0x39: {  	_ = 	snop;
	(pc) =	sbr.ind lr, $3  }
0x3a: {  	_ = 	snop  }
0x3b: {  	_ = 	snop  }
0x3c: {  	p2 =	seq.s32 s10, $0x1;
	s10 =	sld [smem:$0x3FB6]  }
0x3d: {  	_ =	shalt  }
0x3e: {  	_ =	shalt  }
0x3f: {  	_ =	shalt  }
0x40: {  	_ =	shalt  }
0x41: {  	_ =	shalt  }
0x42: {  	_ =	shalt  }
0x43: {  	_ =	shalt  }
0x44: {  	_ =	shalt  }
0x45: {  	_ =	shalt  }
0x46: {  	_ =	shalt  }
0x47: {  	_ =	shalt  }
0x48: {  	_ =	shalt  }
0x49: {  	_ =	shalt  }
0x4a: {  	_ =	shalt  }
0x4b: {  	_ =	shalt  }
0x4c: {  	_ =	shalt  }
0x4d: {  	_ =	shalt  }
0x4e: {  	_ =	shalt  }
0x4f: {  	_ =	shalt  }
0x50: {  	_ =	shalt  }
0x51: {  	_ =	shalt  }
0x52: {  	_ =	shalt  }
0x53: {  	_ =	shalt  }
0x54: {  	_ =	shalt  }
0x55: {  	_ =	shalt  }
0x56: {  	_ =	shalt  }
0x57: {  	_ =	shalt  }
0x58: {  	_ =	shalt  }
0x59: {  	_ =	shalt  }
0x5a: {  	_ =	shalt  }
0x5b: {  	_ =	shalt  }
0x5c: {  	_ =	shalt  }
0x5d: {  	_ =	shalt  }
0x5e: {  	_ =	shalt  }
0x5f: {  	_ =	shalt  }
0x60: {  	_ =	shalt  }
0x61: {  	_ =	shalt  }
0x62: {  	_ =	shalt  }
0x63: {  	_ =	shalt  }
0x64: {  	_ =	shalt  }
0x65: {  	_ =	shalt  }
0x66: {  	_ =	shalt  }
0x67: {  	_ =	shalt  }
0x68: {  	_ =	shalt  }
0x69: {  	_ =	shalt  }
0x6a: {  	_ =	shalt  }
0x6b: {  	_ =	shalt  }
0x6c: {  	_ =	shalt  }
0x6d: {  	_ =	shalt  }
0x6e: {  	_ =	shalt  }
0x6f: {  	_ =	shalt  }
0x70: {  	_ =	shalt  }
0x71: {  	_ =	shalt  }
0x72: {  	_ =	shalt  }
0x73: {  	_ =	shalt  }
0x74: {  	_ =	shalt  }
0x75: {  	_ =	shalt  }
0x76: {  	_ =	shalt  }
0x77: {  	_ =	shalt  }
0x78: {  	_ =	shalt  }
0x79: {  	_ =	shalt  }
0x7a: {  	_ =	shalt  }
0x7b: {  	_ =	shalt  }
0x7c: {  	_ =	shalt  }
0x7d: {  	_ =	shalt  }
0x7e: {  	_ =	shalt  }
0x7f: {  	_ =	shalt  }
0x80: {  	_ =	shalt  }
0x81: {  	_ =	shalt  }
0x82: {  	_ =	shalt  }
0x83: {  	_ =	shalt  }
0x84: {  	_ =	shalt  }
0x85: {  	_ =	shalt  }
0x86: {  	_ =	shalt  }
0x87: {  	_ =	shalt  }
.Lfunc_end0:
.L_simem_size_0:
called_computation_lowered:
.L_overlay_start_0:
0x88: {  	s2 =	sld [smem:$0x3FD9]  }
0x89: {  	s3 =	sld [smem:$0x3FFE];
	_ =	sdelay $0x1  }
0x8a: {  	s1 =	srdreg.scid  }
0x8b: {  	s0 =	sand.u32 $0x1, s1  }
0x8c: {  	s17 =	sshll.u32 s0, $0xA;
	s2 =	sadd.s32 s3, s2  }
0x8d: {  	s2 =	sadd.s32 s2, s17  }
0x8e: {  	[smem:$0x3FC2] =	sst s2  }
0x8f: {  	_ = 	snop  }
0x90: {  	s2 =	sld [smem:$0x3FD0];
	(tm) =	ssettm $0x1  }
0x91: {  	s18 =	sld [smem:$0x3FFB];
	_ =	sdelay $0x3  }
0x92: {  	_ =	strace s18  }
0x93: {  	s3 =	sld [smem:$0x3FFC];
	_ =	sdelay $0x3  }
0x94: {  	_ =	strace s3  }
0x95: {  	s3 =	sld [smem:$0x3FFD];
	_ =	sdelay $0x3  }
0x96: {  	_ =	strace s3  }
0x97: {  	_ =	strace $0x8FFFFFFF  }
0x98: {  	s19 =	sld [smem:$0x3FDB];
	_ =	sdelay $0x1  }
0x99: {  	s4 =	simm.s32 $_scs_section_size  }
0x9a: {  	s5 =	simm.s32 $_size__tile_overlayer_lowered;
	s6 =	simm.s32 $_tile_overlayer_lowered  }
0x9b: {  	s22 =	simm.s32 $0x1BFF;
	s21 =	sshll.u32 s6, $0x1;
	s3 =	sadd.s32 s4, s19  }
0x9c: {  	s7 =	simm.s32 $0x0;
	s20 =	sshll.u32 s5, $0x1;
	s5 =	sadd.s32 s21, s3  }
0x9d: {  	[timem:s7], [sflag:s22] =	dma.local [hbm:s5], s20  }
0x9e: {  	_ =	swait.ge [sflag:s22], s20  }
0x9f: {  	s4 =	ssub.s32 $0x0, s20;
	[sflag:s22] =	ssyncset.done $0x0  }
0xa0: {  	[sflag:s22] =	ssyncadd.s32 s4;
	_ =	sdelay $0x1  }
0xa1: {  	s23 =	simm.s32 $0x1B8B  }
0xa2: {  	_ =	swait.ge [sflag:s23], $0x1  }
0xa3: {  	[sflag:s23] =	ssyncset.done $0x0  }
0xa4: {  	s25 =	simm.s32 $0x1B8E;
	s24 =	sld [smem:$0x3FFE];
	[sflag:s23] =	ssyncadd.s32 $0xFFFFFFFF  }
0xa5: {  	s26 =	simm.s32 $execute0_lowered;
	[smem:$0x3FD2] =	sst s25  }
0xa6: {  	s5 =	sshll.u32 s26, $0x1;
	_ =	strace $0x80000046;
	[dreg:$0x1] =	wrdreg $0xFFFFFFFF  }
0xa7: {  	s28 =	simm.s32 $_size_execute0_lowered;
	s3 =	sadd.s32 s3, s5;
	[dreg:$0x0] =	wrdreg $0x0  }
0xa8: {  	s5 =	sshll.u32 s28, $0x1;
	[dreg:$0x2] =	wrdreg s3  }
0xa9: {  	[dreg:$0x3] =	wrdreg s5  }
0xaa: {  	[dreg:$0x4] =	wrdreg $0xC0  }
0xab: {  	_ =	task [dreg:s7], $0x5FFFF  }
0xac: {  	[dreg:$0x1] =	wrdreg $0xFFFFFFFF  }
0xad: {  	[dreg:$0x0] =	wrdreg $0x60  }
0xae: {  	[dreg:$0x2] =	wrdreg s2  }
0xaf: {  	[dreg:$0x3] =	wrdreg s24  }
0xb0: {  	[dreg:$0x4] =	wrdreg $0x28800  }
0xb1: {  	[dreg:$0x5] =	wrdreg $0x9  }
0xb2: {  	_ =	task.clear_ibuf [dreg:s7], $0x6FFFF;
	_ =	strace $0x90000046  }
0xb3: {  	s29 =	simm.s32 $0x9;
	_ =	strace $0x80000048  }
0xb4: {  	_ =	swait.ge [sflag:s29], $0x1  }
0xb5: {  	[sflag:s29] =	ssyncadd.s32 $0xFFFFFFFF  }
0xb6: {  	_ =	strace $0x90000048  }
0xb7: {  	_ =	sfence  }
0xb8: {  	s30 =	sld [smem:$0x0];
	_ =	sdelay $0x2  }
0xb9: {  	s31 =	sshll.u32 s1, $0xD;
	s1 =	sshrl.u32 s1, $0x2  }
0xba: {  	s3 =	sand.u32 $0x4000, s31;
	s1 =	sadd.s32 s1, s30  }
0xbb: {  	s0 =	sor.u32 s3, s0;
	s1 =	sshll.u32 s1, $0x11  }
0xbc: {  	s0 =	sor.u32 s1, s0  }
0xbd: {  	s0 =	sadd.s32 $0x8F2B, s0  }
0xbe: {  	[sflag:s0] =	ssyncadd.remote.s32 $0x1  }
0xbf: {  	_ =	sfence.sel $0xFFFF  }
0xc0: {  	[dreg:$0x0] =	wrdreg $0xFFFFFFFF;
	(pc) =	sbr.abs _section_cstart, $3  }
0xc1: {  	[dreg:$0x1] =	wrdreg $0xFFFFFFFF  }
0xc2: {  	_ =	task.clear_ibuf [dreg:s7], $0x2FFFF;
	_ =	strace $0x9FFFFFFF  }
0xc3: {  	(tm) =	ssettm $0x7FFFFFFF  }
tec
execute0_lowered:
.L_overlay_start_1:
0x0: {  	(tag) =	ssettag $0x1  }
0x1: {  	s5 =	rddreg [dreg:$0x0]  }
0x2: {  	s6 =	rddreg [dreg:$0x1]  }
0x3: {  	s1 =	rddreg [dreg:$0x2]  }
0x4: {  	s0 =	rddreg [dreg:$0x3];
	s2 =	simm.s32 $0x0  }
0x5: {  	s3 =	srdreg.scid;
	s7 =	stileid.u32;
	s12 =	simm.s32 $0x0  }
0x6: {  	[smem:$0x7FF] =	sst s2;
	s3 =	sand.u32 $0x1, s3;
	p0 =	sne.s32 s7, $0x0  }
0x7: {  	_ =	strace $0x80000047;
	s4 =	sshll.u32 s3, $0x4;
	s8 =	smul.u32 $0x500, s3  }
0x8: {  	s9 =	ssub.s32 $0x2, s3;
	s3 =	sadd.s32 $0xD000, s6;
	s4 =	sor.u32 s7, s4  }
0x9: {  	s10 =	sshrl.u32 s9, $0x1;
	s11 =	smul.u32 $0x500, s4;
	s4 =	sadd.s32 $0xCE00, s6  }
0xa: {  	s6 =	sadd.s32 s8, s6;
	s31 =	ssub.s32 s9, s10;
	s8 =	sshrl.u32 @!p0 s1, $0x3  }
0xb: {  	s9 =	simm.s32 $0x1;
	s10 =	simm.s32 $0x2800;
	s6 =	sadd.s32 $0xD600, s6  }
0xc: {  	s7 =	smax.u32 s31, $0x1;
	s5 =	sadd.s32 s5, s11;
	s11 =	simm.s32 $0x80  }
.LBB2_1:
0xd: {  	s13 =	simm.s32 @!p0 $0x1C01  }
0xe: {  	[spmem:s8], [sflag:s13] =	dma.local @!p0 [hbm:s3], $0x500  }
0xf: {  	s13 =	simm.s32 @!p0 $0x1  }
0x10: {  	_ =	swait.ge @!p0 [sflag:s13], $0x500  }
0x11: {  	[sflag:s13] =	ssyncset.done @!p0 $0x0  }
0x12: {  	[sflag:s13] =	ssyncadd.s32 @!p0 $0xFFFFFB00  }
0x13: {  	[tilespmem:s2], [sflag:$0x1] =	stream.linear.gather [hbm4b:s5+s2], $0x2800, $0x38;
	[tilespmem:$0x2B00] =	vst v63  }
0x14: {  	_ =	swait.ge [sflag:s9], $0x2800  }
0x15: {  	[sflag:s9] =	ssyncset.done $0x0  }
0x16: {  	[sflag:s9] =	ssyncadd.s32 $0xFFFFD800  }
0x17: {  	[tilespmem:s10], [sflag:$0x1] =	stream.linear.gather [hbm4b:s4+s2], $0x80, $0x38;
	[tilespmem:$0x2B00] =	vst v63  }
0x18: {  	_ =	swait.ge [sflag:s9], $0x80  }
0x19: {  	[sflag:s9] =	ssyncset.done $0x0  }
0x1a: {  	[sflag:s9] =	ssyncadd.s32 $0xFFFFFF80  }
0x1b: {  	s31 =	simm.s32 $0x0;
	[bflag:$0x0] =	sbarrier.arrive $0xFFFF  }
0x1c: {  	[spmem:s1] =	stream.indirect.scatter.add.f32 [tilespmem:s10], [sflag:$0x1], $0x1, s31, s11, $0xb8;
	[tilespmem:$0x2B00] =	vst v63  }
0x1d: {  	_ =	swait.ge [sflag:s9], $0x80  }
0x1e: {  	s13 =	simm.s32 $0x200;
	[sflag:s9] =	ssyncset.done $0x0  }
.LBB2_2:
0x1f: {  	s14 =	sshra.s32 s13, $0x2;
	[sflag:s9] =	ssyncadd.s32 $0xFFFFFF80;
	p1 =	sne.s32 s13, $0x9E00  }
0x20: {  	[spmem:s1] =	stream.indirect.scatter.add.f32 [tilespmem:s10], [sflag:$0x1], $0x1, s14, s11, $0xb8;
	[tilespmem:$0x2B00] =	vst v63  }
.Ltmp0:
0x21: {  	_ = 	snop;
	(pc) =	sbr.rel @p1 .LBB2_2-.Ltmp0, $4  }
0x22: {  	_ = 	snop  }
0x23: {  	s13 =	sadd.s32 $0x200, s13  }
0x24: {  	_ =	swait.ge [sflag:s9], $0x80  }
0x25: {  	[sflag:s9] =	ssyncset.done $0x0  }
0x26: {  	[sflag:s9] =	ssyncadd.s32 $0xFFFFFF80;
	s12 =	sadd.s32 $0x1, s12  }
0x27: {  	s13 =	simm.s32 @!p0 $0x1C01;
	[bflag:$0x0] =	sbarrier.arrive $0xFFFF;
	p1 =	sne.s32 s12, s7  }
0x28: {  	[hbm:s6], [sflag:s13] =	dma.local @!p0 [spmem:s8], $0x500  }
.Ltmp1:
0x29: {  	_ = 	snop;
	(pc) =	sbr.rel @p1 .LBB2_1-.Ltmp1, $4  }
0x2a: {  	s13 =	simm.s32 @!p0 $0x1  }
0x2b: {  	_ =	swait.ge @!p0 [sflag:s13], $0x500  }
0x2c: {  	[sflag:s13] =	ssyncset.done @!p0 $0x0  }
0x2d: {  	[sflag:s13] =	ssyncadd.s32 @!p0 $0xFFFFFB00  }
0x2e: {  	_ =	sfence.sel $0x180000  }
0x2f: {  	[bflag:$0x0] =	sbarrier.arrive $0xFFFF  }
0x30: {  	_ =	strace $0x90000047  }
0x31: {  	s0 =	sadd.s32 @!p0 $0x100000, s0;
	[bflag:$0x2] =	sbarrier.arrive $0xFFFF  }
0x32: {  	[sflag:s0] =	ssyncadd.tile.s32 @!p0 $0x1;
	_ =	shalt  }
.Lfunc_end2:
_tile_overlayer_lowered:
.L_overlay_start_2:
0x33: {  	(tag) =	ssettag $0x2  }
0x34: {  	s0 =	rddreg [dreg:$0x0];
	s2 =	stileid.u32  }
0x35: {  	s1 =	rddreg [dreg:$0x1];
	p0 =	sne.s32 s2, $0x0  }
0x36: {  	s3 =	rddreg [dreg:$0x2];
	[bflag:$0x3] =	sbarrier.arrive $0xFFFF;
	s2 =	simm.s32 @!p0 $0x1C01  }
0x37: {  	[timem:s3], [sflag:s2] =	dma.local @!p0 [hbm:s0], s1  }
0x38: {  	s0 =	simm.s32 @!p0 $0x1  }
0x39: {  	_ =	swait.ge @!p0 [sflag:s0], s1  }
0x3a: {  	s1 =	ssub.s32 @!p0 $0x0, s1;
	[sflag:s0] =	ssyncset.done @!p0 $0x0  }
0x3b: {  	[sflag:s0] =	ssyncadd.s32 @!p0 s1  }
0x3c: {  	[bflag:$0x3] =	sbarrier.arrive $0xFFFF  }
0x3d: {  	_ =	shalt  }

</sc_bundles>
